<compile_context>
chip_gen: v7x
topology: tpu7x:2x2x1
jax: 0.10.2.dev20260603
libtpu: 0.0.44.dev20260713+nightly
codegen_flags: <defaults>
</compile_context>

<pallas_src>
import functools

import jax
import jax.numpy as jnp
import numpy as np
from jax import lax
from jax.experimental import pallas as pl
from jax.experimental.pallas import tpu as pltpu
from jax.experimental.pallas import tpu_sc as plsc

N = 9984
F = 128
G = 78
E = 319488
HC = 128
HID = 256
NCLS = 2
IN_DIM = F * (F - 1) // 2
BNC = float(1.0 / np.sqrt(1.0 + 1e-5))

NW = 32
EPW = E // NW
EV = EPW // 16
NV = N // 16


def _deg_partials_body(edge_hbm, out_hbm, idx_v, hist_v):
    c = lax.axis_index("c")
    s = lax.axis_index("s")
    w = s * 2 + c

    pltpu.sync_copy(edge_hbm.at[1, pl.ds(w * EPW, EPW)], idx_v)

    zeros = jnp.zeros((16,), jnp.float32)

    def zero_body(i, carry):
        for u in range(8):
            hist_v[pl.ds(i * 128 + u * 16, 16)] = zeros
        return carry

    lax.fori_loop(0, NV // 8, zero_body, 0)

    def hist_body(i, carry):
        for u in range(4):
            idx = idx_v[pl.ds(i * 64 + u * 16, 16)]
            cnt, last = plsc.scan_count(idx)
            plsc.addupdate_scatter(hist_v, [idx], cnt.astype(jnp.float32),
                                   mask=last)
        return carry

    lax.fori_loop(0, EV // 4, hist_body, 0)

    pltpu.sync_copy(hist_v, out_hbm.at[w])


@functools.cache
def _deg_partials():
    return pl.kernel(
        _deg_partials_body,
        out_type=jax.ShapeDtypeStruct((NW, N), jnp.float32),
        mesh=plsc.VectorSubcoreMesh(core_axis_name="c", subcore_axis_name="s"),
        scratch_types=[
            pltpu.VMEM((EPW,), jnp.int32),
            pltpu.VMEM((N,), jnp.float32),
        ],
        compiler_params=pltpu.CompilerParams(needs_layout_passes=False),
    )



_OFF = [i * (F - 1) - i * (i - 1) // 2 for i in range(F)]
WTPAD = 8192
BNPAD = 8192


def _triu_mm_body(xf_ref, w1t_ref, bnp_ref, bnb_ref, bnhb_ref,
                  vx_ref, bias_ref, w1bt_ref, w1bf_ref, wf_ref):
    w1bf_ref[...] = w1t_ref[...].astype(jnp.bfloat16)

    for i in range(F):
        if i == 0:
            wf_ref[0:F, :] = w1bf_ref[0:F, :]
            wf_ref[1:F, :] = w1bf_ref[0:F - 1, :]
        else:
            s = _OFF[i] - (i + 1)
            wf_ref[pl.ds(i * F, F), :] = w1bf_ref[pl.ds(s, F), :]

    jj = lax.broadcasted_iota(jnp.int32, (1, F), 1)
    parts = []
    for i in range(F):
        s = 8 + _OFF[i] - (i + 1)
        parts.append(jnp.where(jj > i, bnp_ref[:, pl.ds(s, F)], 0.0))
    bnf = jnp.concatenate(parts, axis=1)

    xq = (xf_ref[...] * bnf).astype(jnp.bfloat16)
    vx_ref[...] = jnp.dot(xq, wf_ref[...],
                          preferred_element_type=jnp.float32)
    bias_ref[...] = (
        jnp.dot(bnb_ref[...].astype(jnp.bfloat16), w1bf_ref[0:IN_DIM, :],
                preferred_element_type=jnp.float32)
        + jnp.dot(bnhb_ref[...].astype(jnp.bfloat16),
                  w1bf_ref[IN_DIM:, :],
                  preferred_element_type=jnp.float32))
    w1bt_ref[...] = w1bf_ref[IN_DIM:, :]


def _triu_mm(xf, w1t, bnp, bnb, bnhb):
    return pl.pallas_call(
        _triu_mm_body,
        out_shape=(jax.ShapeDtypeStruct((G, HID), jnp.float32),
                   jax.ShapeDtypeStruct((1, HID), jnp.float32),
                   jax.ShapeDtypeStruct((2 * HC, HID), jnp.bfloat16)),
        scratch_shapes=[pltpu.VMEM((IN_DIM + 2 * HC, HID), jnp.bfloat16),
                        pltpu.VMEM((F * F, HID), jnp.bfloat16)],
    )(xf, w1t, bnp, bnb, bnhb)



def _conv_pool_body(x_ref, dp_ref, w0t_ref, b0_ref, w1t_ref, b1_ref, h_ref):
    degcol = (jnp.sum(jnp.transpose(dp_ref[...]), axis=1, keepdims=True)
              + 1.0)
    a = jnp.dot(x_ref[...].astype(jnp.bfloat16), w0t_ref[...],
                preferred_element_type=jnp.float32) + b0_ref[...]
    x1 = degcol * a
    bm = jnp.dot(x1.astype(jnp.bfloat16), w1t_ref[...],
                 preferred_element_type=jnp.float32) + b1_ref[...]
    x2 = degcol * bm
    h1 = jnp.sum(x1.reshape(G, F, HC), axis=1) * (1.0 / F)
    h2 = jnp.sum(x2.reshape(G, F, HC), axis=1) * (1.0 / F)
    h_ref[...] = jnp.concatenate([h1, h2], axis=1)


def _conv_pool(x, deg_parts, w0t, b0, w1t, b1):
    return pl.pallas_call(
        _conv_pool_body,
        out_shape=jax.ShapeDtypeStruct((G, 2 * HC), jnp.float32),
    )(x, deg_parts, w0t, b0, w1t, b1)



def _mlp_tail_body(vx_ref, bias_ref, h_ref, bnh_ref, w1b_ref, g1_ref,
                   b1r_ref, be1_ref, w2t_ref, beta2_ref, w3t_ref, beta3_ref,
                   w4_ref, b4_ref, out_ref):
    hq = (h_ref[...] * bnh_ref[...]).astype(jnp.bfloat16)
    vh = jnp.dot(hq, w1b_ref[...], preferred_element_type=jnp.float32)
    beta1 = g1_ref[...] * (b1r_ref[...] + bias_ref[...]) + be1_ref[...]
    v = (vx_ref[...] + vh) * g1_ref[...] + beta1
    z1 = jnp.maximum(v, 0.0).astype(jnp.bfloat16)
    z2 = jnp.maximum(
        jnp.dot(z1, w2t_ref[...], preferred_element_type=jnp.float32)
        + beta2_ref[...], 0.0).astype(jnp.bfloat16)
    z3 = jnp.maximum(
        jnp.dot(z2, w3t_ref[...], preferred_element_type=jnp.float32)
        + beta3_ref[...], 0.0).astype(jnp.bfloat16)
    nd = (((1,), (1,)), ((), ()))
    out_ref[...] = (lax.dot_general(w4_ref[...].astype(jnp.bfloat16), z3,
                                    nd, preferred_element_type=jnp.float32)
                    + b4_ref[...])


def _mlp_tail(vx, bias, hpre, bnh, w1b, g1r, b1r, be1, w2t, beta2, w3t,
              beta3, w4, b4):
    return pl.pallas_call(
        _mlp_tail_body,
        out_shape=jax.ShapeDtypeStruct((NCLS, G), jnp.float32),
    )(vx, bias, hpre, bnh, w1b, g1r, b1r, be1, w2t, beta2, w3t, beta3,
      w4, b4)



def kernel(x, edge_index, batch, params):
    deg_parts = _deg_partials()(edge_index)

    bf = jnp.bfloat16
    c = BNC
    convs = params['convs']
    w0t = convs[0]['Wdst'].T.astype(bf)
    b0 = convs[0]['bdst'].reshape(1, HC)
    w1t = convs[1]['Wdst'].T.astype(bf)
    b1 = convs[1]['bdst'].reshape(1, HC)

    bnp = jnp.zeros((1, BNPAD), jnp.float32).at[0, 8:8 + IN_DIM].set(
        c * params['bn_g'])
    bnb = params['bn_b'].reshape(1, IN_DIM)
    bnhb = params['bnh_b'].reshape(1, 2 * HC)
    vx, bias, w1b = _triu_mm(x.reshape(G, F * F), params['W1'].T, bnp, bnb,
                             bnhb)

    hpre = _conv_pool(x, deg_parts, w0t, b0, w1t, b1)

    bnh = (c * params['bnh_g']).reshape(1, HID)
    g1r = (c * params['g1']).reshape(1, HID)
    b1r = params['b1'].reshape(1, HID)
    be1 = params['be1'].reshape(1, HID)
    w2t = (params['W2'].T * (c * params['g2'])[None, :]).astype(bf)
    beta2 = (c * params['g2'] * params['b2'] + params['be2']).reshape(1, HID // 2)
    w3t = (params['W3'].T * (c * params['g3'])[None, :]).astype(bf)
    beta3 = (c * params['g3'] * params['b3'] + params['be3']).reshape(1, HID // 2)
    b4 = params['b4'].reshape(NCLS, 1)

    return _mlp_tail(vx, bias, hpre, bnh, w1b, g1r, b1r, be1,
                     w2t, beta2, w3t, beta3, params['W4'], b4).T

# --- scband reference (transcript-rebuilt; emitter-appended) ---
"""Pipeline reference for scband-residual-gnns-with-edge-level-attention-66975720013952 (READ-ONLY COPY).

The authoritative reference and input builder live on the scoring server;
editing this copy changes nothing except your own understanding.
"""

import jax, jax.numpy as jnp
import numpy as np

N = 9984
F = 128
G = 78
E = 319488
HC = 128
L = 2
HID = 256
NC = 2
IN_DIM = F * (F - 1) // 2
IN_DIM1 = IN_DIM + HC * L

def _glorot(key, shape):
    fan_in, fan_out = shape[1], shape[0]
    lim = float(np.sqrt(6.0 / (fan_in + fan_out)))
    return jax.random.uniform(key, shape, jnp.float32, -lim, lim)

def setup_inputs(seed: int = 0):
    key = jax.random.key(seed)
    ks = jax.random.split(key, 8)
    x = jax.random.normal(ks[0], (N, F), dtype=jnp.float32)
    rows = jnp.arange(N)
    x = x.at[rows, rows % F].set(0.0)  # zero per-graph diagonal so triu-nonzero count == F*(F-1)/2
    edge_index = jax.random.randint(ks[1], (2, E), 0, N, dtype=jnp.int32)
    batch = (jnp.arange(N, dtype=jnp.int32) // F).astype(jnp.int32)
    convs = []
    for l in range(L):
        k = jax.random.fold_in(ks[2], l)
        k1, k2, k3 = jax.random.split(k, 3)
        convs.append({'Wsrc': _glorot(k1, (HC, F)), 'bsrc': jnp.zeros((HC,), jnp.float32),
                      'Wdst': _glorot(k2, (HC, F)), 'bdst': jnp.zeros((HC,), jnp.float32),
                      'Watt': _glorot(k3, (1, 2 * HC)), 'batt': jnp.zeros((1,), jnp.float32)})
    params = {'convs': convs,
              'bn_g': jnp.ones((IN_DIM,), jnp.float32), 'bn_b': jnp.zeros((IN_DIM,), jnp.float32),
              'bnh_g': jnp.ones((HC * L,), jnp.float32), 'bnh_b': jnp.zeros((HC * L,), jnp.float32),
              'W1': _glorot(ks[3], (HID, IN_DIM1)), 'b1': jnp.zeros((HID,), jnp.float32),
              'g1': jnp.ones((HID,), jnp.float32), 'be1': jnp.zeros((HID,), jnp.float32),
              'W2': _glorot(ks[4], (HID // 2, HID)), 'b2': jnp.zeros((HID // 2,), jnp.float32),
              'g2': jnp.ones((HID // 2,), jnp.float32), 'be2': jnp.zeros((HID // 2,), jnp.float32),
              'W3': _glorot(ks[5], (HID // 2, HID // 2)), 'b3': jnp.zeros((HID // 2,), jnp.float32),
              'g3': jnp.ones((HID // 2,), jnp.float32), 'be3': jnp.zeros((HID // 2,), jnp.float32),
              'W4': _glorot(ks[6], (NC, HID // 2)), 'b4': jnp.zeros((NC,), jnp.float32)}
    return {'x': x, 'edge_index': edge_index, 'batch': batch, 'params': params}

def _bn_eval(v, g, b):
    # eval-mode BatchNorm1d with running_mean=0, running_var=1, eps=1e-5
    return g * v * (1.0 / np.sqrt(1.0 + 1e-5)) + b

def _conv(x, p, src, dst):
    x_src = x @ p['Wsrc'].T + p['bsrc']
    x_dst = x @ p['Wdst'].T + p['bdst']
    x_j = x_src[src]
    x_i = x_dst[dst]
    logits = jnp.concatenate([x_i, x_j], axis=-1) @ p['Watt'].T + p['batt']
    alpha = jax.nn.softmax(logits, axis=1)  # heads=1 -> alpha == 1
    msg = x_i * alpha
    return jax.ops.segment_sum(msg, dst, num_segments=N)

def _forward(x, params, src, dst, batch):
    xs = [x]
    for p in params['convs']:
        xs.append(_conv(xs[-1], p, src, dst))
    iu0, iu1 = np.triu_indices(F, k=1)
    flat = xs[0].reshape(G, F, F)[:, iu0, iu1]
    xb = _bn_eval(flat, params['bn_g'], params['bn_b'])
    counts = jax.ops.segment_sum(jnp.ones((N, 1), jnp.float32), batch, num_segments=G)
    hs = [jax.ops.segment_sum(xl, batch, num_segments=G) / counts for xl in xs[1:]]
    h = _bn_eval(jnp.concatenate(hs, axis=1), params['bnh_g'], params['bnh_b'])
    z = jnp.concatenate([xb, h], axis=1)
    z = jax.nn.relu(_bn_eval(z @ params['W1'].T + params['b1'], params['g1'], params['be1']))
    z = jax.nn.relu(_bn_eval(z @ params['W2'].T + params['b2'], params['g2'], params['be2']))
    z = jax.nn.relu(_bn_eval(z @ params['W3'].T + params['b3'], params['g3'], params['be3']))
    return z @ params['W4'].T + params['b4']

def reference(x, edge_index, batch, params):
    loops = jnp.arange(N, dtype=edge_index.dtype)
    src = jnp.concatenate([edge_index[0], loops])
    dst = jnp.concatenate([edge_index[1], loops])
    return _forward(x, params, src, dst, batch)

if __name__ == "__main__":
    import jax
    _d = setup_inputs()
    print(jax.jit(kernel)(*tuple(_d.values())))

</pallas_src>

<mosaic_0001>
#map = affine_map<(d0, d1) -> (0, 0)>
module attributes {stable_mosaic.version = 14 : i64} {
  func.func @_deg_partials_body(%arg0: i32, %arg1: i32, %arg2: memref<2x319488xi32, #tpu.memory_space<hbm>>, %arg3: memref<32x9984xf32, #tpu.memory_space<hbm>>, %arg4: memref<9984xi32, #tpu.memory_space<vmem>>, %arg5: memref<9984xf32, #tpu.memory_space<vmem>>) attributes {dimension_semantics = [#tpu.dimension_semantics<core_parallel>, #tpu.dimension_semantics<subcore_parallel>], iteration_bounds = array<i64: 2, 16>, scalar_prefetch = 0 : i64, scratch_operands = 2 : i64, tpu.core_type = #tpu.core_type<sc_vector_subcore>, window_params = [{transform_indices = #map}, {transform_indices = #map}]} {
    %mul3A = arith.constant 2 : i32
    %mul3A_0 = arith.muli %arg1, %mul3A : i32
    %add3A = arith.addi %mul3A_0, %arg0 : i32
    %mul3A_1 = arith.constant 9984 : i32
    %mul3A_2 = arith.muli %add3A, %mul3A_1 : i32
    %run_scoped3A = arith.constant 1 : i32
    "tpu.region"() ({
      %run_scoped3A_15 = tpu.sem_alloc : memref<!tpu.dma_semaphore, #tpu.memory_space<semaphore_mem>>
      %dma_start3A = tpu.memref_slice %arg2[%run_scoped3A, %mul3A_2] : memref<2x319488xi32, #tpu.memory_space<hbm>> -> memref<1x9984xi32, #tpu.memory_space<hbm>>
      %dma_start3A_16 = tpu.memref_squeeze %dma_start3A : memref<1x9984xi32, #tpu.memory_space<hbm>> -> memref<9984xi32, #tpu.memory_space<hbm>>
      %dma_start3A_17 = tpu.memref_slice %arg2[%run_scoped3A, %mul3A_2] : memref<2x319488xi32, #tpu.memory_space<hbm>> -> memref<1x9984xi32, #tpu.memory_space<hbm>>
      %dma_start3A_18 = tpu.memref_squeeze %dma_start3A_17 : memref<1x9984xi32, #tpu.memory_space<hbm>> -> memref<9984xi32, #tpu.memory_space<hbm>>
      tpu.enqueue_dma source(%dma_start3A_18 : memref<9984xi32, #tpu.memory_space<hbm>>) target(%arg4 : memref<9984xi32, #tpu.memory_space<vmem>>) target_semaphore(%run_scoped3A_15 : memref<!tpu.dma_semaphore, #tpu.memory_space<semaphore_mem>>)
      %dma_wait3A = tpu.memref_slice %arg2[%run_scoped3A, %mul3A_2] : memref<2x319488xi32, #tpu.memory_space<hbm>> -> memref<1x9984xi32, #tpu.memory_space<hbm>>
      %dma_wait3A_19 = tpu.memref_squeeze %dma_wait3A : memref<1x9984xi32, #tpu.memory_space<hbm>> -> memref<9984xi32, #tpu.memory_space<hbm>>
      %dma_wait3A_20 = tpu.memref_slice %arg2[%run_scoped3A, %mul3A_2] : memref<2x319488xi32, #tpu.memory_space<hbm>> -> memref<1x9984xi32, #tpu.memory_space<hbm>>
      %dma_wait3A_21 = tpu.memref_squeeze %dma_wait3A_20 : memref<1x9984xi32, #tpu.memory_space<hbm>> -> memref<9984xi32, #tpu.memory_space<hbm>>
      tpu.wait_dma2 semaphore(%run_scoped3A_15 : memref<!tpu.dma_semaphore, #tpu.memory_space<semaphore_mem>>) src(%dma_wait3A_21 : memref<9984xi32, #tpu.memory_space<hbm>>) dst(%arg4 : memref<9984xi32, #tpu.memory_space<vmem>>)
      tpu.yield
    }) : () -> ()
    %broadcast_in_dim3A = arith.constant 0.000000e+00 : f32
    %broadcast_in_dim3A_3 = vector.broadcast %broadcast_in_dim3A : f32 to vector<16xf32>
    %scan3A = arith.constant 0 : i32
    %scan3A_4 = arith.constant 0 : i32
    %scan3A_5 = arith.constant 78 : i32
    %scan3A_6 = arith.addi %scan3A_4, %scan3A_5 : i32
    %scan3A_7 = arith.constant 1 : i32
    scf.for %scan3A_15 = %scan3A_4 to %scan3A_6 step %scan3A_7  : i32 {
      %mul3A_16 = arith.constant 128 : i32
      %mul3A_17 = arith.muli %scan3A_15, %mul3A_16 : i32
      %add3A_18 = arith.constant 0 : i32
      %add3A_19 = arith.addi %mul3A_17, %add3A_18 : i32
      %swap3A = arith.index_cast %add3A_19 : i32 to index
      %swap3A_20 = tpu.vector_load %arg5[%swap3A] {strides = array<i32>} : memref<9984xf32, #tpu.memory_space<vmem>>, vector<16xf32>,
      tpu.vector_store %arg5[%swap3A], %broadcast_in_dim3A_3 {strides = array<i32>} : memref<9984xf32, #tpu.memory_space<vmem>>, vector<16xf32>,
      %mul3A_21 = arith.constant 128 : i32
      %mul3A_22 = arith.muli %scan3A_15, %mul3A_21 : i32
      %add3A_23 = arith.constant 16 : i32
      %add3A_24 = arith.addi %mul3A_22, %add3A_23 : i32
      %swap3A_25 = arith.index_cast %add3A_24 : i32 to index
      %swap3A_26 = tpu.vector_load %arg5[%swap3A_25] {strides = array<i32>} : memref<9984xf32, #tpu.memory_space<vmem>>, vector<16xf32>,
      tpu.vector_store %arg5[%swap3A_25], %broadcast_in_dim3A_3 {strides = array<i32>} : memref<9984xf32, #tpu.memory_space<vmem>>, vector<16xf32>,
      %mul3A_27 = arith.constant 128 : i32
      %mul3A_28 = arith.muli %scan3A_15, %mul3A_27 : i32
      %add3A_29 = arith.constant 32 : i32
      %add3A_30 = arith.addi %mul3A_28, %add3A_29 : i32
      %swap3A_31 = arith.index_cast %add3A_30 : i32 to index
      %swap3A_32 = tpu.vector_load %arg5[%swap3A_31] {strides = array<i32>} : memref<9984xf32, #tpu.memory_space<vmem>>, vector<16xf32>,
      tpu.vector_store %arg5[%swap3A_31], %broadcast_in_dim3A_3 {strides = array<i32>} : memref<9984xf32, #tpu.memory_space<vmem>>, vector<16xf32>,
      %mul3A_33 = arith.constant 128 : i32
      %mul3A_34 = arith.muli %scan3A_15, %mul3A_33 : i32
      %add3A_35 = arith.constant 48 : i32
      %add3A_36 = arith.addi %mul3A_34, %add3A_35 : i32
      %swap3A_37 = arith.index_cast %add3A_36 : i32 to index
      %swap3A_38 = tpu.vector_load %arg5[%swap3A_37] {strides = array<i32>} : memref<9984xf32, #tpu.memory_space<vmem>>, vector<16xf32>,
      tpu.vector_store %arg5[%swap3A_37], %broadcast_in_dim3A_3 {strides = array<i32>} : memref<9984xf32, #tpu.memory_space<vmem>>, vector<16xf32>,
      %mul3A_39 = arith.constant 128 : i32
      %mul3A_40 = arith.muli %scan3A_15, %mul3A_39 : i32
      %add3A_41 = arith.constant 64 : i32
      %add3A_42 = arith.addi %mul3A_40, %add3A_41 : i32
      %swap3A_43 = arith.index_cast %add3A_42 : i32 to index
      %swap3A_44 = tpu.vector_load %arg5[%swap3A_43] {strides = array<i32>} : memref<9984xf32, #tpu.memory_space<vmem>>, vector<16xf32>,
      tpu.vector_store %arg5[%swap3A_43], %broadcast_in_dim3A_3 {strides = array<i32>} : memref<9984xf32, #tpu.memory_space<vmem>>, vector<16xf32>,
      %mul3A_45 = arith.constant 128 : i32
      %mul3A_46 = arith.muli %scan3A_15, %mul3A_45 : i32
      %add3A_47 = arith.constant 80 : i32
      %add3A_48 = arith.addi %mul3A_46, %add3A_47 : i32
      %swap3A_49 = arith.index_cast %add3A_48 : i32 to index
      %swap3A_50 = tpu.vector_load %arg5[%swap3A_49] {strides = array<i32>} : memref<9984xf32, #tpu.memory_space<vmem>>, vector<16xf32>,
      tpu.vector_store %arg5[%swap3A_49], %broadcast_in_dim3A_3 {strides = array<i32>} : memref<9984xf32, #tpu.memory_space<vmem>>, vector<16xf32>,
      %mul3A_51 = arith.constant 128 : i32
      %mul3A_52 = arith.muli %scan3A_15, %mul3A_51 : i32
      %add3A_53 = arith.constant 96 : i32
      %add3A_54 = arith.addi %mul3A_52, %add3A_53 : i32
      %swap3A_55 = arith.index_cast %add3A_54 : i32 to index
      %swap3A_56 = tpu.vector_load %arg5[%swap3A_55] {strides = array<i32>} : memref<9984xf32, #tpu.memory_space<vmem>>, vector<16xf32>,
      tpu.vector_store %arg5[%swap3A_55], %broadcast_in_dim3A_3 {strides = array<i32>} : memref<9984xf32, #tpu.memory_space<vmem>>, vector<16xf32>,
      %mul3A_57 = arith.constant 128 : i32
      %mul3A_58 = arith.muli %scan3A_15, %mul3A_57 : i32
      %add3A_59 = arith.constant 112 : i32
      %add3A_60 = arith.addi %mul3A_58, %add3A_59 : i32
      %swap3A_61 = arith.index_cast %add3A_60 : i32 to index
      %swap3A_62 = tpu.vector_load %arg5[%swap3A_61] {strides = array<i32>} : memref<9984xf32, #tpu.memory_space<vmem>>, vector<16xf32>,
      tpu.vector_store %arg5[%swap3A_61], %broadcast_in_dim3A_3 {strides = array<i32>} : memref<9984xf32, #tpu.memory_space<vmem>>, vector<16xf32>,
    }
    %scan3A_8 = arith.constant 78 : i32
    %scan3A_9 = arith.constant 0 : i32
    %scan3A_10 = arith.constant 0 : i32
    %scan3A_11 = arith.constant 156 : i32
    %scan3A_12 = arith.addi %scan3A_10, %scan3A_11 : i32
    %scan3A_13 = arith.constant 1 : i32
    scf.for %scan3A_15 = %scan3A_10 to %scan3A_12 step %scan3A_13  : i32 {
      %mul3A_16 = arith.constant 64 : i32
      %mul3A_17 = arith.muli %scan3A_15, %mul3A_16 : i32
      %add3A_18 = arith.constant 0 : i32
      %add3A_19 = arith.addi %mul3A_17, %add3A_18 : i32
      %get3A = arith.index_cast %add3A_19 : i32 to index
      %get3A_20 = tpu.vector_load %arg4[%get3A] {strides = array<i32>} : memref<9984xi32, #tpu.memory_space<vmem>>, vector<16xi32>,
      %broadcast_in_dim3A_21 = arith.constant true
      %broadcast_in_dim3A_22 = vector.broadcast %broadcast_in_dim3A_21 : i1 to vector<16xi1>
      %unique3A, %unique3A_23 = tpu.scan_count mask(%broadcast_in_dim3A_22 : vector<16xi1>) value(%get3A_20 : vector<16xi32>) : vector<16xi1>, vector<16xi32>
      %convert_element_type3A = arith.sitofp %unique3A_23 : vector<16xi32> to vector<16xf32>
      tpu.vector_store_idx %arg5[%get3A_20], %convert_element_type3A masked %unique3A {add = true} : memref<9984xf32, #tpu.memory_space<vmem>>[vector<16xi32>], vector<16xf32>, vector<16xi1>
      %mul3A_24 = arith.constant 64 : i32
      %mul3A_25 = arith.muli %scan3A_15, %mul3A_24 : i32
      %add3A_26 = arith.constant 16 : i32
      %add3A_27 = arith.addi %mul3A_25, %add3A_26 : i32
      %get3A_28 = arith.index_cast %add3A_27 : i32 to index
      %get3A_29 = tpu.vector_load %arg4[%get3A_28] {strides = array<i32>} : memref<9984xi32, #tpu.memory_space<vmem>>, vector<16xi32>,
      %broadcast_in_dim3A_30 = arith.constant true
      %broadcast_in_dim3A_31 = vector.broadcast %broadcast_in_dim3A_30 : i1 to vector<16xi1>
      %unique3A_32, %unique3A_33 = tpu.scan_count mask(%broadcast_in_dim3A_31 : vector<16xi1>) value(%get3A_29 : vector<16xi32>) : vector<16xi1>, vector<16xi32>
      %convert_element_type3A_34 = arith.sitofp %unique3A_33 : vector<16xi32> to vector<16xf32>
      tpu.vector_store_idx %arg5[%get3A_29], %convert_element_type3A_34 masked %unique3A_32 {add = true} : memref<9984xf32, #tpu.memory_space<vmem>>[vector<16xi32>], vector<16xf32>, vector<16xi1>
      %mul3A_35 = arith.constant 64 : i32
      %mul3A_36 = arith.muli %scan3A_15, %mul3A_35 : i32
      %add3A_37 = arith.constant 32 : i32
      %add3A_38 = arith.addi %mul3A_36, %add3A_37 : i32
      %get3A_39 = arith.index_cast %add3A_38 : i32 to index
      %get3A_40 = tpu.vector_load %arg4[%get3A_39] {strides = array<i32>} : memref<9984xi32, #tpu.memory_space<vmem>>, vector<16xi32>,
      %broadcast_in_dim3A_41 = arith.constant true
      %broadcast_in_dim3A_42 = vector.broadcast %broadcast_in_dim3A_41 : i1 to vector<16xi1>
      %unique3A_43, %unique3A_44 = tpu.scan_count mask(%broadcast_in_dim3A_42 : vector<16xi1>) value(%get3A_40 : vector<16xi32>) : vector<16xi1>, vector<16xi32>
      %convert_element_type3A_45 = arith.sitofp %unique3A_44 : vector<16xi32> to vector<16xf32>
      tpu.vector_store_idx %arg5[%get3A_40], %convert_element_type3A_45 masked %unique3A_43 {add = true} : memref<9984xf32, #tpu.memory_space<vmem>>[vector<16xi32>], vector<16xf32>, vector<16xi1>
      %mul3A_46 = arith.constant 64 : i32
      %mul3A_47 = arith.muli %scan3A_15, %mul3A_46 : i32
      %add3A_48 = arith.constant 48 : i32
      %add3A_49 = arith.addi %mul3A_47, %add3A_48 : i32
      %get3A_50 = arith.index_cast %add3A_49 : i32 to index
      %get3A_51 = tpu.vector_load %arg4[%get3A_50] {strides = array<i32>} : memref<9984xi32, #tpu.memory_space<vmem>>, vector<16xi32>,
      %broadcast_in_dim3A_52 = arith.constant true
      %broadcast_in_dim3A_53 = vector.broadcast %broadcast_in_dim3A_52 : i1 to vector<16xi1>
      %unique3A_54, %unique3A_55 = tpu.scan_count mask(%broadcast_in_dim3A_53 : vector<16xi1>) value(%get3A_51 : vector<16xi32>) : vector<16xi1>, vector<16xi32>
      %convert_element_type3A_56 = arith.sitofp %unique3A_55 : vector<16xi32> to vector<16xf32>
      tpu.vector_store_idx %arg5[%get3A_51], %convert_element_type3A_56 masked %unique3A_54 {add = true} : memref<9984xf32, #tpu.memory_space<vmem>>[vector<16xi32>], vector<16xf32>, vector<16xi1>
    }
    %scan3A_14 = arith.constant 156 : i32
    "tpu.region"() ({
      %run_scoped3A_15 = tpu.sem_alloc : memref<!tpu.dma_semaphore, #tpu.memory_space<semaphore_mem>>
      %dma_start3A = arith.constant 0 : i32
      %dma_start3A_16 = tpu.memref_slice %arg3[%add3A, %dma_start3A] : memref<32x9984xf32, #tpu.memory_space<hbm>> -> memref<1x9984xf32, #tpu.memory_space<hbm>>
      %dma_start3A_17 = tpu.memref_squeeze %dma_start3A_16 : memref<1x9984xf32, #tpu.memory_space<hbm>> -> memref<9984xf32, #tpu.memory_space<hbm>>
      %dma_start3A_18 = arith.constant 0 : i32
      %dma_start3A_19 = tpu.memref_slice %arg3[%add3A, %dma_start3A_18] : memref<32x9984xf32, #tpu.memory_space<hbm>> -> memref<1x9984xf32, #tpu.memory_space<hbm>>
      %dma_start3A_20 = tpu.memref_squeeze %dma_start3A_19 : memref<1x9984xf32, #tpu.memory_space<hbm>> -> memref<9984xf32, #tpu.memory_space<hbm>>
      tpu.enqueue_dma source(%arg5 : memref<9984xf32, #tpu.memory_space<vmem>>) target(%dma_start3A_20 : memref<9984xf32, #tpu.memory_space<hbm>>) target_semaphore(%run_scoped3A_15 : memref<!tpu.dma_semaphore, #tpu.memory_space<semaphore_mem>>)
      %dma_wait3A = arith.constant 0 : i32
      %dma_wait3A_21 = tpu.memref_slice %arg3[%add3A, %dma_wait3A] : memref<32x9984xf32, #tpu.memory_space<hbm>> -> memref<1x9984xf32, #tpu.memory_space<hbm>>
      %dma_wait3A_22 = tpu.memref_squeeze %dma_wait3A_21 : memref<1x9984xf32, #tpu.memory_space<hbm>> -> memref<9984xf32, #tpu.memory_space<hbm>>
      %dma_wait3A_23 = arith.constant 0 : i32
      %dma_wait3A_24 = tpu.memref_slice %arg3[%add3A, %dma_wait3A_23] : memref<32x9984xf32, #tpu.memory_space<hbm>> -> memref<1x9984xf32, #tpu.memory_space<hbm>>
      %dma_wait3A_25 = tpu.memref_squeeze %dma_wait3A_24 : memref<1x9984xf32, #tpu.memory_space<hbm>> -> memref<9984xf32, #tpu.memory_space<hbm>>
      tpu.wait_dma2 semaphore(%run_scoped3A_15 : memref<!tpu.dma_semaphore, #tpu.memory_space<semaphore_mem>>) src(%arg5 : memref<9984xf32, #tpu.memory_space<vmem>>) dst(%dma_wait3A_25 : memref<9984xf32, #tpu.memory_space<hbm>>)
      tpu.yield
    }) : () -> ()
    return
  }
}

module attributes {stable_mosaic.version = 14 : i64} {
  func.func @_triu_mm_body(%arg0: memref<78x16384xf32, #tpu.memory_space<vmem>>, %arg1: memref<8384x256xf32, #tpu.memory_space<vmem>>, %arg2: memref<1x8192xf32, #tpu.memory_space<vmem>>, %arg3: memref<1x8128xf32, #tpu.memory_space<vmem>>, %arg4: memref<1x256xf32, #tpu.memory_space<vmem>>, %arg5: memref<78x256xf32, #tpu.memory_space<vmem>>, %arg6: memref<1x256xf32, #tpu.memory_space<vmem>>, %arg7: memref<256x256xbf16, #tpu.memory_space<vmem>>, %arg8: memref<8384x256xbf16, #tpu.memory_space<vmem>>, %arg9: memref<16384x256xbf16, #tpu.memory_space<vmem>>) attributes {dimension_semantics = [], scalar_prefetch = 0 : i64, scratch_operands = 2 : i64, tpu.core_type = #tpu.core_type<tc>} {
    %get3A = arith.constant 0 : index
    %get3A_0 = arith.constant 0 : index
    %get3A_1 = vector.load %arg1[%get3A, %get3A_0] : memref<8384x256xf32, #tpu.memory_space<vmem>>, vector<8384x256xf32>
    %convert_element_type3A = arith.truncf %get3A_1 : vector<8384x256xf32> to vector<8384x256xbf16>
    %swap3A = arith.constant 0 : index
    %swap3A_2 = arith.constant 0 : index
    %swap3A_3 = vector.load %arg8[%swap3A, %swap3A_2] : memref<8384x256xbf16, #tpu.memory_space<vmem>>, vector<8384x256xbf16>
    tpu.vector_store %arg8[%swap3A, %swap3A_2], %convert_element_type3A {strides = array<i32>} : memref<8384x256xbf16, #tpu.memory_space<vmem>>, vector<8384x256xbf16>,
    %get3A_4 = arith.constant 0 : index
    %get3A_5 = arith.constant 0 : index
    %get3A_6 = vector.load %arg8[%get3A_4, %get3A_5] : memref<8384x256xbf16, #tpu.memory_space<vmem>>, vector<128x256xbf16>
    %swap3A_7 = arith.constant 0 : index
    %swap3A_8 = arith.constant 0 : index
    %swap3A_9 = vector.load %arg9[%swap3A_7, %swap3A_8] : memref<16384x256xbf16, #tpu.memory_space<vmem>>, vector<128x256xbf16>
    tpu.vector_store %arg9[%swap3A_7, %swap3A_8], %get3A_6 {strides = array<i32>} : memref<16384x256xbf16, #tpu.memory_space<vmem>>, vector<128x256xbf16>,
    %get3A_10 = arith.constant 0 : index
    %get3A_11 = arith.constant 0 : index
    %get3A_12 = vector.load %arg8[%get3A_10, %get3A_11] : memref<8384x256xbf16, #tpu.memory_space<vmem>>, vector<127x256xbf16>
    %swap3A_13 = arith.constant 1 : index
    %swap3A_14 = arith.constant 0 : index
    %swap3A_15 = vector.load %arg9[%swap3A_13, %swap3A_14] : memref<16384x256xbf16, #tpu.memory_space<vmem>>, vector<127x256xbf16>
    tpu.vector_store %arg9[%swap3A_13, %swap3A_14], %get3A_12 {strides = array<i32>} : memref<16384x256xbf16, #tpu.memory_space<vmem>>, vector<127x256xbf16>,
    %get3A_16 = arith.constant 125 : index
    %get3A_17 = arith.constant 0 : index
    %get3A_18 = vector.load %arg8[%get3A_16, %get3A_17] : memref<8384x256xbf16, #tpu.memory_space<vmem>>, vector<128x256xbf16>
    %swap3A_19 = arith.constant 128 : index
    %swap3A_20 = arith.constant 0 : index
    %swap3A_21 = vector.load %arg9[%swap3A_19, %swap3A_20] : memref<16384x256xbf16, #tpu.memory_space<vmem>>, vector<128x256xbf16>
    tpu.vector_store %arg9[%swap3A_19, %swap3A_20], %get3A_18 {strides = array<i32>} : memref<16384x256xbf16, #tpu.memory_space<vmem>>, vector<128x256xbf16>,
    %get3A_22 = arith.constant 250 : index
    %get3A_23 = arith.constant 0 : index
    %get3A_24 = vector.load %arg8[%get3A_22, %get3A_23] : memref<8384x256xbf16, #tpu.memory_space<vmem>>, vector<128x256xbf16>
    %swap3A_25 = arith.constant 256 : index
    %swap3A_26 = arith.constant 0 : index
    %swap3A_27 = vector.load %arg9[%swap3A_25, %swap3A_26] : memref<16384x256xbf16, #tpu.memory_space<vmem>>, vector<128x256xbf16>
    tpu.vector_store %arg9[%swap3A_25, %swap3A_26], %get3A_24 {strides = array<i32>} : memref<16384x256xbf16, #tpu.memory_space<vmem>>, vector<128x256xbf16>,
    %get3A_28 = arith.constant 374 : index
    %get3A_29 = arith.constant 0 : index
    %get3A_30 = vector.load %arg8[%get3A_28, %get3A_29] : memref<8384x256xbf16, #tpu.memory_space<vmem>>, vector<128x256xbf16>
    %swap3A_31 = arith.constant 384 : index
    %swap3A_32 = arith.constant 0 : index
    %swap3A_33 = vector.load %arg9[%swap3A_31, %swap3A_32] : memref<16384x256xbf16, #tpu.memory_space<vmem>>, vector<128x256xbf16>
    tpu.vector_store %arg9[%swap3A_31, %swap3A_32], %get3A_30 {strides = array<i32>} : memref<16384x256xbf16, #tpu.memory_space<vmem>>, vector<128x256xbf16>,
    %get3A_34 = arith.constant 497 : index
    %get3A_35 = arith.constant 0 : index
    %get3A_36 = vector.load %arg8[%get3A_34, %get3A_35] : memref<8384x256xbf16, #tpu.memory_space<vmem>>, vector<128x256xbf16>
    %swap3A_37 = arith.constant 512 : index
    %swap3A_38 = arith.constant 0 : index
    %swap3A_39 = vector.load %arg9[%swap3A_37, %swap3A_38] : memref<16384x256xbf16, #tpu.memory_space<vmem>>, vector<128x256xbf16>
    tpu.vector_store %arg9[%swap3A_37, %swap3A_38], %get3A_36 {strides = array<i32>} : memref<16384x256xbf16, #tpu.memory_space<vmem>>, vector<128x256xbf16>,
    %get3A_40 = arith.constant 619 : index
    %get3A_41 = arith.constant 0 : index
    %get3A_42 = vector.load %arg8[%get3A_40, %get3A_41] : memref<8384x256xbf16, #tpu.memory_space<vmem>>, vector<128x256xbf16>
    %swap3A_43 = arith.constant 640 : index
    %swap3A_44 = arith.constant 0 : index
    %swap3A_45 = vector.load %arg9[%swap3A_43, %swap3A_44] : memref<16384x256xbf16, #tpu.memory_space<vmem>>, vector<128x256xbf16>
    tpu.vector_store %arg9[%swap3A_43, %swap3A_44], %get3A_42 {strides = array<i32>} : memref<16384x256xbf16, #tpu.memory_space<vmem>>, vector<128x256xbf16>,
    %get3A_46 = arith.constant 740 : index
    %get3A_47 = arith.constant 0 : index
    %get3A_48 = vector.load %arg8[%get3A_46, %get3A_47] : memref<8384x256xbf16, #tpu.memory_space<vmem>>, vector<128x256xbf16>
    %swap3A_49 = arith.constant 768 : index
    %swap3A_50 = arith.constant 0 : index
    %swap3A_51 = vector.load %arg9[%swap3A_49, %swap3A_50] : memref<16384x256xbf16, #tpu.memory_space<vmem>>, vector<128x256xbf16>
    tpu.vector_store %arg9[%swap3A_49, %swap3A_50], %get3A_48 {strides = array<i32>} : memref<16384x256xbf16, #tpu.memory_space<vmem>>, vector<128x256xbf16>,
    %get3A_52 = arith.constant 860 : index
    %get3A_53 = arith.constant 0 : index
    %get3A_54 = vector.load %arg8[%get3A_52, %get3A_53] : memref<8384x256xbf16, #tpu.memory_space<vmem>>, vector<128x256xbf16>
    %swap3A_55 = arith.constant 896 : index
    %swap3A_56 = arith.constant 0 : index
    %swap3A_57 = vector.load %arg9[%swap3A_55, %swap3A_56] : memref<16384x256xbf16, #tpu.memory_space<vmem>>, vector<128x256xbf16>
    tpu.vector_store %arg9[%swap3A_55, %swap3A_56], %get3A_54 {strides = array<i32>} : memref<16384x256xbf16, #tpu.memory_space<vmem>>, vector<128x256xbf16>,
    %get3A_58 = arith.constant 979 : index
    %get3A_59 = arith.constant 0 : index
    %get3A_60 = vector.load %arg8[%get3A_58, %get3A_59] : memref<8384x256xbf16, #tpu.memory_space<vmem>>, vector<128x256xbf16>
    %swap3A_61 = arith.constant 1024 : index
    %swap3A_62 = arith.constant 0 : index
    %swap3A_63 = vector.load %arg9[%swap3A_61, %swap3A_62] : memref<16384x256xbf16, #tpu.memory_space<vmem>>, vector<128x256xbf16>
    tpu.vector_store %arg9[%swap3A_61, %swap3A_62], %get3A_60 {strides = array<i32>} : memref<16384x256xbf16, #tpu.memory_space<vmem>>, vector<128x256xbf16>,
    %get3A_64 = arith.constant 1097 : index
    %get3A_65 = arith.constant 0 : index
    %get3A_66 = vector.load %arg8[%get3A_64, %get3A_65] : memref<8384x256xbf16, #tpu.memory_space<vmem>>, vector<128x256xbf16>
    %swap3A_67 = arith.constant 1152 : index
    %swap3A_68 = arith.constant 0 : index
    %swap3A_69 = vector.load %arg9[%swap3A_67, %swap3A_68] : memref<16384x256xbf16, #tpu.memory_space<vmem>>, vector<128x256xbf16>
    tpu.vector_store %arg9[%swap3A_67, %swap3A_68], %get3A_66 {strides = array<i32>} : memref<16384x256xbf16, #tpu.memory_space<vmem>>, vector<128x256xbf16>,
    %get3A_70 = arith.constant 1214 : index
    %get3A_71 = arith.constant 0 : index
    %get3A_72 = vector.load %arg8[%get3A_70, %get3A_71] : memref<8384x256xbf16, #tpu.memory_space<vmem>>, vector<128x256xbf16>
    %swap3A_73 = arith.constant 1280 : index
    %swap3A_74 = arith.constant 0 : index
    %swap3A_75 = vector.load %arg9[%swap3A_73, %swap3A_74] : memref<16384x256xbf16, #tpu.memory_space<vmem>>, vector<128x256xbf16>
    tpu.vector_store %arg9[%swap3A_73, %swap3A_74], %get3A_72 {strides = array<i32>} : memref<16384x256xbf16, #tpu.memory_space<vmem>>, vector<128x256xbf16>,
    %get3A_76 = arith.constant 1330 : index
    %get3A_77 = arith.constant 0 : index
    %get3A_78 = vector.load %arg8[%get3A_76, %get3A_77] : memref<8384x256xbf16, #tpu.memory_space<vmem>>, vector<128x256xbf16>
    %swap3A_79 = arith.constant 1408 : index
    %swap3A_80 = arith.constant 0 : index
    %swap3A_81 = vector.load %arg9[%swap3A_79, %swap3A_80] : memref<16384x256xbf16, #tpu.memory_space<vmem>>, vector<128x256xbf16>
    tpu.vector_store %arg9[%swap3A_79, %swap3A_80], %get3A_78 {strides = array<i32>} : memref<16384x256xbf16, #tpu.memory_space<vmem>>, vector<128x256xbf16>,
    %get3A_82 = arith.constant 1445 : index
    %get3A_83 = arith.constant 0 : index
    %get3A_84 = vector.load %arg8[%get3A_82, %get3A_83] : memref<8384x256xbf16, #tpu.memory_space<vmem>>, vector<128x256xbf16>
    %swap3A_85 = arith.constant 1536 : index
    %swap3A_86 = arith.constant 0 : index
    %swap3A_87 = vector.load %arg9[%swap3A_85, %swap3A_86] : memref<16384x256xbf16, #tpu.memory_space<vmem>>, vector<128x256xbf16>
    tpu.vector_store %arg9[%swap3A_85, %swap3A_86], %get3A_84 {strides = array<i32>} : memref<16384x256xbf16, #tpu.memory_space<vmem>>, vector<128x256xbf16>,
    %get3A_88 = arith.constant 1559 : index
    %get3A_89 = arith.constant 0 : index
    %get3A_90 = vector.load %arg8[%get3A_88, %get3A_89] : memref<8384x256xbf16, #tpu.memory_space<vmem>>, vector<128x256xbf16>
    %swap3A_91 = arith.constant 1664 : index
    %swap3A_92 = arith.constant 0 : index
    %swap3A_93 = vector.load %arg9[%swap3A_91, %swap3A_92] : memref<16384x256xbf16, #tpu.memory_space<vmem>>, vector<128x256xbf16>
    tpu.vector_store %arg9[%swap3A_91, %swap3A_92], %get3A_90 {strides = array<i32>} : memref<16384x256xbf16, #tpu.memory_space<vmem>>, vector<128x256xbf16>,
    %get3A_94 = arith.constant 1672 : index
    %get3A_95 = arith.constant 0 : index
    %get3A_96 = vector.load %arg8[%get3A_94, %get3A_95] : memref<8384x256xbf16, #tpu.memory_space<vmem>>, vector<128x256xbf16>
    %swap3A_97 = arith.constant 1792 : index
    %swap3A_98 = arith.constant 0 : index
    %swap3A_99 = vector.load %arg9[%swap3A_97, %swap3A_98] : memref<16384x256xbf16, #tpu.memory_space<vmem>>, vector<128x256xbf16>
    tpu.vector_store %arg9[%swap3A_97, %swap3A_98], %get3A_96 {strides = array<i32>} : memref<16384x256xbf16, #tpu.memory_space<vmem>>, vector<128x256xbf16>,
    %get3A_100 = arith.constant 1784 : index
    %get3A_101 = arith.constant 0 : index
    %get3A_102 = vector.load %arg8[%get3A_100, %get3A_101] : memref<8384x256xbf16, #tpu.memory_space<vmem>>, vector<128x256xbf16>
    %swap3A_103 = arith.constant 1920 : index
    %swap3A_104 = arith.constant 0 : index
    %swap3A_105 = vector.load %arg9[%swap3A_103, %swap3A_104] : memref<16384x256xbf16, #tpu.memory_space<vmem>>, vector<128x256xbf16>
    tpu.vector_store %arg9[%swap3A_103, %swap3A_104], %get3A_102 {strides = array<i32>} : memref<16384x256xbf16, #tpu.memory_space<vmem>>, vector<128x256xbf16>,
    %get3A_106 = arith.constant 1895 : index
    %get3A_107 = arith.constant 0 : index
    %get3A_108 = vector.load %arg8[%get3A_106, %get3A_107] : memref<8384x256xbf16, #tpu.memory_space<vmem>>, vector<128x256xbf16>
    %swap3A_109 = arith.constant 2048 : index
    %swap3A_110 = arith.constant 0 : index
    %swap3A_111 = vector.load %arg9[%swap3A_109, %swap3A_110] : memref<16384x256xbf16, #tpu.memory_space<vmem>>, vector<128x256xbf16>
    tpu.vector_store %arg9[%swap3A_109, %swap3A_110], %get3A_108 {strides = array<i32>} : memref<16384x256xbf16, #tpu.memory_space<vmem>>, vector<128x256xbf16>,
    %get3A_112 = arith.constant 2005 : index
    %get3A_113 = arith.constant 0 : index
    %get3A_114 = vector.load %arg8[%get3A_112, %get3A_113] : memref<8384x256xbf16, #tpu.memory_space<vmem>>, vector<128x256xbf16>
    %swap3A_115 = arith.constant 2176 : index
    %swap3A_116 = arith.constant 0 : index
    %swap3A_117 = vector.load %arg9[%swap3A_115, %swap3A_116] : memref<16384x256xbf16, #tpu.memory_space<vmem>>, vector<128x256xbf16>
    tpu.vector_store %arg9[%swap3A_115, %swap3A_116], %get3A_114 {strides = array<i32>} : memref<16384x256xbf16, #tpu.memory_space<vmem>>, vector<128x256xbf16>,
    %get3A_118 = arith.constant 2114 : index
    %get3A_119 = arith.constant 0 : index
    %get3A_120 = vector.load %arg8[%get3A_118, %get3A_119] : memref<8384x256xbf16, #tpu.memory_space<vmem>>, vector<128x256xbf16>
    %swap3A_121 = arith.constant 2304 : index
    %swap3A_122 = arith.constant 0 : index
    %swap3A_123 = vector.load %arg9[%swap3A_121, %swap3A_122] : memref<16384x256xbf16, #tpu.memory_space<vmem>>, vector<128x256xbf16>
    tpu.vector_store %arg9[%swap3A_121, %swap3A_122], %get3A_120 {strides = array<i32>} : memref<16384x256xbf16, #tpu.memory_space<vmem>>, vector<128x256xbf16>,
    %get3A_124 = arith.constant 2222 : index
    %get3A_125 = arith.constant 0 : index
    %get3A_126 = vector.load %arg8[%get3A_124, %get3A_125] : memref<8384x256xbf16, #tpu.memory_space<vmem>>, vector<128x256xbf16>
    %swap3A_127 = arith.constant 2432 : index
    %swap3A_128 = arith.constant 0 : index
    %swap3A_129 = vector.load %arg9[%swap3A_127, %swap3A_128] : memref<16384x256xbf16, #tpu.memory_space<vmem>>, vector<128x256xbf16>
    tpu.vector_store %arg9[%swap3A_127, %swap3A_128], %get3A_126 {strides = array<i32>} : memref<16384x256xbf16, #tpu.memory_space<vmem>>, vector<128x256xbf16>,
    %get3A_130 = arith.constant 2329 : index
    %get3A_131 = arith.constant 0 : index
    %get3A_132 = vector.load %arg8[%get3A_130, %get3A_131] : memref<8384x256xbf16, #tpu.memory_space<vmem>>, vector<128x256xbf16>
    %swap3A_133 = arith.constant 2560 : index
    %swap3A_134 = arith.constant 0 : index
    %swap3A_135 = vector.load %arg9[%swap3A_133, %swap3A_134] : memref<16384x256xbf16, #tpu.memory_space<vmem>>, vector<128x256xbf16>
    tpu.vector_store %arg9[%swap3A_133, %swap3A_134], %get3A_132 {strides = array<i32>} : memref<16384x256xbf16, #tpu.memory_space<vmem>>, vector<128x256xbf16>,
    %get3A_136 = arith.constant 2435 : index
    %get3A_137 = arith.constant 0 : index
    %get3A_138 = vector.load %arg8[%get3A_136, %get3A_137] : memref<8384x256xbf16, #tpu.memory_space<vmem>>, vector<128x256xbf16>
    %swap3A_139 = arith.constant 2688 : index
    %swap3A_140 = arith.constant 0 : index
    %swap3A_141 = vector.load %arg9[%swap3A_139, %swap3A_140] : memref<16384x256xbf16, #tpu.memory_space<vmem>>, vector<128x256xbf16>
    tpu.vector_store %arg9[%swap3A_139, %swap3A_140], %get3A_138 {strides = array<i32>} : memref<16384x256xbf16, #tpu.memory_space<vmem>>, vector<128x256xbf16>,
    %get3A_142 = arith.constant 2540 : index
    %get3A_143 = arith.constant 0 : index
    %get3A_144 = vector.load %arg8[%get3A_142, %get3A_143] : memref<8384x256xbf16, #tpu.memory_space<vmem>>, vector<128x256xbf16>
    %swap3A_145 = arith.constant 2816 : index
    %swap3A_146 = arith.constant 0 : index
    %swap3A_147 = vector.load %arg9[%swap3A_145, %swap3A_146] : memref<16384x256xbf16, #tpu.memory_space<vmem>>, vector<128x256xbf16>
    tpu.vector_store %arg9[%swap3A_145, %swap3A_146], %get3A_144 {strides = array<i32>} : memref<16384x256xbf16, #tpu.memory_space<vmem>>, vector<128x256xbf16>,
    %get3A_148 = arith.constant 2644 : index
    %get3A_149 = arith.constant 0 : index
    %get3A_150 = vector.load %arg8[%get3A_148, %get3A_149] : memref<8384x256xbf16, #tpu.memory_space<vmem>>, vector<128x256xbf16>
    %swap3A_151 = arith.constant 2944 : index
    %swap3A_152 = arith.constant 0 : index
    %swap3A_153 = vector.load %arg9[%swap3A_151, %swap3A_152] : memref<16384x256xbf16, #tpu.memory_space<vmem>>, vector<128x256xbf16>
    tpu.vector_store %arg9[%swap3A_151, %swap3A_152], %get3A_150 {strides = array<i32>} : memref<16384x256xbf16, #tpu.memory_space<vmem>>, vector<128x256xbf16>,
    %get3A_154 = arith.constant 2747 : index
    %get3A_155 = arith.constant 0 : index
    %get3A_156 = vector.load %arg8[%get3A_154, %get3A_155] : memref<8384x256xbf16, #tpu.memory_space<vmem>>, vector<128x256xbf16>
    %swap3A_157 = arith.constant 3072 : index
    %swap3A_158 = arith.constant 0 : index
    %swap3A_159 = vector.load %arg9[%swap3A_157, %swap3A_158] : memref<16384x256xbf16, #tpu.memory_space<vmem>>, vector<128x256xbf16>
    tpu.vector_store %arg9[%swap3A_157, %swap3A_158], %get3A_156 {strides = array<i32>} : memref<16384x256xbf16, #tpu.memory_space<vmem>>, vector<128x256xbf16>,
    %get3A_160 = arith.constant 2849 : index
    %get3A_161 = arith.constant 0 : index
    %get3A_162 = vector.load %arg8[%get3A_160, %get3A_161] : memref<8384x256xbf16, #tpu.memory_space<vmem>>, vector<128x256xbf16>
    %swap3A_163 = arith.constant 3200 : index
    %swap3A_164 = arith.constant 0 : index
    %swap3A_165 = vector.load %arg9[%swap3A_163, %swap3A_164] : memref<16384x256xbf16, #tpu.memory_space<vmem>>, vector<128x256xbf16>
    tpu.vector_store %arg9[%swap3A_163, %swap3A_164], %get3A_162 {strides = array<i32>} : memref<16384x256xbf16, #tpu.memory_space<vmem>>, vector<128x256xbf16>,
    %get3A_166 = arith.constant 2950 : index
    %get3A_167 = arith.constant 0 : index
    %get3A_168 = vector.load %arg8[%get3A_166, %get3A_167] : memref<8384x256xbf16, #tpu.memory_space<vmem>>, vector<128x256xbf16>
    %swap3A_169 = arith.constant 3328 : index
    %swap3A_170 = arith.constant 0 : index
    %swap3A_171 = vector.load %arg9[%swap3A_169, %swap3A_170] : memref<16384x256xbf16, #tpu.memory_space<vmem>>, vector<128x256xbf16>
    tpu.vector_store %arg9[%swap3A_169, %swap3A_170], %get3A_168 {strides = array<i32>} : memref<16384x256xbf16, #tpu.memory_space<vmem>>, vector<128x256xbf16>,
    %get3A_172 = arith.constant 3050 : index
    %get3A_173 = arith.constant 0 : index
    %get3A_174 = vector.load %arg8[%get3A_172, %get3A_173] : memref<8384x256xbf16, #tpu.memory_space<vmem>>, vector<128x256xbf16>
    %swap3A_175 = arith.constant 3456 : index
    %swap3A_176 = arith.constant 0 : index
    %swap3A_177 = vector.load %arg9[%swap3A_175, %swap3A_176] : memref<16384x256xbf16, #tpu.memory_space<vmem>>, vector<128x256xbf16>
    tpu.vector_store %arg9[%swap3A_175, %swap3A_176], %get3A_174 {strides = array<i32>} : memref<16384x256xbf16, #tpu.memory_space<vmem>>, vector<128x256xbf16>,
    %get3A_178 = arith.constant 3149 : index
    %get3A_179 = arith.constant 0 : index
    %get3A_180 = vector.load %arg8[%get3A_178, %get3A_179] : memref<8384x256xbf16, #tpu.memory_space<vmem>>, vector<128x256xbf16>
    %swap3A_181 = arith.constant 3584 : index
    %swap3A_182 = arith.constant 0 : index
    %swap3A_183 = vector.load %arg9[%swap3A_181, %swap3A_182] : memref<16384x256xbf16, #tpu.memory_space<vmem>>, vector<128x256xbf16>
    tpu.vector_store %arg9[%swap3A_181, %swap3A_182], %get3A_180 {strides = array<i32>} : memref<16384x256xbf16, #tpu.memory_space<vmem>>, vector<128x256xbf16>,
    %get3A_184 = arith.constant 3247 : index
    %get3A_185 = arith.constant 0 : index
    %get3A_186 = vector.load %arg8[%get3A_184, %get3A_185] : memref<8384x256xbf16, #tpu.memory_space<vmem>>, vector<128x256xbf16>
    %swap3A_187 = arith.constant 3712 : index
    %swap3A_188 = arith.constant 0 : index
    %swap3A_189 = vector.load %arg9[%swap3A_187, %swap3A_188] : memref<16384x256xbf16, #tpu.memory_space<vmem>>, vector<128x256xbf16>
    tpu.vector_store %arg9[%swap3A_187, %swap3A_188], %get3A_186 {strides = array<i32>} : memref<16384x256xbf16, #tpu.memory_space<vmem>>, vector<128x256xbf16>,
    %get3A_190 = arith.constant 3344 : index
    %get3A_191 = arith.constant 0 : index
    %get3A_192 = vector.load %arg8[%get3A_190, %get3A_191] : memref<8384x256xbf16, #tpu.memory_space<vmem>>, vector<128x256xbf16>
    %swap3A_193 = arith.constant 3840 : index
    %swap3A_194 = arith.constant 0 : index
    %swap3A_195 = vector.load %arg9[%swap3A_193, %swap3A_194] : memref<16384x256xbf16, #tpu.memory_space<vmem>>, vector<128x256xbf16>
    tpu.vector_store %arg9[%swap3A_193, %swap3A_194], %get3A_192 {strides = array<i32>} : memref<16384x256xbf16, #tpu.memory_space<vmem>>, vector<128x256xbf16>,
    %get3A_196 = arith.constant 3440 : index
    %get3A_197 = arith.constant 0 : index
    %get3A_198 = vector.load %arg8[%get3A_196, %get3A_197] : memref<8384x256xbf16, #tpu.memory_space<vmem>>, vector<128x256xbf16>
    %swap3A_199 = arith.constant 3968 : index
    %swap3A_200 = arith.constant 0 : index
    %swap3A_201 = vector.load %arg9[%swap3A_199, %swap3A_200] : memref<16384x256xbf16, #tpu.memory_space<vmem>>, vector<128x256xbf16>
    tpu.vector_store %arg9[%swap3A_199, %swap3A_200], %get3A_198 {strides = array<i32>} : memref<16384x256xbf16, #tpu.memory_space<vmem>>, vector<128x256xbf16>,
    %get3A_202 = arith.constant 3535 : index
    %get3A_203 = arith.constant 0 : index
    %get3A_204 = vector.load %arg8[%get3A_202, %get3A_203] : memref<8384x256xbf16, #tpu.memory_space<vmem>>, vector<128x256xbf16>
    %swap3A_205 = arith.constant 4096 : index
    %swap3A_206 = arith.constant 0 : index
    %swap3A_207 = vector.load %arg9[%swap3A_205, %swap3A_206] : memref<16384x256xbf16, #tpu.memory_space<vmem>>, vector<128x256xbf16>
    tpu.vector_store %arg9[%swap3A_205, %swap3A_206], %get3A_204 {strides = array<i32>} : memref<16384x256xbf16, #tpu.memory_space<vmem>>, vector<128x256xbf16>,
    %get3A_208 = arith.constant 3629 : index
    %get3A_209 = arith.constant 0 : index
    %get3A_210 = vector.load %arg8[%get3A_208, %get3A_209] : memref<8384x256xbf16, #tpu.memory_space<vmem>>, vector<128x256xbf16>
    %swap3A_211 = arith.constant 4224 : index
    %swap3A_212 = arith.constant 0 : index
    %swap3A_213 = vector.load %arg9[%swap3A_211, %swap3A_212] : memref<16384x256xbf16, #tpu.memory_space<vmem>>, vector<128x256xbf16>
    tpu.vector_store %arg9[%swap3A_211, %swap3A_212], %get3A_210 {strides = array<i32>} : memref<16384x256xbf16, #tpu.memory_space<vmem>>, vector<128x256xbf16>,
    %get3A_214 = arith.constant 3722 : index
    %get3A_215 = arith.constant 0 : index
    %get3A_216 = vector.load %arg8[%get3A_214, %get3A_215] : memref<8384x256xbf16, #tpu.memory_space<vmem>>, vector<128x256xbf16>
    %swap3A_217 = arith.constant 4352 : index
    %swap3A_218 = arith.constant 0 : index
    %swap3A_219 = vector.load %arg9[%swap3A_217, %swap3A_218] : memref<16384x256xbf16, #tpu.memory_space<vmem>>, vector<128x256xbf16>
    tpu.vector_store %arg9[%swap3A_217, %swap3A_218], %get3A_216 {strides = array<i32>} : memref<16384x256xbf16, #tpu.memory_space<vmem>>, vector<128x256xbf16>,
    %get3A_220 = arith.constant 3814 : index
    %get3A_221 = arith.constant 0 : index
    %get3A_222 = vector.load %arg8[%get3A_220, %get3A_221] : memref<8384x256xbf16, #tpu.memory_space<vmem>>, vector<128x256xbf16>
    %swap3A_223 = arith.constant 4480 : index
    %swap3A_224 = arith.constant 0 : index
    %swap3A_225 = vector.load %arg9[%swap3A_223, %swap3A_224] : memref<16384x256xbf16, #tpu.memory_space<vmem>>, vector<128x256xbf16>
    tpu.vector_store %arg9[%swap3A_223, %swap3A_224], %get3A_222 {strides = array<i32>} : memref<16384x256xbf16, #tpu.memory_space<vmem>>, vector<128x256xbf16>,
    %get3A_226 = arith.constant 3905 : index
    %get3A_227 = arith.constant 0 : index
    %get3A_228 = vector.load %arg8[%get3A_226, %get3A_227] : memref<8384x256xbf16, #tpu.memory_space<vmem>>, vector<128x256xbf16>
    %swap3A_229 = arith.constant 4608 : index
    %swap3A_230 = arith.constant 0 : index
    %swap3A_231 = vector.load %arg9[%swap3A_229, %swap3A_230] : memref<16384x256xbf16, #tpu.memory_space<vmem>>, vector<128x256xbf16>
    tpu.vector_store %arg9[%swap3A_229, %swap3A_230], %get3A_228 {strides = array<i32>} : memref<16384x256xbf16, #tpu.memory_space<vmem>>, vector<128x256xbf16>,
    %get3A_232 = arith.constant 3995 : index
    %get3A_233 = arith.constant 0 : index
    %get3A_234 = vector.load %arg8[%get3A_232, %get3A_233] : memref<8384x256xbf16, #tpu.memory_space<vmem>>, vector<128x256xbf16>
    %swap3A_235 = arith.constant 4736 : index
    %swap3A_236 = arith.constant 0 : index
    %swap3A_237 = vector.load %arg9[%swap3A_235, %swap3A_236] : memref<16384x256xbf16, #tpu.memory_space<vmem>>, vector<128x256xbf16>
    tpu.vector_store %arg9[%swap3A_235, %swap3A_236], %get3A_234 {strides = array<i32>} : memref<16384x256xbf16, #tpu.memory_space<vmem>>, vector<128x256xbf16>,
    %get3A_238 = arith.constant 4084 : index
    %get3A_239 = arith.constant 0 : index
    %get3A_240 = vector.load %arg8[%get3A_238, %get3A_239] : memref<8384x256xbf16, #tpu.memory_space<vmem>>, vector<128x256xbf16>
    %swap3A_241 = arith.constant 4864 : index
    %swap3A_242 = arith.constant 0 : index
    %swap3A_243 = vector.load %arg9[%swap3A_241, %swap3A_242] : memref<16384x256xbf16, #tpu.memory_space<vmem>>, vector<128x256xbf16>
    tpu.vector_store %arg9[%swap3A_241, %swap3A_242], %get3A_240 {strides = array<i32>} : memref<16384x256xbf16, #tpu.memory_space<vmem>>, vector<128x256xbf16>,
    %get3A_244 = arith.constant 4172 : index
    %get3A_245 = arith.constant 0 : index
    %get3A_246 = vector.load %arg8[%get3A_244, %get3A_245] : memref<8384x256xbf16, #tpu.memory_space<vmem>>, vector<128x256xbf16>
    %swap3A_247 = arith.constant 4992 : index
    %swap3A_248 = arith.constant 0 : index
    %swap3A_249 = vector.load %arg9[%swap3A_247, %swap3A_248] : memref<16384x256xbf16, #tpu.memory_space<vmem>>, vector<128x256xbf16>
    tpu.vector_store %arg9[%swap3A_247, %swap3A_248], %get3A_246 {strides = array<i32>} : memref<16384x256xbf16, #tpu.memory_space<vmem>>, vector<128x256xbf16>,
    %get3A_250 = arith.constant 4259 : index
    %get3A_251 = arith.constant 0 : index
    %get3A_252 = vector.load %arg8[%get3A_250, %get3A_251] : memref<8384x256xbf16, #tpu.memory_space<vmem>>, vector<128x256xbf16>
    %swap3A_253 = arith.constant 5120 : index
    %swap3A_254 = arith.constant 0 : index
    %swap3A_255 = vector.load %arg9[%swap3A_253, %swap3A_254] : memref<16384x256xbf16, #tpu.memory_space<vmem>>, vector<128x256xbf16>
    tpu.vector_store %arg9[%swap3A_253, %swap3A_254], %get3A_252 {strides = array<i32>} : memref<16384x256xbf16, #tpu.memory_space<vmem>>, vector<128x256xbf16>,
    %get3A_256 = arith.constant 4345 : index
    %get3A_257 = arith.constant 0 : index
    %get3A_258 = vector.load %arg8[%get3A_256, %get3A_257] : memref<8384x256xbf16, #tpu.memory_space<vmem>>, vector<128x256xbf16>
    %swap3A_259 = arith.constant 5248 : index
    %swap3A_260 = arith.constant 0 : index
    %swap3A_261 = vector.load %arg9[%swap3A_259, %swap3A_260] : memref<16384x256xbf16, #tpu.memory_space<vmem>>, vector<128x256xbf16>
    tpu.vector_store %arg9[%swap3A_259, %swap3A_260], %get3A_258 {strides = array<i32>} : memref<16384x256xbf16, #tpu.memory_space<vmem>>, vector<128x256xbf16>,
    %get3A_262 = arith.constant 4430 : index
    %get3A_263 = arith.constant 0 : index
    %get3A_264 = vector.load %arg8[%get3A_262, %get3A_263] : memref<8384x256xbf16, #tpu.memory_space<vmem>>, vector<128x256xbf16>
    %swap3A_265 = arith.constant 5376 : index
    %swap3A_266 = arith.constant 0 : index
    %swap3A_267 = vector.load %arg9[%swap3A_265, %swap3A_266] : memref<16384x256xbf16, #tpu.memory_space<vmem>>, vector<128x256xbf16>
    tpu.vector_store %arg9[%swap3A_265, %swap3A_266], %get3A_264 {strides = array<i32>} : memref<16384x256xbf16, #tpu.memory_space<vmem>>, vector<128x256xbf16>,
    %get3A_268 = arith.constant 4514 : index
    %get3A_269 = arith.constant 0 : index
    %get3A_270 = vector.load %arg8[%get3A_268, %get3A_269] : memref<8384x256xbf16, #tpu.memory_space<vmem>>, vector<128x256xbf16>
    %swap3A_271 = arith.constant 5504 : index
    %swap3A_272 = arith.constant 0 : index
    %swap3A_273 = vector.load %arg9[%swap3A_271, %swap3A_272] : memref<16384x256xbf16, #tpu.memory_space<vmem>>, vector<128x256xbf16>
    tpu.vector_store %arg9[%swap3A_271, %swap3A_272], %get3A_270 {strides = array<i32>} : memref<16384x256xbf16, #tpu.memory_space<vmem>>, vector<128x256xbf16>,
    %get3A_274 = arith.constant 4597 : index
    %get3A_275 = arith.constant 0 : index
    %get3A_276 = vector.load %arg8[%get3A_274, %get3A_275] : memref<8384x256xbf16, #tpu.memory_space<vmem>>, vector<128x256xbf16>
    %swap3A_277 = arith.constant 5632 : index
    %swap3A_278 = arith.constant 0 : index
    %swap3A_279 = vector.load %arg9[%swap3A_277, %swap3A_278] : memref<16384x256xbf16, #tpu.memory_space<vmem>>, vector<128x256xbf16>
    tpu.vector_store %arg9[%swap3A_277, %swap3A_278], %get3A_276 {strides = array<i32>} : memref<16384x256xbf16, #tpu.memory_space<vmem>>, vector<128x256xbf16>,
    %get3A_280 = arith.constant 4679 : index
    %get3A_281 = arith.constant 0 : index
    %get3A_282 = vector.load %arg8[%get3A_280, %get3A_281] : memref<8384x256xbf16, #tpu.memory_space<vmem>>, vector<128x256xbf16>
    %swap3A_283 = arith.constant 5760 : index
    %swap3A_284 = arith.constant 0 : index
    %swap3A_285 = vector.load %arg9[%swap3A_283, %swap3A_284] : memref<16384x256xbf16, #tpu.memory_space<vmem>>, vector<128x256xbf16>
    tpu.vector_store %arg9[%swap3A_283, %swap3A_284], %get3A_282 {strides = array<i32>} : memref<16384x256xbf16, #tpu.memory_space<vmem>>, vector<128x256xbf16>,
    %get3A_286 = arith.constant 4760 : index
    %get3A_287 = arith.constant 0 : index
    %get3A_288 = vector.load %arg8[%get3A_286, %get3A_287] : memref<8384x256xbf16, #tpu.memory_space<vmem>>, vector<128x256xbf16>
    %swap3A_289 = arith.constant 5888 : index
    %swap3A_290 = arith.constant 0 : index
    %swap3A_291 = vector.load %arg9[%swap3A_289, %swap3A_290] : memref<16384x256xbf16, #tpu.memory_space<vmem>>, vector<128x256xbf16>
    tpu.vector_store %arg9[%swap3A_289, %swap3A_290], %get3A_288 {strides = array<i32>} : memref<16384x256xbf16, #tpu.memory_space<vmem>>, vector<128x256xbf16>,
    %get3A_292 = arith.constant 4840 : index
    %get3A_293 = arith.constant 0 : index
    %get3A_294 = vector.load %arg8[%get3A_292, %get3A_293] : memref<8384x256xbf16, #tpu.memory_space<vmem>>, vector<128x256xbf16>
    %swap3A_295 = arith.constant 6016 : index
    %swap3A_296 = arith.constant 0 : index
    %swap3A_297 = vector.load %arg9[%swap3A_295, %swap3A_296] : memref<16384x256xbf16, #tpu.memory_space<vmem>>, vector<128x256xbf16>
    tpu.vector_store %arg9[%swap3A_295, %swap3A_296], %get3A_294 {strides = array<i32>} : memref<16384x256xbf16, #tpu.memory_space<vmem>>, vector<128x256xbf16>,
    %get3A_298 = arith.constant 4919 : index
    %get3A_299 = arith.constant 0 : index
    %get3A_300 = vector.load %arg8[%get3A_298, %get3A_299] : memref<8384x256xbf16, #tpu.memory_space<vmem>>, vector<128x256xbf16>
    %swap3A_301 = arith.constant 6144 : index
    %swap3A_302 = arith.constant 0 : index
    %swap3A_303 = vector.load %arg9[%swap3A_301, %swap3A_302] : memref<16384x256xbf16, #tpu.memory_space<vmem>>, vector<128x256xbf16>
    tpu.vector_store %arg9[%swap3A_301, %swap3A_302], %get3A_300 {strides = array<i32>} : memref<16384x256xbf16, #tpu.memory_space<vmem>>, vector<128x256xbf16>,
    %get3A_304 = arith.constant 4997 : index
    %get3A_305 = arith.constant 0 : index
    %get3A_306 = vector.load %arg8[%get3A_304, %get3A_305] : memref<8384x256xbf16, #tpu.memory_space<vmem>>, vector<128x256xbf16>
    %swap3A_307 = arith.constant 6272 : index
    %swap3A_308 = arith.constant 0 : index
    %swap3A_309 = vector.load %arg9[%swap3A_307, %swap3A_308] : memref<16384x256xbf16, #tpu.memory_space<vmem>>, vector<128x256xbf16>
    tpu.vector_store %arg9[%swap3A_307, %swap3A_308], %get3A_306 {strides = array<i32>} : memref<16384x256xbf16, #tpu.memory_space<vmem>>, vector<128x256xbf16>,
    %get3A_310 = arith.constant 5074 : index
    %get3A_311 = arith.constant 0 : index
    %get3A_312 = vector.load %arg8[%get3A_310, %get3A_311] : memref<8384x256xbf16, #tpu.memory_space<vmem>>, vector<128x256xbf16>
    %swap3A_313 = arith.constant 6400 : index
    %swap3A_314 = arith.constant 0 : index
    %swap3A_315 = vector.load %arg9[%swap3A_313, %swap3A_314] : memref<16384x256xbf16, #tpu.memory_space<vmem>>, vector<128x256xbf16>
    tpu.vector_store %arg9[%swap3A_313, %swap3A_314], %get3A_312 {strides = array<i32>} : memref<16384x256xbf16, #tpu.memory_space<vmem>>, vector<128x256xbf16>,
    %get3A_316 = arith.constant 5150 : index
    %get3A_317 = arith.constant 0 : index
    %get3A_318 = vector.load %arg8[%get3A_316, %get3A_317] : memref<8384x256xbf16, #tpu.memory_space<vmem>>, vector<128x256xbf16>
    %swap3A_319 = arith.constant 6528 : index
    %swap3A_320 = arith.constant 0 : index
    %swap3A_321 = vector.load %arg9[%swap3A_319, %swap3A_320] : memref<16384x256xbf16, #tpu.memory_space<vmem>>, vector<128x256xbf16>
    tpu.vector_store %arg9[%swap3A_319, %swap3A_320], %get3A_318 {strides = array<i32>} : memref<16384x256xbf16, #tpu.memory_space<vmem>>, vector<128x256xbf16>,
    %get3A_322 = arith.constant 5225 : index
    %get3A_323 = arith.constant 0 : index
    %get3A_324 = vector.load %arg8[%get3A_322, %get3A_323] : memref<8384x256xbf16, #tpu.memory_space<vmem>>, vector<128x256xbf16>
    %swap3A_325 = arith.constant 6656 : index
    %swap3A_326 = arith.constant 0 : index
    %swap3A_327 = vector.load %arg9[%swap3A_325, %swap3A_326] : memref<16384x256xbf16, #tpu.memory_space<vmem>>, vector<128x256xbf16>
    tpu.vector_store %arg9[%swap3A_325, %swap3A_326], %get3A_324 {strides = array<i32>} : memref<16384x256xbf16, #tpu.memory_space<vmem>>, vector<128x256xbf16>,
    %get3A_328 = arith.constant 5299 : index
    %get3A_329 = arith.constant 0 : index
    %get3A_330 = vector.load %arg8[%get3A_328, %get3A_329] : memref<8384x256xbf16, #tpu.memory_space<vmem>>, vector<128x256xbf16>
    %swap3A_331 = arith.constant 6784 : index
    %swap3A_332 = arith.constant 0 : index
    %swap3A_333 = vector.load %arg9[%swap3A_331, %swap3A_332] : memref<16384x256xbf16, #tpu.memory_space<vmem>>, vector<128x256xbf16>
    tpu.vector_store %arg9[%swap3A_331, %swap3A_332], %get3A_330 {strides = array<i32>} : memref<16384x256xbf16, #tpu.memory_space<vmem>>, vector<128x256xbf16>,
    %get3A_334 = arith.constant 5372 : index
    %get3A_335 = arith.constant 0 : index
    %get3A_336 = vector.load %arg8[%get3A_334, %get3A_335] : memref<8384x256xbf16, #tpu.memory_space<vmem>>, vector<128x256xbf16>
    %swap3A_337 = arith.constant 6912 : index
    %swap3A_338 = arith.constant 0 : index
    %swap3A_339 = vector.load %arg9[%swap3A_337, %swap3A_338] : memref<16384x256xbf16, #tpu.memory_space<vmem>>, vector<128x256xbf16>
    tpu.vector_store %arg9[%swap3A_337, %swap3A_338], %get3A_336 {strides = array<i32>} : memref<16384x256xbf16, #tpu.memory_space<vmem>>, vector<128x256xbf16>,
    %get3A_340 = arith.constant 5444 : index
    %get3A_341 = arith.constant 0 : index
    %get3A_342 = vector.load %arg8[%get3A_340, %get3A_341] : memref<8384x256xbf16, #tpu.memory_space<vmem>>, vector<128x256xbf16>
    %swap3A_343 = arith.constant 7040 : index
    %swap3A_344 = arith.constant 0 : index
    %swap3A_345 = vector.load %arg9[%swap3A_343, %swap3A_344] : memref<16384x256xbf16, #tpu.memory_space<vmem>>, vector<128x256xbf16>
    tpu.vector_store %arg9[%swap3A_343, %swap3A_344], %get3A_342 {strides = array<i32>} : memref<16384x256xbf16, #tpu.memory_space<vmem>>, vector<128x256xbf16>,
    %get3A_346 = arith.constant 5515 : index
    %get3A_347 = arith.constant 0 : index
    %get3A_348 = vector.load %arg8[%get3A_346, %get3A_347] : memref<8384x256xbf16, #tpu.memory_space<vmem>>, vector<128x256xbf16>
    %swap3A_349 = arith.constant 7168 : index
    %swap3A_350 = arith.constant 0 : index
    %swap3A_351 = vector.load %arg9[%swap3A_349, %swap3A_350] : memref<16384x256xbf16, #tpu.memory_space<vmem>>, vector<128x256xbf16>
    tpu.vector_store %arg9[%swap3A_349, %swap3A_350], %get3A_348 {strides = array<i32>} : memref<16384x256xbf16, #tpu.memory_space<vmem>>, vector<128x256xbf16>,
    %get3A_352 = arith.constant 5585 : index
    %get3A_353 = arith.constant 0 : index
    %get3A_354 = vector.load %arg8[%get3A_352, %get3A_353] : memref<8384x256xbf16, #tpu.memory_space<vmem>>, vector<128x256xbf16>
    %swap3A_355 = arith.constant 7296 : index
    %swap3A_356 = arith.constant 0 : index
    %swap3A_357 = vector.load %arg9[%swap3A_355, %swap3A_356] : memref<16384x256xbf16, #tpu.memory_space<vmem>>, vector<128x256xbf16>
    tpu.vector_store %arg9[%swap3A_355, %swap3A_356], %get3A_354 {strides = array<i32>} : memref<16384x256xbf16, #tpu.memory_space<vmem>>, vector<128x256xbf16>,
    %get3A_358 = arith.constant 5654 : index
    %get3A_359 = arith.constant 0 : index
    %get3A_360 = vector.load %arg8[%get3A_358, %get3A_359] : memref<8384x256xbf16, #tpu.memory_space<vmem>>, vector<128x256xbf16>
    %swap3A_361 = arith.constant 7424 : index
    %swap3A_362 = arith.constant 0 : index
    %swap3A_363 = vector.load %arg9[%swap3A_361, %swap3A_362] : memref<16384x256xbf16, #tpu.memory_space<vmem>>, vector<128x256xbf16>
    tpu.vector_store %arg9[%swap3A_361, %swap3A_362], %get3A_360 {strides = array<i32>} : memref<16384x256xbf16, #tpu.memory_space<vmem>>, vector<128x256xbf16>,
    %get3A_364 = arith.constant 5722 : index
    %get3A_365 = arith.constant 0 : index
    %get3A_366 = vector.load %arg8[%get3A_364, %get3A_365] : memref<8384x256xbf16, #tpu.memory_space<vmem>>, vector<128x256xbf16>
    %swap3A_367 = arith.constant 7552 : index
    %swap3A_368 = arith.constant 0 : index
    %swap3A_369 = vector.load %arg9[%swap3A_367, %swap3A_368] : memref<16384x256xbf16, #tpu.memory_space<vmem>>, vector<128x256xbf16>
    tpu.vector_store %arg9[%swap3A_367, %swap3A_368], %get3A_366 {strides = array<i32>} : memref<16384x256xbf16, #tpu.memory_space<vmem>>, vector<128x256xbf16>,
    %get3A_370 = arith.constant 5789 : index
    %get3A_371 = arith.constant 0 : index
    %get3A_372 = vector.load %arg8[%get3A_370, %get3A_371] : memref<8384x256xbf16, #tpu.memory_space<vmem>>, vector<128x256xbf16>
    %swap3A_373 = arith.constant 7680 : index
    %swap3A_374 = arith.constant 0 : index
    %swap3A_375 = vector.load %arg9[%swap3A_373, %swap3A_374] : memref<16384x256xbf16, #tpu.memory_space<vmem>>, vector<128x256xbf16>
    tpu.vector_store %arg9[%swap3A_373, %swap3A_374], %get3A_372 {strides = array<i32>} : memref<16384x256xbf16, #tpu.memory_space<vmem>>, vector<128x256xbf16>,
    %get3A_376 = arith.constant 5855 : index
    %get3A_377 = arith.constant 0 : index
    %get3A_378 = vector.load %arg8[%get3A_376, %get3A_377] : memref<8384x256xbf16, #tpu.memory_space<vmem>>, vector<128x256xbf16>
    %swap3A_379 = arith.constant 7808 : index
    %swap3A_380 = arith.constant 0 : index
    %swap3A_381 = vector.load %arg9[%swap3A_379, %swap3A_380] : memref<16384x256xbf16, #tpu.memory_space<vmem>>, vector<128x256xbf16>
    tpu.vector_store %arg9[%swap3A_379, %swap3A_380], %get3A_378 {strides = array<i32>} : memref<16384x256xbf16, #tpu.memory_space<vmem>>, vector<128x256xbf16>,
    %get3A_382 = arith.constant 5920 : index
    %get3A_383 = arith.constant 0 : index
    %get3A_384 = vector.load %arg8[%get3A_382, %get3A_383] : memref<8384x256xbf16, #tpu.memory_space<vmem>>, vector<128x256xbf16>
    %swap3A_385 = arith.constant 7936 : index
    %swap3A_386 = arith.constant 0 : index
    %swap3A_387 = vector.load %arg9[%swap3A_385, %swap3A_386] : memref<16384x256xbf16, #tpu.memory_space<vmem>>, vector<128x256xbf16>
    tpu.vector_store %arg9[%swap3A_385, %swap3A_386], %get3A_384 {strides = array<i32>} : memref<16384x256xbf16, #tpu.memory_space<vmem>>, vector<128x256xbf16>,
    %get3A_388 = arith.constant 5984 : index
    %get3A_389 = arith.constant 0 : index
    %get3A_390 = vector.load %arg8[%get3A_388, %get3A_389] : memref<8384x256xbf16, #tpu.memory_space<vmem>>, vector<128x256xbf16>
    %swap3A_391 = arith.constant 8064 : index
    %swap3A_392 = arith.constant 0 : index
    %swap3A_393 = vector.load %arg9[%swap3A_391, %swap3A_392] : memref<16384x256xbf16, #tpu.memory_space<vmem>>, vector<128x256xbf16>
    tpu.vector_store %arg9[%swap3A_391, %swap3A_392], %get3A_390 {strides = array<i32>} : memref<16384x256xbf16, #tpu.memory_space<vmem>>, vector<128x256xbf16>,
    %get3A_394 = arith.constant 6047 : index
    %get3A_395 = arith.constant 0 : index
    %get3A_396 = vector.load %arg8[%get3A_394, %get3A_395] : memref<8384x256xbf16, #tpu.memory_space<vmem>>, vector<128x256xbf16>
    %swap3A_397 = arith.constant 8192 : index
    %swap3A_398 = arith.constant 0 : index
    %swap3A_399 = vector.load %arg9[%swap3A_397, %swap3A_398] : memref<16384x256xbf16, #tpu.memory_space<vmem>>, vector<128x256xbf16>
    tpu.vector_store %arg9[%swap3A_397, %swap3A_398], %get3A_396 {strides = array<i32>} : memref<16384x256xbf16, #tpu.memory_space<vmem>>, vector<128x256xbf16>,
    %get3A_400 = arith.constant 6109 : index
    %get3A_401 = arith.constant 0 : index
    %get3A_402 = vector.load %arg8[%get3A_400, %get3A_401] : memref<8384x256xbf16, #tpu.memory_space<vmem>>, vector<128x256xbf16>
    %swap3A_403 = arith.constant 8320 : index
    %swap3A_404 = arith.constant 0 : index
    %swap3A_405 = vector.load %arg9[%swap3A_403, %swap3A_404] : memref<16384x256xbf16, #tpu.memory_space<vmem>>, vector<128x256xbf16>
    tpu.vector_store %arg9[%swap3A_403, %swap3A_404], %get3A_402 {strides = array<i32>} : memref<16384x256xbf16, #tpu.memory_space<vmem>>, vector<128x256xbf16>,
    %get3A_406 = arith.constant 6170 : index
    %get3A_407 = arith.constant 0 : index
    %get3A_408 = vector.load %arg8[%get3A_406, %get3A_407] : memref<8384x256xbf16, #tpu.memory_space<vmem>>, vector<128x256xbf16>
    %swap3A_409 = arith.constant 8448 : index
    %swap3A_410 = arith.constant 0 : index
    %swap3A_411 = vector.load %arg9[%swap3A_409, %swap3A_410] : memref<16384x256xbf16, #tpu.memory_space<vmem>>, vector<128x256xbf16>
    tpu.vector_store %arg9[%swap3A_409, %swap3A_410], %get3A_408 {strides = array<i32>} : memref<16384x256xbf16, #tpu.memory_space<vmem>>, vector<128x256xbf16>,
    %get3A_412 = arith.constant 6230 : index
    %get3A_413 = arith.constant 0 : index
    %get3A_414 = vector.load %arg8[%get3A_412, %get3A_413] : memref<8384x256xbf16, #tpu.memory_space<vmem>>, vector<128x256xbf16>
    %swap3A_415 = arith.constant 8576 : index
    %swap3A_416 = arith.constant 0 : index
    %swap3A_417 = vector.load %arg9[%swap3A_415, %swap3A_416] : memref<16384x256xbf16, #tpu.memory_space<vmem>>, vector<128x256xbf16>
    tpu.vector_store %arg9[%swap3A_415, %swap3A_416], %get3A_414 {strides = array<i32>} : memref<16384x256xbf16, #tpu.memory_space<vmem>>, vector<128x256xbf16>,
    %get3A_418 = arith.constant 6289 : index
    %get3A_419 = arith.constant 0 : index
    %get3A_420 = vector.load %arg8[%get3A_418, %get3A_419] : memref<8384x256xbf16, #tpu.memory_space<vmem>>, vector<128x256xbf16>
    %swap3A_421 = arith.constant 8704 : index
    %swap3A_422 = arith.constant 0 : index
    %swap3A_423 = vector.load %arg9[%swap3A_421, %swap3A_422] : memref<16384x256xbf16, #tpu.memory_space<vmem>>, vector<128x256xbf16>
    tpu.vector_store %arg9[%swap3A_421, %swap3A_422], %get3A_420 {strides = array<i32>} : memref<16384x256xbf16, #tpu.memory_space<vmem>>, vector<128x256xbf16>,
    %get3A_424 = arith.constant 6347 : index
    %get3A_425 = arith.constant 0 : index
    %get3A_426 = vector.load %arg8[%get3A_424, %get3A_425] : memref<8384x256xbf16, #tpu.memory_space<vmem>>, vector<128x256xbf16>
    %swap3A_427 = arith.constant 8832 : index
    %swap3A_428 = arith.constant 0 : index
    %swap3A_429 = vector.load %arg9[%swap3A_427, %swap3A_428] : memref<16384x256xbf16, #tpu.memory_space<vmem>>, vector<128x256xbf16>
    tpu.vector_store %arg9[%swap3A_427, %swap3A_428], %get3A_426 {strides = array<i32>} : memref<16384x256xbf16, #tpu.memory_space<vmem>>, vector<128x256xbf16>,
    %get3A_430 = arith.constant 6404 : index
    %get3A_431 = arith.constant 0 : index
    %get3A_432 = vector.load %arg8[%get3A_430, %get3A_431] : memref<8384x256xbf16, #tpu.memory_space<vmem>>, vector<128x256xbf16>
    %swap3A_433 = arith.constant 8960 : index
    %swap3A_434 = arith.constant 0 : index
    %swap3A_435 = vector.load %arg9[%swap3A_433, %swap3A_434] : memref<16384x256xbf16, #tpu.memory_space<vmem>>, vector<128x256xbf16>
    tpu.vector_store %arg9[%swap3A_433, %swap3A_434], %get3A_432 {strides = array<i32>} : memref<16384x256xbf16, #tpu.memory_space<vmem>>, vector<128x256xbf16>,
    %get3A_436 = arith.constant 6460 : index
    %get3A_437 = arith.constant 0 : index
    %get3A_438 = vector.load %arg8[%get3A_436, %get3A_437] : memref<8384x256xbf16, #tpu.memory_space<vmem>>, vector<128x256xbf16>
    %swap3A_439 = arith.constant 9088 : index
    %swap3A_440 = arith.constant 0 : index
    %swap3A_441 = vector.load %arg9[%swap3A_439, %swap3A_440] : memref<16384x256xbf16, #tpu.memory_space<vmem>>, vector<128x256xbf16>
    tpu.vector_store %arg9[%swap3A_439, %swap3A_440], %get3A_438 {strides = array<i32>} : memref<16384x256xbf16, #tpu.memory_space<vmem>>, vector<128x256xbf16>,
    %get3A_442 = arith.constant 6515 : index
    %get3A_443 = arith.constant 0 : index
    %get3A_444 = vector.load %arg8[%get3A_442, %get3A_443] : memref<8384x256xbf16, #tpu.memory_space<vmem>>, vector<128x256xbf16>
    %swap3A_445 = arith.constant 9216 : index
    %swap3A_446 = arith.constant 0 : index
    %swap3A_447 = vector.load %arg9[%swap3A_445, %swap3A_446] : memref<16384x256xbf16, #tpu.memory_space<vmem>>, vector<128x256xbf16>
    tpu.vector_store %arg9[%swap3A_445, %swap3A_446], %get3A_444 {strides = array<i32>} : memref<16384x256xbf16, #tpu.memory_space<vmem>>, vector<128x256xbf16>,
    %get3A_448 = arith.constant 6569 : index
    %get3A_449 = arith.constant 0 : index
    %get3A_450 = vector.load %arg8[%get3A_448, %get3A_449] : memref<8384x256xbf16, #tpu.memory_space<vmem>>, vector<128x256xbf16>
    %swap3A_451 = arith.constant 9344 : index
    %swap3A_452 = arith.constant 0 : index
    %swap3A_453 = vector.load %arg9[%swap3A_451, %swap3A_452] : memref<16384x256xbf16, #tpu.memory_space<vmem>>, vector<128x256xbf16>
    tpu.vector_store %arg9[%swap3A_451, %swap3A_452], %get3A_450 {strides = array<i32>} : memref<16384x256xbf16, #tpu.memory_space<vmem>>, vector<128x256xbf16>,
    %get3A_454 = arith.constant 6622 : index
    %get3A_455 = arith.constant 0 : index
    %get3A_456 = vector.load %arg8[%get3A_454, %get3A_455] : memref<8384x256xbf16, #tpu.memory_space<vmem>>, vector<128x256xbf16>
    %swap3A_457 = arith.constant 9472 : index
    %swap3A_458 = arith.constant 0 : index
    %swap3A_459 = vector.load %arg9[%swap3A_457, %swap3A_458] : memref<16384x256xbf16, #tpu.memory_space<vmem>>, vector<128x256xbf16>
    tpu.vector_store %arg9[%swap3A_457, %swap3A_458], %get3A_456 {strides = array<i32>} : memref<16384x256xbf16, #tpu.memory_space<vmem>>, vector<128x256xbf16>,
    %get3A_460 = arith.constant 6674 : index
    %get3A_461 = arith.constant 0 : index
    %get3A_462 = vector.load %arg8[%get3A_460, %get3A_461] : memref<8384x256xbf16, #tpu.memory_space<vmem>>, vector<128x256xbf16>
    %swap3A_463 = arith.constant 9600 : index
    %swap3A_464 = arith.constant 0 : index
    %swap3A_465 = vector.load %arg9[%swap3A_463, %swap3A_464] : memref<16384x256xbf16, #tpu.memory_space<vmem>>, vector<128x256xbf16>
    tpu.vector_store %arg9[%swap3A_463, %swap3A_464], %get3A_462 {strides = array<i32>} : memref<16384x256xbf16, #tpu.memory_space<vmem>>, vector<128x256xbf16>,
    %get3A_466 = arith.constant 6725 : index
    %get3A_467 = arith.constant 0 : index
    %get3A_468 = vector.load %arg8[%get3A_466, %get3A_467] : memref<8384x256xbf16, #tpu.memory_space<vmem>>, vector<128x256xbf16>
    %swap3A_469 = arith.constant 9728 : index
    %swap3A_470 = arith.constant 0 : index
    %swap3A_471 = vector.load %arg9[%swap3A_469, %swap3A_470] : memref<16384x256xbf16, #tpu.memory_space<vmem>>, vector<128x256xbf16>
    tpu.vector_store %arg9[%swap3A_469, %swap3A_470], %get3A_468 {strides = array<i32>} : memref<16384x256xbf16, #tpu.memory_space<vmem>>, vector<128x256xbf16>,
    %get3A_472 = arith.constant 6775 : index
    %get3A_473 = arith.constant 0 : index
    %get3A_474 = vector.load %arg8[%get3A_472, %get3A_473] : memref<8384x256xbf16, #tpu.memory_space<vmem>>, vector<128x256xbf16>
    %swap3A_475 = arith.constant 9856 : index
    %swap3A_476 = arith.constant 0 : index
    %swap3A_477 = vector.load %arg9[%swap3A_475, %swap3A_476] : memref<16384x256xbf16, #tpu.memory_space<vmem>>, vector<128x256xbf16>
    tpu.vector_store %arg9[%swap3A_475, %swap3A_476], %get3A_474 {strides = array<i32>} : memref<16384x256xbf16, #tpu.memory_space<vmem>>, vector<128x256xbf16>,
    %get3A_478 = arith.constant 6824 : index
    %get3A_479 = arith.constant 0 : index
    %get3A_480 = vector.load %arg8[%get3A_478, %get3A_479] : memref<8384x256xbf16, #tpu.memory_space<vmem>>, vector<128x256xbf16>
    %swap3A_481 = arith.constant 9984 : index
    %swap3A_482 = arith.constant 0 : index
    %swap3A_483 = vector.load %arg9[%swap3A_481, %swap3A_482] : memref<16384x256xbf16, #tpu.memory_space<vmem>>, vector<128x256xbf16>
    tpu.vector_store %arg9[%swap3A_481, %swap3A_482], %get3A_480 {strides = array<i32>} : memref<16384x256xbf16, #tpu.memory_space<vmem>>, vector<128x256xbf16>,
    %get3A_484 = arith.constant 6872 : index
    %get3A_485 = arith.constant 0 : index
    %get3A_486 = vector.load %arg8[%get3A_484, %get3A_485] : memref<8384x256xbf16, #tpu.memory_space<vmem>>, vector<128x256xbf16>
    %swap3A_487 = arith.constant 10112 : index
    %swap3A_488 = arith.constant 0 : index
    %swap3A_489 = vector.load %arg9[%swap3A_487, %swap3A_488] : memref<16384x256xbf16, #tpu.memory_space<vmem>>, vector<128x256xbf16>
    tpu.vector_store %arg9[%swap3A_487, %swap3A_488], %get3A_486 {strides = array<i32>} : memref<16384x256xbf16, #tpu.memory_space<vmem>>, vector<128x256xbf16>,
    %get3A_490 = arith.constant 6919 : index
    %get3A_491 = arith.constant 0 : index
    %get3A_492 = vector.load %arg8[%get3A_490, %get3A_491] : memref<8384x256xbf16, #tpu.memory_space<vmem>>, vector<128x256xbf16>
    %swap3A_493 = arith.constant 10240 : index
    %swap3A_494 = arith.constant 0 : index
    %swap3A_495 = vector.load %arg9[%swap3A_493, %swap3A_494] : memref<16384x256xbf16, #tpu.memory_space<vmem>>, vector<128x256xbf16>
    tpu.vector_store %arg9[%swap3A_493, %swap3A_494], %get3A_492 {strides = array<i32>} : memref<16384x256xbf16, #tpu.memory_space<vmem>>, vector<128x256xbf16>,
    %get3A_496 = arith.constant 6965 : index
    %get3A_497 = arith.constant 0 : index
    %get3A_498 = vector.load %arg8[%get3A_496, %get3A_497] : memref<8384x256xbf16, #tpu.memory_space<vmem>>, vector<128x256xbf16>
    %swap3A_499 = arith.constant 10368 : index
    %swap3A_500 = arith.constant 0 : index
    %swap3A_501 = vector.load %arg9[%swap3A_499, %swap3A_500] : memref<16384x256xbf16, #tpu.memory_space<vmem>>, vector<128x256xbf16>
    tpu.vector_store %arg9[%swap3A_499, %swap3A_500], %get3A_498 {strides = array<i32>} : memref<16384x256xbf16, #tpu.memory_space<vmem>>, vector<128x256xbf16>,
    %get3A_502 = arith.constant 7010 : index
    %get3A_503 = arith.constant 0 : index
    %get3A_504 = vector.load %arg8[%get3A_502, %get3A_503] : memref<8384x256xbf16, #tpu.memory_space<vmem>>, vector<128x256xbf16>
    %swap3A_505 = arith.constant 10496 : index
    %swap3A_506 = arith.constant 0 : index
    %swap3A_507 = vector.load %arg9[%swap3A_505, %swap3A_506] : memref<16384x256xbf16, #tpu.memory_space<vmem>>, vector<128x256xbf16>
    tpu.vector_store %arg9[%swap3A_505, %swap3A_506], %get3A_504 {strides = array<i32>} : memref<16384x256xbf16, #tpu.memory_space<vmem>>, vector<128x256xbf16>,
    %get3A_508 = arith.constant 7054 : index
    %get3A_509 = arith.constant 0 : index
    %get3A_510 = vector.load %arg8[%get3A_508, %get3A_509] : memref<8384x256xbf16, #tpu.memory_space<vmem>>, vector<128x256xbf16>
    %swap3A_511 = arith.constant 10624 : index
    %swap3A_512 = arith.constant 0 : index
    %swap3A_513 = vector.load %arg9[%swap3A_511, %swap3A_512] : memref<16384x256xbf16, #tpu.memory_space<vmem>>, vector<128x256xbf16>
    tpu.vector_store %arg9[%swap3A_511, %swap3A_512], %get3A_510 {strides = array<i32>} : memref<16384x256xbf16, #tpu.memory_space<vmem>>, vector<128x256xbf16>,
    %get3A_514 = arith.constant 7097 : index
    %get3A_515 = arith.constant 0 : index
    %get3A_516 = vector.load %arg8[%get3A_514, %get3A_515] : memref<8384x256xbf16, #tpu.memory_space<vmem>>, vector<128x256xbf16>
    %swap3A_517 = arith.constant 10752 : index
    %swap3A_518 = arith.constant 0 : index
    %swap3A_519 = vector.load %arg9[%swap3A_517, %swap3A_518] : memref<16384x256xbf16, #tpu.memory_space<vmem>>, vector<128x256xbf16>
    tpu.vector_store %arg9[%swap3A_517, %swap3A_518], %get3A_516 {strides = array<i32>} : memref<16384x256xbf16, #tpu.memory_space<vmem>>, vector<128x256xbf16>,
    %get3A_520 = arith.constant 7139 : index
    %get3A_521 = arith.constant 0 : index
    %get3A_522 = vector.load %arg8[%get3A_520, %get3A_521] : memref<8384x256xbf16, #tpu.memory_space<vmem>>, vector<128x256xbf16>
    %swap3A_523 = arith.constant 10880 : index
    %swap3A_524 = arith.constant 0 : index
    %swap3A_525 = vector.load %arg9[%swap3A_523, %swap3A_524] : memref<16384x256xbf16, #tpu.memory_space<vmem>>, vector<128x256xbf16>
    tpu.vector_store %arg9[%swap3A_523, %swap3A_524], %get3A_522 {strides = array<i32>} : memref<16384x256xbf16, #tpu.memory_space<vmem>>, vector<128x256xbf16>,
    %get3A_526 = arith.constant 7180 : index
    %get3A_527 = arith.constant 0 : index
    %get3A_528 = vector.load %arg8[%get3A_526, %get3A_527] : memref<8384x256xbf16, #tpu.memory_space<vmem>>, vector<128x256xbf16>
    %swap3A_529 = arith.constant 11008 : index
    %swap3A_530 = arith.constant 0 : index
    %swap3A_531 = vector.load %arg9[%swap3A_529, %swap3A_530] : memref<16384x256xbf16, #tpu.memory_space<vmem>>, vector<128x256xbf16>
    tpu.vector_store %arg9[%swap3A_529, %swap3A_530], %get3A_528 {strides = array<i32>} : memref<16384x256xbf16, #tpu.memory_space<vmem>>, vector<128x256xbf16>,
    %get3A_532 = arith.constant 7220 : index
    %get3A_533 = arith.constant 0 : index
    %get3A_534 = vector.load %arg8[%get3A_532, %get3A_533] : memref<8384x256xbf16, #tpu.memory_space<vmem>>, vector<128x256xbf16>
    %swap3A_535 = arith.constant 11136 : index
    %swap3A_536 = arith.constant 0 : index
    %swap3A_537 = vector.load %arg9[%swap3A_535, %swap3A_536] : memref<16384x256xbf16, #tpu.memory_space<vmem>>, vector<128x256xbf16>
    tpu.vector_store %arg9[%swap3A_535, %swap3A_536], %get3A_534 {strides = array<i32>} : memref<16384x256xbf16, #tpu.memory_space<vmem>>, vector<128x256xbf16>,
    %get3A_538 = arith.constant 7259 : index
    %get3A_539 = arith.constant 0 : index
    %get3A_540 = vector.load %arg8[%get3A_538, %get3A_539] : memref<8384x256xbf16, #tpu.memory_space<vmem>>, vector<128x256xbf16>
    %swap3A_541 = arith.constant 11264 : index
    %swap3A_542 = arith.constant 0 : index
    %swap3A_543 = vector.load %arg9[%swap3A_541, %swap3A_542] : memref<16384x256xbf16, #tpu.memory_space<vmem>>, vector<128x256xbf16>
    tpu.vector_store %arg9[%swap3A_541, %swap3A_542], %get3A_540 {strides = array<i32>} : memref<16384x256xbf16, #tpu.memory_space<vmem>>, vector<128x256xbf16>,
    %get3A_544 = arith.constant 7297 : index
    %get3A_545 = arith.constant 0 : index
    %get3A_546 = vector.load %arg8[%get3A_544, %get3A_545] : memref<8384x256xbf16, #tpu.memory_space<vmem>>, vector<128x256xbf16>
    %swap3A_547 = arith.constant 11392 : index
    %swap3A_548 = arith.constant 0 : index
    %swap3A_549 = vector.load %arg9[%swap3A_547, %swap3A_548] : memref<16384x256xbf16, #tpu.memory_space<vmem>>, vector<128x256xbf16>
    tpu.vector_store %arg9[%swap3A_547, %swap3A_548], %get3A_546 {strides = array<i32>} : memref<16384x256xbf16, #tpu.memory_space<vmem>>, vector<128x256xbf16>,
    %get3A_550 = arith.constant 7334 : index
    %get3A_551 = arith.constant 0 : index
    %get3A_552 = vector.load %arg8[%get3A_550, %get3A_551] : memref<8384x256xbf16, #tpu.memory_space<vmem>>, vector<128x256xbf16>
    %swap3A_553 = arith.constant 11520 : index
    %swap3A_554 = arith.constant 0 : index
    %swap3A_555 = vector.load %arg9[%swap3A_553, %swap3A_554] : memref<16384x256xbf16, #tpu.memory_space<vmem>>, vector<128x256xbf16>
    tpu.vector_store %arg9[%swap3A_553, %swap3A_554], %get3A_552 {strides = array<i32>} : memref<16384x256xbf16, #tpu.memory_space<vmem>>, vector<128x256xbf16>,
    %get3A_556 = arith.constant 7370 : index
    %get3A_557 = arith.constant 0 : index
    %get3A_558 = vector.load %arg8[%get3A_556, %get3A_557] : memref<8384x256xbf16, #tpu.memory_space<vmem>>, vector<128x256xbf16>
    %swap3A_559 = arith.constant 11648 : index
    %swap3A_560 = arith.constant 0 : index
    %swap3A_561 = vector.load %arg9[%swap3A_559, %swap3A_560] : memref<16384x256xbf16, #tpu.memory_space<vmem>>, vector<128x256xbf16>
    tpu.vector_store %arg9[%swap3A_559, %swap3A_560], %get3A_558 {strides = array<i32>} : memref<16384x256xbf16, #tpu.memory_space<vmem>>, vector<128x256xbf16>,
    %get3A_562 = arith.constant 7405 : index
    %get3A_563 = arith.constant 0 : index
    %get3A_564 = vector.load %arg8[%get3A_562, %get3A_563] : memref<8384x256xbf16, #tpu.memory_space<vmem>>, vector<128x256xbf16>
    %swap3A_565 = arith.constant 11776 : index
    %swap3A_566 = arith.constant 0 : index
    %swap3A_567 = vector.load %arg9[%swap3A_565, %swap3A_566] : memref<16384x256xbf16, #tpu.memory_space<vmem>>, vector<128x256xbf16>
    tpu.vector_store %arg9[%swap3A_565, %swap3A_566], %get3A_564 {strides = array<i32>} : memref<16384x256xbf16, #tpu.memory_space<vmem>>, vector<128x256xbf16>,
    %get3A_568 = arith.constant 7439 : index
    %get3A_569 = arith.constant 0 : index
    %get3A_570 = vector.load %arg8[%get3A_568, %get3A_569] : memref<8384x256xbf16, #tpu.memory_space<vmem>>, vector<128x256xbf16>
    %swap3A_571 = arith.constant 11904 : index
    %swap3A_572 = arith.constant 0 : index
    %swap3A_573 = vector.load %arg9[%swap3A_571, %swap3A_572] : memref<16384x256xbf16, #tpu.memory_space<vmem>>, vector<128x256xbf16>
    tpu.vector_store %arg9[%swap3A_571, %swap3A_572], %get3A_570 {strides = array<i32>} : memref<16384x256xbf16, #tpu.memory_space<vmem>>, vector<128x256xbf16>,
    %get3A_574 = arith.constant 7472 : index
    %get3A_575 = arith.constant 0 : index
    %get3A_576 = vector.load %arg8[%get3A_574, %get3A_575] : memref<8384x256xbf16, #tpu.memory_space<vmem>>, vector<128x256xbf16>
    %swap3A_577 = arith.constant 12032 : index
    %swap3A_578 = arith.constant 0 : index
    %swap3A_579 = vector.load %arg9[%swap3A_577, %swap3A_578] : memref<16384x256xbf16, #tpu.memory_space<vmem>>, vector<128x256xbf16>
    tpu.vector_store %arg9[%swap3A_577, %swap3A_578], %get3A_576 {strides = array<i32>} : memref<16384x256xbf16, #tpu.memory_space<vmem>>, vector<128x256xbf16>,
    %get3A_580 = arith.constant 7504 : index
    %get3A_581 = arith.constant 0 : index
    %get3A_582 = vector.load %arg8[%get3A_580, %get3A_581] : memref<8384x256xbf16, #tpu.memory_space<vmem>>, vector<128x256xbf16>
    %swap3A_583 = arith.constant 12160 : index
    %swap3A_584 = arith.constant 0 : index
    %swap3A_585 = vector.load %arg9[%swap3A_583, %swap3A_584] : memref<16384x256xbf16, #tpu.memory_space<vmem>>, vector<128x256xbf16>
    tpu.vector_store %arg9[%swap3A_583, %swap3A_584], %get3A_582 {strides = array<i32>} : memref<16384x256xbf16, #tpu.memory_space<vmem>>, vector<128x256xbf16>,
    %get3A_586 = arith.constant 7535 : index
    %get3A_587 = arith.constant 0 : index
    %get3A_588 = vector.load %arg8[%get3A_586, %get3A_587] : memref<8384x256xbf16, #tpu.memory_space<vmem>>, vector<128x256xbf16>
    %swap3A_589 = arith.constant 12288 : index
    %swap3A_590 = arith.constant 0 : index
    %swap3A_591 = vector.load %arg9[%swap3A_589, %swap3A_590] : memref<16384x256xbf16, #tpu.memory_space<vmem>>, vector<128x256xbf16>
    tpu.vector_store %arg9[%swap3A_589, %swap3A_590], %get3A_588 {strides = array<i32>} : memref<16384x256xbf16, #tpu.memory_space<vmem>>, vector<128x256xbf16>,
    %get3A_592 = arith.constant 7565 : index
    %get3A_593 = arith.constant 0 : index
    %get3A_594 = vector.load %arg8[%get3A_592, %get3A_593] : memref<8384x256xbf16, #tpu.memory_space<vmem>>, vector<128x256xbf16>
    %swap3A_595 = arith.constant 12416 : index
    %swap3A_596 = arith.constant 0 : index
    %swap3A_597 = vector.load %arg9[%swap3A_595, %swap3A_596] : memref<16384x256xbf16, #tpu.memory_space<vmem>>, vector<128x256xbf16>
    tpu.vector_store %arg9[%swap3A_595, %swap3A_596], %get3A_594 {strides = array<i32>} : memref<16384x256xbf16, #tpu.memory_space<vmem>>, vector<128x256xbf16>,
    %get3A_598 = arith.constant 7594 : index
    %get3A_599 = arith.constant 0 : index
    %get3A_600 = vector.load %arg8[%get3A_598, %get3A_599] : memref<8384x256xbf16, #tpu.memory_space<vmem>>, vector<128x256xbf16>
    %swap3A_601 = arith.constant 12544 : index
    %swap3A_602 = arith.constant 0 : index
    %swap3A_603 = vector.load %arg9[%swap3A_601, %swap3A_602] : memref<16384x256xbf16, #tpu.memory_space<vmem>>, vector<128x256xbf16>
    tpu.vector_store %arg9[%swap3A_601, %swap3A_602], %get3A_600 {strides = array<i32>} : memref<16384x256xbf16, #tpu.memory_space<vmem>>, vector<128x256xbf16>,
    %get3A_604 = arith.constant 7622 : index
    %get3A_605 = arith.constant 0 : index
    %get3A_606 = vector.load %arg8[%get3A_604, %get3A_605] : memref<8384x256xbf16, #tpu.memory_space<vmem>>, vector<128x256xbf16>
    %swap3A_607 = arith.constant 12672 : index
    %swap3A_608 = arith.constant 0 : index
    %swap3A_609 = vector.load %arg9[%swap3A_607, %swap3A_608] : memref<16384x256xbf16, #tpu.memory_space<vmem>>, vector<128x256xbf16>
    tpu.vector_store %arg9[%swap3A_607, %swap3A_608], %get3A_606 {strides = array<i32>} : memref<16384x256xbf16, #tpu.memory_space<vmem>>, vector<128x256xbf16>,
    %get3A_610 = arith.constant 7649 : index
    %get3A_611 = arith.constant 0 : index
    %get3A_612 = vector.load %arg8[%get3A_610, %get3A_611] : memref<8384x256xbf16, #tpu.memory_space<vmem>>, vector<128x256xbf16>
    %swap3A_613 = arith.constant 12800 : index
    %swap3A_614 = arith.constant 0 : index
    %swap3A_615 = vector.load %arg9[%swap3A_613, %swap3A_614] : memref<16384x256xbf16, #tpu.memory_space<vmem>>, vector<128x256xbf16>
    tpu.vector_store %arg9[%swap3A_613, %swap3A_614], %get3A_612 {strides = array<i32>} : memref<16384x256xbf16, #tpu.memory_space<vmem>>, vector<128x256xbf16>,
    %get3A_616 = arith.constant 7675 : index
    %get3A_617 = arith.constant 0 : index
    %get3A_618 = vector.load %arg8[%get3A_616, %get3A_617] : memref<8384x256xbf16, #tpu.memory_space<vmem>>, vector<128x256xbf16>
    %swap3A_619 = arith.constant 12928 : index
    %swap3A_620 = arith.constant 0 : index
    %swap3A_621 = vector.load %arg9[%swap3A_619, %swap3A_620] : memref<16384x256xbf16, #tpu.memory_space<vmem>>, vector<128x256xbf16>
    tpu.vector_store %arg9[%swap3A_619, %swap3A_620], %get3A_618 {strides = array<i32>} : memref<16384x256xbf16, #tpu.memory_space<vmem>>, vector<128x256xbf16>,
    %get3A_622 = arith.constant 7700 : index
    %get3A_623 = arith.constant 0 : index
    %get3A_624 = vector.load %arg8[%get3A_622, %get3A_623] : memref<8384x256xbf16, #tpu.memory_space<vmem>>, vector<128x256xbf16>
    %swap3A_625 = arith.constant 13056 : index
    %swap3A_626 = arith.constant 0 : index
    %swap3A_627 = vector.load %arg9[%swap3A_625, %swap3A_626] : memref<16384x256xbf16, #tpu.memory_space<vmem>>, vector<128x256xbf16>
    tpu.vector_store %arg9[%swap3A_625, %swap3A_626], %get3A_624 {strides = array<i32>} : memref<16384x256xbf16, #tpu.memory_space<vmem>>, vector<128x256xbf16>,
    %get3A_628 = arith.constant 7724 : index
    %get3A_629 = arith.constant 0 : index
    %get3A_630 = vector.load %arg8[%get3A_628, %get3A_629] : memref<8384x256xbf16, #tpu.memory_space<vmem>>, vector<128x256xbf16>
    %swap3A_631 = arith.constant 13184 : index
    %swap3A_632 = arith.constant 0 : index
    %swap3A_633 = vector.load %arg9[%swap3A_631, %swap3A_632] : memref<16384x256xbf16, #tpu.memory_space<vmem>>, vector<128x256xbf16>
    tpu.vector_store %arg9[%swap3A_631, %swap3A_632], %get3A_630 {strides = array<i32>} : memref<16384x256xbf16, #tpu.memory_space<vmem>>, vector<128x256xbf16>,
    %get3A_634 = arith.constant 7747 : index
    %get3A_635 = arith.constant 0 : index
    %get3A_636 = vector.load %arg8[%get3A_634, %get3A_635] : memref<8384x256xbf16, #tpu.memory_space<vmem>>, vector<128x256xbf16>
    %swap3A_637 = arith.constant 13312 : index
    %swap3A_638 = arith.constant 0 : index
    %swap3A_639 = vector.load %arg9[%swap3A_637, %swap3A_638] : memref<16384x256xbf16, #tpu.memory_space<vmem>>, vector<128x256xbf16>
    tpu.vector_store %arg9[%swap3A_637, %swap3A_638], %get3A_636 {strides = array<i32>} : memref<16384x256xbf16, #tpu.memory_space<vmem>>, vector<128x256xbf16>,
    %get3A_640 = arith.constant 7769 : index
    %get3A_641 = arith.constant 0 : index
    %get3A_642 = vector.load %arg8[%get3A_640, %get3A_641] : memref<8384x256xbf16, #tpu.memory_space<vmem>>, vector<128x256xbf16>
    %swap3A_643 = arith.constant 13440 : index
    %swap3A_644 = arith.constant 0 : index
    %swap3A_645 = vector.load %arg9[%swap3A_643, %swap3A_644] : memref<16384x256xbf16, #tpu.memory_space<vmem>>, vector<128x256xbf16>
    tpu.vector_store %arg9[%swap3A_643, %swap3A_644], %get3A_642 {strides = array<i32>} : memref<16384x256xbf16, #tpu.memory_space<vmem>>, vector<128x256xbf16>,
    %get3A_646 = arith.constant 7790 : index
    %get3A_647 = arith.constant 0 : index
    %get3A_648 = vector.load %arg8[%get3A_646, %get3A_647] : memref<8384x256xbf16, #tpu.memory_space<vmem>>, vector<128x256xbf16>
    %swap3A_649 = arith.constant 13568 : index
    %swap3A_650 = arith.constant 0 : index
    %swap3A_651 = vector.load %arg9[%swap3A_649, %swap3A_650] : memref<16384x256xbf16, #tpu.memory_space<vmem>>, vector<128x256xbf16>
    tpu.vector_store %arg9[%swap3A_649, %swap3A_650], %get3A_648 {strides = array<i32>} : memref<16384x256xbf16, #tpu.memory_space<vmem>>, vector<128x256xbf16>,
    %get3A_652 = arith.constant 7810 : index
    %get3A_653 = arith.constant 0 : index
    %get3A_654 = vector.load %arg8[%get3A_652, %get3A_653] : memref<8384x256xbf16, #tpu.memory_space<vmem>>, vector<128x256xbf16>
    %swap3A_655 = arith.constant 13696 : index
    %swap3A_656 = arith.constant 0 : index
    %swap3A_657 = vector.load %arg9[%swap3A_655, %swap3A_656] : memref<16384x256xbf16, #tpu.memory_space<vmem>>, vector<128x256xbf16>
    tpu.vector_store %arg9[%swap3A_655, %swap3A_656], %get3A_654 {strides = array<i32>} : memref<16384x256xbf16, #tpu.memory_space<vmem>>, vector<128x256xbf16>,
    %get3A_658 = arith.constant 7829 : index
    %get3A_659 = arith.constant 0 : index
    %get3A_660 = vector.load %arg8[%get3A_658, %get3A_659] : memref<8384x256xbf16, #tpu.memory_space<vmem>>, vector<128x256xbf16>
    %swap3A_661 = arith.constant 13824 : index
    %swap3A_662 = arith.constant 0 : index
    %swap3A_663 = vector.load %arg9[%swap3A_661, %swap3A_662] : memref<16384x256xbf16, #tpu.memory_space<vmem>>, vector<128x256xbf16>
    tpu.vector_store %arg9[%swap3A_661, %swap3A_662], %get3A_660 {strides = array<i32>} : memref<16384x256xbf16, #tpu.memory_space<vmem>>, vector<128x256xbf16>,
    %get3A_664 = arith.constant 7847 : index
    %get3A_665 = arith.constant 0 : index
    %get3A_666 = vector.load %arg8[%get3A_664, %get3A_665] : memref<8384x256xbf16, #tpu.memory_space<vmem>>, vector<128x256xbf16>
    %swap3A_667 = arith.constant 13952 : index
    %swap3A_668 = arith.constant 0 : index
    %swap3A_669 = vector.load %arg9[%swap3A_667, %swap3A_668] : memref<16384x256xbf16, #tpu.memory_space<vmem>>, vector<128x256xbf16>
    tpu.vector_store %arg9[%swap3A_667, %swap3A_668], %get3A_666 {strides = array<i32>} : memref<16384x256xbf16, #tpu.memory_space<vmem>>, vector<128x256xbf16>,
    %get3A_670 = arith.constant 7864 : index
    %get3A_671 = arith.constant 0 : index
    %get3A_672 = vector.load %arg8[%get3A_670, %get3A_671] : memref<8384x256xbf16, #tpu.memory_space<vmem>>, vector<128x256xbf16>
    %swap3A_673 = arith.constant 14080 : index
    %swap3A_674 = arith.constant 0 : index
    %swap3A_675 = vector.load %arg9[%swap3A_673, %swap3A_674] : memref<16384x256xbf16, #tpu.memory_space<vmem>>, vector<128x256xbf16>
    tpu.vector_store %arg9[%swap3A_673, %swap3A_674], %get3A_672 {strides = array<i32>} : memref<16384x256xbf16, #tpu.memory_space<vmem>>, vector<128x256xbf16>,
    %get3A_676 = arith.constant 7880 : index
    %get3A_677 = arith.constant 0 : index
    %get3A_678 = vector.load %arg8[%get3A_676, %get3A_677] : memref<8384x256xbf16, #tpu.memory_space<vmem>>, vector<128x256xbf16>
    %swap3A_679 = arith.constant 14208 : index
    %swap3A_680 = arith.constant 0 : index
    %swap3A_681 = vector.load %arg9[%swap3A_679, %swap3A_680] : memref<16384x256xbf16, #tpu.memory_space<vmem>>, vector<128x256xbf16>
    tpu.vector_store %arg9[%swap3A_679, %swap3A_680], %get3A_678 {strides = array<i32>} : memref<16384x256xbf16, #tpu.memory_space<vmem>>, vector<128x256xbf16>,
    %get3A_682 = arith.constant 7895 : index
    %get3A_683 = arith.constant 0 : index
    %get3A_684 = vector.load %arg8[%get3A_682, %get3A_683] : memref<8384x256xbf16, #tpu.memory_space<vmem>>, vector<128x256xbf16>
    %swap3A_685 = arith.constant 14336 : index
    %swap3A_686 = arith.constant 0 : index
    %swap3A_687 = vector.load %arg9[%swap3A_685, %swap3A_686] : memref<16384x256xbf16, #tpu.memory_space<vmem>>, vector<128x256xbf16>
    tpu.vector_store %arg9[%swap3A_685, %swap3A_686], %get3A_684 {strides = array<i32>} : memref<16384x256xbf16, #tpu.memory_space<vmem>>, vector<128x256xbf16>,
    %get3A_688 = arith.constant 7909 : index
    %get3A_689 = arith.constant 0 : index
    %get3A_690 = vector.load %arg8[%get3A_688, %get3A_689] : memref<8384x256xbf16, #tpu.memory_space<vmem>>, vector<128x256xbf16>
    %swap3A_691 = arith.constant 14464 : index
    %swap3A_692 = arith.constant 0 : index
    %swap3A_693 = vector.load %arg9[%swap3A_691, %swap3A_692] : memref<16384x256xbf16, #tpu.memory_space<vmem>>, vector<128x256xbf16>
    tpu.vector_store %arg9[%swap3A_691, %swap3A_692], %get3A_690 {strides = array<i32>} : memref<16384x256xbf16, #tpu.memory_space<vmem>>, vector<128x256xbf16>,
    %get3A_694 = arith.constant 7922 : index
    %get3A_695 = arith.constant 0 : index
    %get3A_696 = vector.load %arg8[%get3A_694, %get3A_695] : memref<8384x256xbf16, #tpu.memory_space<vmem>>, vector<128x256xbf16>
    %swap3A_697 = arith.constant 14592 : index
    %swap3A_698 = arith.constant 0 : index
    %swap3A_699 = vector.load %arg9[%swap3A_697, %swap3A_698] : memref<16384x256xbf16, #tpu.memory_space<vmem>>, vector<128x256xbf16>
    tpu.vector_store %arg9[%swap3A_697, %swap3A_698], %get3A_696 {strides = array<i32>} : memref<16384x256xbf16, #tpu.memory_space<vmem>>, vector<128x256xbf16>,
    %get3A_700 = arith.constant 7934 : index
    %get3A_701 = arith.constant 0 : index
    %get3A_702 = vector.load %arg8[%get3A_700, %get3A_701] : memref<8384x256xbf16, #tpu.memory_space<vmem>>, vector<128x256xbf16>
    %swap3A_703 = arith.constant 14720 : index
    %swap3A_704 = arith.constant 0 : index
    %swap3A_705 = vector.load %arg9[%swap3A_703, %swap3A_704] : memref<16384x256xbf16, #tpu.memory_space<vmem>>, vector<128x256xbf16>
    tpu.vector_store %arg9[%swap3A_703, %swap3A_704], %get3A_702 {strides = array<i32>} : memref<16384x256xbf16, #tpu.memory_space<vmem>>, vector<128x256xbf16>,
    %get3A_706 = arith.constant 7945 : index
    %get3A_707 = arith.constant 0 : index
    %get3A_708 = vector.load %arg8[%get3A_706, %get3A_707] : memref<8384x256xbf16, #tpu.memory_space<vmem>>, vector<128x256xbf16>
    %swap3A_709 = arith.constant 14848 : index
    %swap3A_710 = arith.constant 0 : index
    %swap3A_711 = vector.load %arg9[%swap3A_709, %swap3A_710] : memref<16384x256xbf16, #tpu.memory_space<vmem>>, vector<128x256xbf16>
    tpu.vector_store %arg9[%swap3A_709, %swap3A_710], %get3A_708 {strides = array<i32>} : memref<16384x256xbf16, #tpu.memory_space<vmem>>, vector<128x256xbf16>,
    %get3A_712 = arith.constant 7955 : index
    %get3A_713 = arith.constant 0 : index
    %get3A_714 = vector.load %arg8[%get3A_712, %get3A_713] : memref<8384x256xbf16, #tpu.memory_space<vmem>>, vector<128x256xbf16>
    %swap3A_715 = arith.constant 14976 : index
    %swap3A_716 = arith.constant 0 : index
    %swap3A_717 = vector.load %arg9[%swap3A_715, %swap3A_716] : memref<16384x256xbf16, #tpu.memory_space<vmem>>, vector<128x256xbf16>
    tpu.vector_store %arg9[%swap3A_715, %swap3A_716], %get3A_714 {strides = array<i32>} : memref<16384x256xbf16, #tpu.memory_space<vmem>>, vector<128x256xbf16>,
    %get3A_718 = arith.constant 7964 : index
    %get3A_719 = arith.constant 0 : index
    %get3A_720 = vector.load %arg8[%get3A_718, %get3A_719] : memref<8384x256xbf16, #tpu.memory_space<vmem>>, vector<128x256xbf16>
    %swap3A_721 = arith.constant 15104 : index
    %swap3A_722 = arith.constant 0 : index
    %swap3A_723 = vector.load %arg9[%swap3A_721, %swap3A_722] : memref<16384x256xbf16, #tpu.memory_space<vmem>>, vector<128x256xbf16>
    tpu.vector_store %arg9[%swap3A_721, %swap3A_722], %get3A_720 {strides = array<i32>} : memref<16384x256xbf16, #tpu.memory_space<vmem>>, vector<128x256xbf16>,
    %get3A_724 = arith.constant 7972 : index
    %get3A_725 = arith.constant 0 : index
    %get3A_726 = vector.load %arg8[%get3A_724, %get3A_725] : memref<8384x256xbf16, #tpu.memory_space<vmem>>, vector<128x256xbf16>
    %swap3A_727 = arith.constant 15232 : index
    %swap3A_728 = arith.constant 0 : index
    %swap3A_729 = vector.load %arg9[%swap3A_727, %swap3A_728] : memref<16384x256xbf16, #tpu.memory_space<vmem>>, vector<128x256xbf16>
    tpu.vector_store %arg9[%swap3A_727, %swap3A_728], %get3A_726 {strides = array<i32>} : memref<16384x256xbf16, #tpu.memory_space<vmem>>, vector<128x256xbf16>,
    %get3A_730 = arith.constant 7979 : index
    %get3A_731 = arith.constant 0 : index
    %get3A_732 = vector.load %arg8[%get3A_730, %get3A_731] : memref<8384x256xbf16, #tpu.memory_space<vmem>>, vector<128x256xbf16>
    %swap3A_733 = arith.constant 15360 : index
    %swap3A_734 = arith.constant 0 : index
    %swap3A_735 = vector.load %arg9[%swap3A_733, %swap3A_734] : memref<16384x256xbf16, #tpu.memory_space<vmem>>, vector<128x256xbf16>
    tpu.vector_store %arg9[%swap3A_733, %swap3A_734], %get3A_732 {strides = array<i32>} : memref<16384x256xbf16, #tpu.memory_space<vmem>>, vector<128x256xbf16>,
    %get3A_736 = arith.constant 7985 : index
    %get3A_737 = arith.constant 0 : index
    %get3A_738 = vector.load %arg8[%get3A_736, %get3A_737] : memref<8384x256xbf16, #tpu.memory_space<vmem>>, vector<128x256xbf16>
    %swap3A_739 = arith.constant 15488 : index
    %swap3A_740 = arith.constant 0 : index
    %swap3A_741 = vector.load %arg9[%swap3A_739, %swap3A_740] : memref<16384x256xbf16, #tpu.memory_space<vmem>>, vector<128x256xbf16>
    tpu.vector_store %arg9[%swap3A_739, %swap3A_740], %get3A_738 {strides = array<i32>} : memref<16384x256xbf16, #tpu.memory_space<vmem>>, vector<128x256xbf16>,
    %get3A_742 = arith.constant 7990 : index
    %get3A_743 = arith.constant 0 : index
    %get3A_744 = vector.load %arg8[%get3A_742, %get3A_743] : memref<8384x256xbf16, #tpu.memory_space<vmem>>, vector<128x256xbf16>
    %swap3A_745 = arith.constant 15616 : index
    %swap3A_746 = arith.constant 0 : index
    %swap3A_747 = vector.load %arg9[%swap3A_745, %swap3A_746] : memref<16384x256xbf16, #tpu.memory_space<vmem>>, vector<128x256xbf16>
    tpu.vector_store %arg9[%swap3A_745, %swap3A_746], %get3A_744 {strides = array<i32>} : memref<16384x256xbf16, #tpu.memory_space<vmem>>, vector<128x256xbf16>,
    %get3A_748 = arith.constant 7994 : index
    %get3A_749 = arith.constant 0 : index
    %get3A_750 = vector.load %arg8[%get3A_748, %get3A_749] : memref<8384x256xbf16, #tpu.memory_space<vmem>>, vector<128x256xbf16>
    %swap3A_751 = arith.constant 15744 : index
    %swap3A_752 = arith.constant 0 : index
    %swap3A_753 = vector.load %arg9[%swap3A_751, %swap3A_752] : memref<16384x256xbf16, #tpu.memory_space<vmem>>, vector<128x256xbf16>
    tpu.vector_store %arg9[%swap3A_751, %swap3A_752], %get3A_750 {strides = array<i32>} : memref<16384x256xbf16, #tpu.memory_space<vmem>>, vector<128x256xbf16>,
    %get3A_754 = arith.constant 7997 : index
    %get3A_755 = arith.constant 0 : index
    %get3A_756 = vector.load %arg8[%get3A_754, %get3A_755] : memref<8384x256xbf16, #tpu.memory_space<vmem>>, vector<128x256xbf16>
    %swap3A_757 = arith.constant 15872 : index
    %swap3A_758 = arith.constant 0 : index
    %swap3A_759 = vector.load %arg9[%swap3A_757, %swap3A_758] : memref<16384x256xbf16, #tpu.memory_space<vmem>>, vector<128x256xbf16>
    tpu.vector_store %arg9[%swap3A_757, %swap3A_758], %get3A_756 {strides = array<i32>} : memref<16384x256xbf16, #tpu.memory_space<vmem>>, vector<128x256xbf16>,
    %get3A_760 = arith.constant 7999 : index
    %get3A_761 = arith.constant 0 : index
    %get3A_762 = vector.load %arg8[%get3A_760, %get3A_761] : memref<8384x256xbf16, #tpu.memory_space<vmem>>, vector<128x256xbf16>
    %swap3A_763 = arith.constant 16000 : index
    %swap3A_764 = arith.constant 0 : index
    %swap3A_765 = vector.load %arg9[%swap3A_763, %swap3A_764] : memref<16384x256xbf16, #tpu.memory_space<vmem>>, vector<128x256xbf16>
    tpu.vector_store %arg9[%swap3A_763, %swap3A_764], %get3A_762 {strides = array<i32>} : memref<16384x256xbf16, #tpu.memory_space<vmem>>, vector<128x256xbf16>,
    %get3A_766 = arith.constant 8000 : index
    %get3A_767 = arith.constant 0 : index
    %get3A_768 = vector.load %arg8[%get3A_766, %get3A_767] : memref<8384x256xbf16, #tpu.memory_space<vmem>>, vector<128x256xbf16>
    %swap3A_769 = arith.constant 16128 : index
    %swap3A_770 = arith.constant 0 : index
    %swap3A_771 = vector.load %arg9[%swap3A_769, %swap3A_770] : memref<16384x256xbf16, #tpu.memory_space<vmem>>, vector<128x256xbf16>
    tpu.vector_store %arg9[%swap3A_769, %swap3A_770], %get3A_768 {strides = array<i32>} : memref<16384x256xbf16, #tpu.memory_space<vmem>>, vector<128x256xbf16>,
    %get3A_772 = arith.constant 8000 : index
    %get3A_773 = arith.constant 0 : index
    %get3A_774 = vector.load %arg8[%get3A_772, %get3A_773] : memref<8384x256xbf16, #tpu.memory_space<vmem>>, vector<128x256xbf16>
    %swap3A_775 = arith.constant 16256 : index
    %swap3A_776 = arith.constant 0 : index
    %swap3A_777 = vector.load %arg9[%swap3A_775, %swap3A_776] : memref<16384x256xbf16, #tpu.memory_space<vmem>>, vector<128x256xbf16>
    tpu.vector_store %arg9[%swap3A_775, %swap3A_776], %get3A_774 {strides = array<i32>} : memref<16384x256xbf16, #tpu.memory_space<vmem>>, vector<128x256xbf16>,
    %iota3A = tpu.iota {dimensions = array<i32: 1>} : vector<1x128xi32>
    %gt3A = arith.constant 0 : i32
    %gt3A_778 = vector.broadcast %gt3A : i32 to vector<1x128xi32>
    %gt3A_779 = arith.cmpi sgt, %iota3A, %gt3A_778 : vector<1x128xi32>
    %get3A_780 = arith.constant 0 : index
    %get3A_781 = arith.constant 7 : index
    %get3A_782 = vector.load %arg2[%get3A_780, %get3A_781] : memref<1x8192xf32, #tpu.memory_space<vmem>>, vector<1x128xf32>
    %jit3A = arith.constant 0.000000e+00 : f32
    %broadcast_in_dim3A = vector.broadcast %jit3A : f32 to vector<1x128xf32>
    %select_n3A = arith.select %gt3A_779, %get3A_782, %broadcast_in_dim3A : vector<1x128xi1>, vector<1x128xf32>
    %gt3A_783 = arith.constant 1 : i32
    %gt3A_784 = vector.broadcast %gt3A_783 : i32 to vector<1x128xi32>
    %gt3A_785 = arith.cmpi sgt, %iota3A, %gt3A_784 : vector<1x128xi32>
    %get3A_786 = arith.constant 0 : index
    %get3A_787 = arith.constant 133 : index
    %get3A_788 = vector.load %arg2[%get3A_786, %get3A_787] : memref<1x8192xf32, #tpu.memory_space<vmem>>, vector<1x128xf32>
    %jit3A_789 = arith.constant 0.000000e+00 : f32
    %broadcast_in_dim3A_790 = vector.broadcast %jit3A_789 : f32 to vector<1x128xf32>
    %select_n3A_791 = arith.select %gt3A_785, %get3A_788, %broadcast_in_dim3A_790 : vector<1x128xi1>, vector<1x128xf32>
    %gt3A_792 = arith.constant 2 : i32
    %gt3A_793 = vector.broadcast %gt3A_792 : i32 to vector<1x128xi32>
    %gt3A_794 = arith.cmpi sgt, %iota3A, %gt3A_793 : vector<1x128xi32>
    %get3A_795 = arith.constant 0 : index
    %get3A_796 = arith.constant 258 : index
    %get3A_797 = vector.load %arg2[%get3A_795, %get3A_796] : memref<1x8192xf32, #tpu.memory_space<vmem>>, vector<1x128xf32>
    %jit3A_798 = arith.constant 0.000000e+00 : f32
    %broadcast_in_dim3A_799 = vector.broadcast %jit3A_798 : f32 to vector<1x128xf32>
    %select_n3A_800 = arith.select %gt3A_794, %get3A_797, %broadcast_in_dim3A_799 : vector<1x128xi1>, vector<1x128xf32>
    %gt3A_801 = arith.constant 3 : i32
    %gt3A_802 = vector.broadcast %gt3A_801 : i32 to vector<1x128xi32>
    %gt3A_803 = arith.cmpi sgt, %iota3A, %gt3A_802 : vector<1x128xi32>
    %get3A_804 = arith.constant 0 : index
    %get3A_805 = arith.constant 382 : index
    %get3A_806 = vector.load %arg2[%get3A_804, %get3A_805] : memref<1x8192xf32, #tpu.memory_space<vmem>>, vector<1x128xf32>
    %jit3A_807 = arith.constant 0.000000e+00 : f32
    %broadcast_in_dim3A_808 = vector.broadcast %jit3A_807 : f32 to vector<1x128xf32>
    %select_n3A_809 = arith.select %gt3A_803, %get3A_806, %broadcast_in_dim3A_808 : vector<1x128xi1>, vector<1x128xf32>
    %gt3A_810 = arith.constant 4 : i32
    %gt3A_811 = vector.broadcast %gt3A_810 : i32 to vector<1x128xi32>
    %gt3A_812 = arith.cmpi sgt, %iota3A, %gt3A_811 : vector<1x128xi32>
    %get3A_813 = arith.constant 0 : index
    %get3A_814 = arith.constant 505 : index
    %get3A_815 = vector.load %arg2[%get3A_813, %get3A_814] : memref<1x8192xf32, #tpu.memory_space<vmem>>, vector<1x128xf32>
    %jit3A_816 = arith.constant 0.000000e+00 : f32
    %broadcast_in_dim3A_817 = vector.broadcast %jit3A_816 : f32 to vector<1x128xf32>
    %select_n3A_818 = arith.select %gt3A_812, %get3A_815, %broadcast_in_dim3A_817 : vector<1x128xi1>, vector<1x128xf32>
    %gt3A_819 = arith.constant 5 : i32
    %gt3A_820 = vector.broadcast %gt3A_819 : i32 to vector<1x128xi32>
    %gt3A_821 = arith.cmpi sgt, %iota3A, %gt3A_820 : vector<1x128xi32>
    %get3A_822 = arith.constant 0 : index
    %get3A_823 = arith.constant 627 : index
    %get3A_824 = vector.load %arg2[%get3A_822, %get3A_823] : memref<1x8192xf32, #tpu.memory_space<vmem>>, vector<1x128xf32>
    %jit3A_825 = arith.constant 0.000000e+00 : f32
    %broadcast_in_dim3A_826 = vector.broadcast %jit3A_825 : f32 to vector<1x128xf32>
    %select_n3A_827 = arith.select %gt3A_821, %get3A_824, %broadcast_in_dim3A_826 : vector<1x128xi1>, vector<1x128xf32>
    %gt3A_828 = arith.constant 6 : i32
    %gt3A_829 = vector.broadcast %gt3A_828 : i32 to vector<1x128xi32>
    %gt3A_830 = arith.cmpi sgt, %iota3A, %gt3A_829 : vector<1x128xi32>
    %get3A_831 = arith.constant 0 : index
    %get3A_832 = arith.constant 748 : index
    %get3A_833 = vector.load %arg2[%get3A_831, %get3A_832] : memref<1x8192xf32, #tpu.memory_space<vmem>>, vector<1x128xf32>
    %jit3A_834 = arith.constant 0.000000e+00 : f32
    %broadcast_in_dim3A_835 = vector.broadcast %jit3A_834 : f32 to vector<1x128xf32>
    %select_n3A_836 = arith.select %gt3A_830, %get3A_833, %broadcast_in_dim3A_835 : vector<1x128xi1>, vector<1x128xf32>
    %gt3A_837 = arith.constant 7 : i32
    %gt3A_838 = vector.broadcast %gt3A_837 : i32 to vector<1x128xi32>
    %gt3A_839 = arith.cmpi sgt, %iota3A, %gt3A_838 : vector<1x128xi32>
    %get3A_840 = arith.constant 0 : index
    %get3A_841 = arith.constant 868 : index
    %get3A_842 = vector.load %arg2[%get3A_840, %get3A_841] : memref<1x8192xf32, #tpu.memory_space<vmem>>, vector<1x128xf32>
    %jit3A_843 = arith.constant 0.000000e+00 : f32
    %broadcast_in_dim3A_844 = vector.broadcast %jit3A_843 : f32 to vector<1x128xf32>
    %select_n3A_845 = arith.select %gt3A_839, %get3A_842, %broadcast_in_dim3A_844 : vector<1x128xi1>, vector<1x128xf32>
    %gt3A_846 = arith.constant 8 : i32
    %gt3A_847 = vector.broadcast %gt3A_846 : i32 to vector<1x128xi32>
    %gt3A_848 = arith.cmpi sgt, %iota3A, %gt3A_847 : vector<1x128xi32>
    %get3A_849 = arith.constant 0 : index
    %get3A_850 = arith.constant 987 : index
    %get3A_851 = vector.load %arg2[%get3A_849, %get3A_850] : memref<1x8192xf32, #tpu.memory_space<vmem>>, vector<1x128xf32>
    %jit3A_852 = arith.constant 0.000000e+00 : f32
    %broadcast_in_dim3A_853 = vector.broadcast %jit3A_852 : f32 to vector<1x128xf32>
    %select_n3A_854 = arith.select %gt3A_848, %get3A_851, %broadcast_in_dim3A_853 : vector<1x128xi1>, vector<1x128xf32>
    %gt3A_855 = arith.constant 9 : i32
    %gt3A_856 = vector.broadcast %gt3A_855 : i32 to vector<1x128xi32>
    %gt3A_857 = arith.cmpi sgt, %iota3A, %gt3A_856 : vector<1x128xi32>
    %get3A_858 = arith.constant 0 : index
    %get3A_859 = arith.constant 1105 : index
    %get3A_860 = vector.load %arg2[%get3A_858, %get3A_859] : memref<1x8192xf32, #tpu.memory_space<vmem>>, vector<1x128xf32>
    %jit3A_861 = arith.constant 0.000000e+00 : f32
    %broadcast_in_dim3A_862 = vector.broadcast %jit3A_861 : f32 to vector<1x128xf32>
    %select_n3A_863 = arith.select %gt3A_857, %get3A_860, %broadcast_in_dim3A_862 : vector<1x128xi1>, vector<1x128xf32>
    %gt3A_864 = arith.constant 10 : i32
    %gt3A_865 = vector.broadcast %gt3A_864 : i32 to vector<1x128xi32>
    %gt3A_866 = arith.cmpi sgt, %iota3A, %gt3A_865 : vector<1x128xi32>
    %get3A_867 = arith.constant 0 : index
    %get3A_868 = arith.constant 1222 : index
    %get3A_869 = vector.load %arg2[%get3A_867, %get3A_868] : memref<1x8192xf32, #tpu.memory_space<vmem>>, vector<1x128xf32>
    %jit3A_870 = arith.constant 0.000000e+00 : f32
    %broadcast_in_dim3A_871 = vector.broadcast %jit3A_870 : f32 to vector<1x128xf32>
    %select_n3A_872 = arith.select %gt3A_866, %get3A_869, %broadcast_in_dim3A_871 : vector<1x128xi1>, vector<1x128xf32>
    %gt3A_873 = arith.constant 11 : i32
    %gt3A_874 = vector.broadcast %gt3A_873 : i32 to vector<1x128xi32>
    %gt3A_875 = arith.cmpi sgt, %iota3A, %gt3A_874 : vector<1x128xi32>
    %get3A_876 = arith.constant 0 : index
    %get3A_877 = arith.constant 1338 : index
    %get3A_878 = vector.load %arg2[%get3A_876, %get3A_877] : memref<1x8192xf32, #tpu.memory_space<vmem>>, vector<1x128xf32>
    %jit3A_879 = arith.constant 0.000000e+00 : f32
    %broadcast_in_dim3A_880 = vector.broadcast %jit3A_879 : f32 to vector<1x128xf32>
    %select_n3A_881 = arith.select %gt3A_875, %get3A_878, %broadcast_in_dim3A_880 : vector<1x128xi1>, vector<1x128xf32>
    %gt3A_882 = arith.constant 12 : i32
    %gt3A_883 = vector.broadcast %gt3A_882 : i32 to vector<1x128xi32>
    %gt3A_884 = arith.cmpi sgt, %iota3A, %gt3A_883 : vector<1x128xi32>
    %get3A_885 = arith.constant 0 : index
    %get3A_886 = arith.constant 1453 : index
    %get3A_887 = vector.load %arg2[%get3A_885, %get3A_886] : memref<1x8192xf32, #tpu.memory_space<vmem>>, vector<1x128xf32>
    %jit3A_888 = arith.constant 0.000000e+00 : f32
    %broadcast_in_dim3A_889 = vector.broadcast %jit3A_888 : f32 to vector<1x128xf32>
    %select_n3A_890 = arith.select %gt3A_884, %get3A_887, %broadcast_in_dim3A_889 : vector<1x128xi1>, vector<1x128xf32>
    %gt3A_891 = arith.constant 13 : i32
    %gt3A_892 = vector.broadcast %gt3A_891 : i32 to vector<1x128xi32>
    %gt3A_893 = arith.cmpi sgt, %iota3A, %gt3A_892 : vector<1x128xi32>
    %get3A_894 = arith.constant 0 : index
    %get3A_895 = arith.constant 1567 : index
    %get3A_896 = vector.load %arg2[%get3A_894, %get3A_895] : memref<1x8192xf32, #tpu.memory_space<vmem>>, vector<1x128xf32>
    %jit3A_897 = arith.constant 0.000000e+00 : f32
    %broadcast_in_dim3A_898 = vector.broadcast %jit3A_897 : f32 to vector<1x128xf32>
    %select_n3A_899 = arith.select %gt3A_893, %get3A_896, %broadcast_in_dim3A_898 : vector<1x128xi1>, vector<1x128xf32>
    %gt3A_900 = arith.constant 14 : i32
    %gt3A_901 = vector.broadcast %gt3A_900 : i32 to vector<1x128xi32>
    %gt3A_902 = arith.cmpi sgt, %iota3A, %gt3A_901 : vector<1x128xi32>
    %get3A_903 = arith.constant 0 : index
    %get3A_904 = arith.constant 1680 : index
    %get3A_905 = vector.load %arg2[%get3A_903, %get3A_904] : memref<1x8192xf32, #tpu.memory_space<vmem>>, vector<1x128xf32>
    %jit3A_906 = arith.constant 0.000000e+00 : f32
    %broadcast_in_dim3A_907 = vector.broadcast %jit3A_906 : f32 to vector<1x128xf32>
    %select_n3A_908 = arith.select %gt3A_902, %get3A_905, %broadcast_in_dim3A_907 : vector<1x128xi1>, vector<1x128xf32>
    %gt3A_909 = arith.constant 15 : i32
    %gt3A_910 = vector.broadcast %gt3A_909 : i32 to vector<1x128xi32>
    %gt3A_911 = arith.cmpi sgt, %iota3A, %gt3A_910 : vector<1x128xi32>
    %get3A_912 = arith.constant 0 : index
    %get3A_913 = arith.constant 1792 : index
    %get3A_914 = vector.load %arg2[%get3A_912, %get3A_913] : memref<1x8192xf32, #tpu.memory_space<vmem>>, vector<1x128xf32>
    %jit3A_915 = arith.constant 0.000000e+00 : f32
    %broadcast_in_dim3A_916 = vector.broadcast %jit3A_915 : f32 to vector<1x128xf32>
    %select_n3A_917 = arith.select %gt3A_911, %get3A_914, %broadcast_in_dim3A_916 : vector<1x128xi1>, vector<1x128xf32>
    %gt3A_918 = arith.constant 16 : i32
    %gt3A_919 = vector.broadcast %gt3A_918 : i32 to vector<1x128xi32>
    %gt3A_920 = arith.cmpi sgt, %iota3A, %gt3A_919 : vector<1x128xi32>
    %get3A_921 = arith.constant 0 : index
    %get3A_922 = arith.constant 1903 : index
    %get3A_923 = vector.load %arg2[%get3A_921, %get3A_922] : memref<1x8192xf32, #tpu.memory_space<vmem>>, vector<1x128xf32>
    %jit3A_924 = arith.constant 0.000000e+00 : f32
    %broadcast_in_dim3A_925 = vector.broadcast %jit3A_924 : f32 to vector<1x128xf32>
    %select_n3A_926 = arith.select %gt3A_920, %get3A_923, %broadcast_in_dim3A_925 : vector<1x128xi1>, vector<1x128xf32>
    %gt3A_927 = arith.constant 17 : i32
    %gt3A_928 = vector.broadcast %gt3A_927 : i32 to vector<1x128xi32>
    %gt3A_929 = arith.cmpi sgt, %iota3A, %gt3A_928 : vector<1x128xi32>
    %get3A_930 = arith.constant 0 : index
    %get3A_931 = arith.constant 2013 : index
    %get3A_932 = vector.load %arg2[%get3A_930, %get3A_931] : memref<1x8192xf32, #tpu.memory_space<vmem>>, vector<1x128xf32>
    %jit3A_933 = arith.constant 0.000000e+00 : f32
    %broadcast_in_dim3A_934 = vector.broadcast %jit3A_933 : f32 to vector<1x128xf32>
    %select_n3A_935 = arith.select %gt3A_929, %get3A_932, %broadcast_in_dim3A_934 : vector<1x128xi1>, vector<1x128xf32>
    %gt3A_936 = arith.constant 18 : i32
    %gt3A_937 = vector.broadcast %gt3A_936 : i32 to vector<1x128xi32>
    %gt3A_938 = arith.cmpi sgt, %iota3A, %gt3A_937 : vector<1x128xi32>
    %get3A_939 = arith.constant 0 : index
    %get3A_940 = arith.constant 2122 : index
    %get3A_941 = vector.load %arg2[%get3A_939, %get3A_940] : memref<1x8192xf32, #tpu.memory_space<vmem>>, vector<1x128xf32>
    %jit3A_942 = arith.constant 0.000000e+00 : f32
    %broadcast_in_dim3A_943 = vector.broadcast %jit3A_942 : f32 to vector<1x128xf32>
    %select_n3A_944 = arith.select %gt3A_938, %get3A_941, %broadcast_in_dim3A_943 : vector<1x128xi1>, vector<1x128xf32>
    %gt3A_945 = arith.constant 19 : i32
    %gt3A_946 = vector.broadcast %gt3A_945 : i32 to vector<1x128xi32>
    %gt3A_947 = arith.cmpi sgt, %iota3A, %gt3A_946 : vector<1x128xi32>
    %get3A_948 = arith.constant 0 : index
    %get3A_949 = arith.constant 2230 : index
    %get3A_950 = vector.load %arg2[%get3A_948, %get3A_949] : memref<1x8192xf32, #tpu.memory_space<vmem>>, vector<1x128xf32>
    %jit3A_951 = arith.constant 0.000000e+00 : f32
    %broadcast_in_dim3A_952 = vector.broadcast %jit3A_951 : f32 to vector<1x128xf32>
    %select_n3A_953 = arith.select %gt3A_947, %get3A_950, %broadcast_in_dim3A_952 : vector<1x128xi1>, vector<1x128xf32>
    %gt3A_954 = arith.constant 20 : i32
    %gt3A_955 = vector.broadcast %gt3A_954 : i32 to vector<1x128xi32>
    %gt3A_956 = arith.cmpi sgt, %iota3A, %gt3A_955 : vector<1x128xi32>
    %get3A_957 = arith.constant 0 : index
    %get3A_958 = arith.constant 2337 : index
    %get3A_959 = vector.load %arg2[%get3A_957, %get3A_958] : memref<1x8192xf32, #tpu.memory_space<vmem>>, vector<1x128xf32>
    %jit3A_960 = arith.constant 0.000000e+00 : f32
    %broadcast_in_dim3A_961 = vector.broadcast %jit3A_960 : f32 to vector<1x128xf32>
    %select_n3A_962 = arith.select %gt3A_956, %get3A_959, %broadcast_in_dim3A_961 : vector<1x128xi1>, vector<1x128xf32>
    %gt3A_963 = arith.constant 21 : i32
    %gt3A_964 = vector.broadcast %gt3A_963 : i32 to vector<1x128xi32>
    %gt3A_965 = arith.cmpi sgt, %iota3A, %gt3A_964 : vector<1x128xi32>
    %get3A_966 = arith.constant 0 : index
    %get3A_967 = arith.constant 2443 : index
    %get3A_968 = vector.load %arg2[%get3A_966, %get3A_967] : memref<1x8192xf32, #tpu.memory_space<vmem>>, vector<1x128xf32>
    %jit3A_969 = arith.constant 0.000000e+00 : f32
    %broadcast_in_dim3A_970 = vector.broadcast %jit3A_969 : f32 to vector<1x128xf32>
    %select_n3A_971 = arith.select %gt3A_965, %get3A_968, %broadcast_in_dim3A_970 : vector<1x128xi1>, vector<1x128xf32>
    %gt3A_972 = arith.constant 22 : i32
    %gt3A_973 = vector.broadcast %gt3A_972 : i32 to vector<1x128xi32>
    %gt3A_974 = arith.cmpi sgt, %iota3A, %gt3A_973 : vector<1x128xi32>
    %get3A_975 = arith.constant 0 : index
    %get3A_976 = arith.constant 2548 : index
    %get3A_977 = vector.load %arg2[%get3A_975, %get3A_976] : memref<1x8192xf32, #tpu.memory_space<vmem>>, vector<1x128xf32>
    %jit3A_978 = arith.constant 0.000000e+00 : f32
    %broadcast_in_dim3A_979 = vector.broadcast %jit3A_978 : f32 to vector<1x128xf32>
    %select_n3A_980 = arith.select %gt3A_974, %get3A_977, %broadcast_in_dim3A_979 : vector<1x128xi1>, vector<1x128xf32>
    %gt3A_981 = arith.constant 23 : i32
    %gt3A_982 = vector.broadcast %gt3A_981 : i32 to vector<1x128xi32>
    %gt3A_983 = arith.cmpi sgt, %iota3A, %gt3A_982 : vector<1x128xi32>
    %get3A_984 = arith.constant 0 : index
    %get3A_985 = arith.constant 2652 : index
    %get3A_986 = vector.load %arg2[%get3A_984, %get3A_985] : memref<1x8192xf32, #tpu.memory_space<vmem>>, vector<1x128xf32>
    %jit3A_987 = arith.constant 0.000000e+00 : f32
    %broadcast_in_dim3A_988 = vector.broadcast %jit3A_987 : f32 to vector<1x128xf32>
    %select_n3A_989 = arith.select %gt3A_983, %get3A_986, %broadcast_in_dim3A_988 : vector<1x128xi1>, vector<1x128xf32>
    %gt3A_990 = arith.constant 24 : i32
    %gt3A_991 = vector.broadcast %gt3A_990 : i32 to vector<1x128xi32>
    %gt3A_992 = arith.cmpi sgt, %iota3A, %gt3A_991 : vector<1x128xi32>
    %get3A_993 = arith.constant 0 : index
    %get3A_994 = arith.constant 2755 : index
    %get3A_995 = vector.load %arg2[%get3A_993, %get3A_994] : memref<1x8192xf32, #tpu.memory_space<vmem>>, vector<1x128xf32>
    %jit3A_996 = arith.constant 0.000000e+00 : f32
    %broadcast_in_dim3A_997 = vector.broadcast %jit3A_996 : f32 to vector<1x128xf32>
    %select_n3A_998 = arith.select %gt3A_992, %get3A_995, %broadcast_in_dim3A_997 : vector<1x128xi1>, vector<1x128xf32>
    %gt3A_999 = arith.constant 25 : i32
    %gt3A_1000 = vector.broadcast %gt3A_999 : i32 to vector<1x128xi32>
    %gt3A_1001 = arith.cmpi sgt, %iota3A, %gt3A_1000 : vector<1x128xi32>
    %get3A_1002 = arith.constant 0 : index
    %get3A_1003 = arith.constant 2857 : index
    %get3A_1004 = vector.load %arg2[%get3A_1002, %get3A_1003] : memref<1x8192xf32, #tpu.memory_space<vmem>>, vector<1x128xf32>
    %jit3A_1005 = arith.constant 0.000000e+00 : f32
    %broadcast_in_dim3A_1006 = vector.broadcast %jit3A_1005 : f32 to vector<1x128xf32>
    %select_n3A_1007 = arith.select %gt3A_1001, %get3A_1004, %broadcast_in_dim3A_1006 : vector<1x128xi1>, vector<1x128xf32>
    %gt3A_1008 = arith.constant 26 : i32
    %gt3A_1009 = vector.broadcast %gt3A_1008 : i32 to vector<1x128xi32>
    %gt3A_1010 = arith.cmpi sgt, %iota3A, %gt3A_1009 : vector<1x128xi32>
    %get3A_1011 = arith.constant 0 : index
    %get3A_1012 = arith.constant 2958 : index
    %get3A_1013 = vector.load %arg2[%get3A_1011, %get3A_1012] : memref<1x8192xf32, #tpu.memory_space<vmem>>, vector<1x128xf32>
    %jit3A_1014 = arith.constant 0.000000e+00 : f32
    %broadcast_in_dim3A_1015 = vector.broadcast %jit3A_1014 : f32 to vector<1x128xf32>
    %select_n3A_1016 = arith.select %gt3A_1010, %get3A_1013, %broadcast_in_dim3A_1015 : vector<1x128xi1>, vector<1x128xf32>
    %gt3A_1017 = arith.constant 27 : i32
    %gt3A_1018 = vector.broadcast %gt3A_1017 : i32 to vector<1x128xi32>
    %gt3A_1019 = arith.cmpi sgt, %iota3A, %gt3A_1018 : vector<1x128xi32>
    %get3A_1020 = arith.constant 0 : index
    %get3A_1021 = arith.constant 3058 : index
    %get3A_1022 = vector.load %arg2[%get3A_1020, %get3A_1021] : memref<1x8192xf32, #tpu.memory_space<vmem>>, vector<1x128xf32>
    %jit3A_1023 = arith.constant 0.000000e+00 : f32
    %broadcast_in_dim3A_1024 = vector.broadcast %jit3A_1023 : f32 to vector<1x128xf32>
    %select_n3A_1025 = arith.select %gt3A_1019, %get3A_1022, %broadcast_in_dim3A_1024 : vector<1x128xi1>, vector<1x128xf32>
    %gt3A_1026 = arith.constant 28 : i32
    %gt3A_1027 = vector.broadcast %gt3A_1026 : i32 to vector<1x128xi32>
    %gt3A_1028 = arith.cmpi sgt, %iota3A, %gt3A_1027 : vector<1x128xi32>
    %get3A_1029 = arith.constant 0 : index
    %get3A_1030 = arith.constant 3157 : index
    %get3A_1031 = vector.load %arg2[%get3A_1029, %get3A_1030] : memref<1x8192xf32, #tpu.memory_space<vmem>>, vector<1x128xf32>
    %jit3A_1032 = arith.constant 0.000000e+00 : f32
    %broadcast_in_dim3A_1033 = vector.broadcast %jit3A_1032 : f32 to vector<1x128xf32>
    %select_n3A_1034 = arith.select %gt3A_1028, %get3A_1031, %broadcast_in_dim3A_1033 : vector<1x128xi1>, vector<1x128xf32>
    %gt3A_1035 = arith.constant 29 : i32
    %gt3A_1036 = vector.broadcast %gt3A_1035 : i32 to vector<1x128xi32>
    %gt3A_1037 = arith.cmpi sgt, %iota3A, %gt3A_1036 : vector<1x128xi32>
    %get3A_1038 = arith.constant 0 : index
    %get3A_1039 = arith.constant 3255 : index
    %get3A_1040 = vector.load %arg2[%get3A_1038, %get3A_1039] : memref<1x8192xf32, #tpu.memory_space<vmem>>, vector<1x128xf32>
    %jit3A_1041 = arith.constant 0.000000e+00 : f32
    %broadcast_in_dim3A_1042 = vector.broadcast %jit3A_1041 : f32 to vector<1x128xf32>
    %select_n3A_1043 = arith.select %gt3A_1037, %get3A_1040, %broadcast_in_dim3A_1042 : vector<1x128xi1>, vector<1x128xf32>
    %gt3A_1044 = arith.constant 30 : i32
    %gt3A_1045 = vector.broadcast %gt3A_1044 : i32 to vector<1x128xi32>
    %gt3A_1046 = arith.cmpi sgt, %iota3A, %gt3A_1045 : vector<1x128xi32>
    %get3A_1047 = arith.constant 0 : index
    %get3A_1048 = arith.constant 3352 : index
    %get3A_1049 = vector.load %arg2[%get3A_1047, %get3A_1048] : memref<1x8192xf32, #tpu.memory_space<vmem>>, vector<1x128xf32>
    %jit3A_1050 = arith.constant 0.000000e+00 : f32
    %broadcast_in_dim3A_1051 = vector.broadcast %jit3A_1050 : f32 to vector<1x128xf32>
    %select_n3A_1052 = arith.select %gt3A_1046, %get3A_1049, %broadcast_in_dim3A_1051 : vector<1x128xi1>, vector<1x128xf32>
    %gt3A_1053 = arith.constant 31 : i32
    %gt3A_1054 = vector.broadcast %gt3A_1053 : i32 to vector<1x128xi32>
    %gt3A_1055 = arith.cmpi sgt, %iota3A, %gt3A_1054 : vector<1x128xi32>
    %get3A_1056 = arith.constant 0 : index
    %get3A_1057 = arith.constant 3448 : index
    %get3A_1058 = vector.load %arg2[%get3A_1056, %get3A_1057] : memref<1x8192xf32, #tpu.memory_space<vmem>>, vector<1x128xf32>
    %jit3A_1059 = arith.constant 0.000000e+00 : f32
    %broadcast_in_dim3A_1060 = vector.broadcast %jit3A_1059 : f32 to vector<1x128xf32>
    %select_n3A_1061 = arith.select %gt3A_1055, %get3A_1058, %broadcast_in_dim3A_1060 : vector<1x128xi1>, vector<1x128xf32>
    %gt3A_1062 = arith.constant 32 : i32
    %gt3A_1063 = vector.broadcast %gt3A_1062 : i32 to vector<1x128xi32>
    %gt3A_1064 = arith.cmpi sgt, %iota3A, %gt3A_1063 : vector<1x128xi32>
    %get3A_1065 = arith.constant 0 : index
    %get3A_1066 = arith.constant 3543 : index
    %get3A_1067 = vector.load %arg2[%get3A_1065, %get3A_1066] : memref<1x8192xf32, #tpu.memory_space<vmem>>, vector<1x128xf32>
    %jit3A_1068 = arith.constant 0.000000e+00 : f32
    %broadcast_in_dim3A_1069 = vector.broadcast %jit3A_1068 : f32 to vector<1x128xf32>
    %select_n3A_1070 = arith.select %gt3A_1064, %get3A_1067, %broadcast_in_dim3A_1069 : vector<1x128xi1>, vector<1x128xf32>
    %gt3A_1071 = arith.constant 33 : i32
    %gt3A_1072 = vector.broadcast %gt3A_1071 : i32 to vector<1x128xi32>
    %gt3A_1073 = arith.cmpi sgt, %iota3A, %gt3A_1072 : vector<1x128xi32>
    %get3A_1074 = arith.constant 0 : index
    %get3A_1075 = arith.constant 3637 : index
    %get3A_1076 = vector.load %arg2[%get3A_1074, %get3A_1075] : memref<1x8192xf32, #tpu.memory_space<vmem>>, vector<1x128xf32>
    %jit3A_1077 = arith.constant 0.000000e+00 : f32
    %broadcast_in_dim3A_1078 = vector.broadcast %jit3A_1077 : f32 to vector<1x128xf32>
    %select_n3A_1079 = arith.select %gt3A_1073, %get3A_1076, %broadcast_in_dim3A_1078 : vector<1x128xi1>, vector<1x128xf32>
    %gt3A_1080 = arith.constant 34 : i32
    %gt3A_1081 = vector.broadcast %gt3A_1080 : i32 to vector<1x128xi32>
    %gt3A_1082 = arith.cmpi sgt, %iota3A, %gt3A_1081 : vector<1x128xi32>
    %get3A_1083 = arith.constant 0 : index
    %get3A_1084 = arith.constant 3730 : index
    %get3A_1085 = vector.load %arg2[%get3A_1083, %get3A_1084] : memref<1x8192xf32, #tpu.memory_space<vmem>>, vector<1x128xf32>
    %jit3A_1086 = arith.constant 0.000000e+00 : f32
    %broadcast_in_dim3A_1087 = vector.broadcast %jit3A_1086 : f32 to vector<1x128xf32>
    %select_n3A_1088 = arith.select %gt3A_1082, %get3A_1085, %broadcast_in_dim3A_1087 : vector<1x128xi1>, vector<1x128xf32>
    %gt3A_1089 = arith.constant 35 : i32
    %gt3A_1090 = vector.broadcast %gt3A_1089 : i32 to vector<1x128xi32>
    %gt3A_1091 = arith.cmpi sgt, %iota3A, %gt3A_1090 : vector<1x128xi32>
    %get3A_1092 = arith.constant 0 : index
    %get3A_1093 = arith.constant 3822 : index
    %get3A_1094 = vector.load %arg2[%get3A_1092, %get3A_1093] : memref<1x8192xf32, #tpu.memory_space<vmem>>, vector<1x128xf32>
    %jit3A_1095 = arith.constant 0.000000e+00 : f32
    %broadcast_in_dim3A_1096 = vector.broadcast %jit3A_1095 : f32 to vector<1x128xf32>
    %select_n3A_1097 = arith.select %gt3A_1091, %get3A_1094, %broadcast_in_dim3A_1096 : vector<1x128xi1>, vector<1x128xf32>
    %gt3A_1098 = arith.constant 36 : i32
    %gt3A_1099 = vector.broadcast %gt3A_1098 : i32 to vector<1x128xi32>
    %gt3A_1100 = arith.cmpi sgt, %iota3A, %gt3A_1099 : vector<1x128xi32>
    %get3A_1101 = arith.constant 0 : index
    %get3A_1102 = arith.constant 3913 : index
    %get3A_1103 = vector.load %arg2[%get3A_1101, %get3A_1102] : memref<1x8192xf32, #tpu.memory_space<vmem>>, vector<1x128xf32>
    %jit3A_1104 = arith.constant 0.000000e+00 : f32
    %broadcast_in_dim3A_1105 = vector.broadcast %jit3A_1104 : f32 to vector<1x128xf32>
    %select_n3A_1106 = arith.select %gt3A_1100, %get3A_1103, %broadcast_in_dim3A_1105 : vector<1x128xi1>, vector<1x128xf32>
    %gt3A_1107 = arith.constant 37 : i32
    %gt3A_1108 = vector.broadcast %gt3A_1107 : i32 to vector<1x128xi32>
    %gt3A_1109 = arith.cmpi sgt, %iota3A, %gt3A_1108 : vector<1x128xi32>
    %get3A_1110 = arith.constant 0 : index
    %get3A_1111 = arith.constant 4003 : index
    %get3A_1112 = vector.load %arg2[%get3A_1110, %get3A_1111] : memref<1x8192xf32, #tpu.memory_space<vmem>>, vector<1x128xf32>
    %jit3A_1113 = arith.constant 0.000000e+00 : f32
    %broadcast_in_dim3A_1114 = vector.broadcast %jit3A_1113 : f32 to vector<1x128xf32>
    %select_n3A_1115 = arith.select %gt3A_1109, %get3A_1112, %broadcast_in_dim3A_1114 : vector<1x128xi1>, vector<1x128xf32>
    %gt3A_1116 = arith.constant 38 : i32
    %gt3A_1117 = vector.broadcast %gt3A_1116 : i32 to vector<1x128xi32>
    %gt3A_1118 = arith.cmpi sgt, %iota3A, %gt3A_1117 : vector<1x128xi32>
    %get3A_1119 = arith.constant 0 : index
    %get3A_1120 = arith.constant 4092 : index
    %get3A_1121 = vector.load %arg2[%get3A_1119, %get3A_1120] : memref<1x8192xf32, #tpu.memory_space<vmem>>, vector<1x128xf32>
    %jit3A_1122 = arith.constant 0.000000e+00 : f32
    %broadcast_in_dim3A_1123 = vector.broadcast %jit3A_1122 : f32 to vector<1x128xf32>
    %select_n3A_1124 = arith.select %gt3A_1118, %get3A_1121, %broadcast_in_dim3A_1123 : vector<1x128xi1>, vector<1x128xf32>
    %gt3A_1125 = arith.constant 39 : i32
    %gt3A_1126 = vector.broadcast %gt3A_1125 : i32 to vector<1x128xi32>
    %gt3A_1127 = arith.cmpi sgt, %iota3A, %gt3A_1126 : vector<1x128xi32>
    %get3A_1128 = arith.constant 0 : index
    %get3A_1129 = arith.constant 4180 : index
    %get3A_1130 = vector.load %arg2[%get3A_1128, %get3A_1129] : memref<1x8192xf32, #tpu.memory_space<vmem>>, vector<1x128xf32>
    %jit3A_1131 = arith.constant 0.000000e+00 : f32
    %broadcast_in_dim3A_1132 = vector.broadcast %jit3A_1131 : f32 to vector<1x128xf32>
    %select_n3A_1133 = arith.select %gt3A_1127, %get3A_1130, %broadcast_in_dim3A_1132 : vector<1x128xi1>, vector<1x128xf32>
    %gt3A_1134 = arith.constant 40 : i32
    %gt3A_1135 = vector.broadcast %gt3A_1134 : i32 to vector<1x128xi32>
    %gt3A_1136 = arith.cmpi sgt, %iota3A, %gt3A_1135 : vector<1x128xi32>
    %get3A_1137 = arith.constant 0 : index
    %get3A_1138 = arith.constant 4267 : index
    %get3A_1139 = vector.load %arg2[%get3A_1137, %get3A_1138] : memref<1x8192xf32, #tpu.memory_space<vmem>>, vector<1x128xf32>
    %jit3A_1140 = arith.constant 0.000000e+00 : f32
    %broadcast_in_dim3A_1141 = vector.broadcast %jit3A_1140 : f32 to vector<1x128xf32>
    %select_n3A_1142 = arith.select %gt3A_1136, %get3A_1139, %broadcast_in_dim3A_1141 : vector<1x128xi1>, vector<1x128xf32>
    %gt3A_1143 = arith.constant 41 : i32
    %gt3A_1144 = vector.broadcast %gt3A_1143 : i32 to vector<1x128xi32>
    %gt3A_1145 = arith.cmpi sgt, %iota3A, %gt3A_1144 : vector<1x128xi32>
    %get3A_1146 = arith.constant 0 : index
    %get3A_1147 = arith.constant 4353 : index
    %get3A_1148 = vector.load %arg2[%get3A_1146, %get3A_1147] : memref<1x8192xf32, #tpu.memory_space<vmem>>, vector<1x128xf32>
    %jit3A_1149 = arith.constant 0.000000e+00 : f32
    %broadcast_in_dim3A_1150 = vector.broadcast %jit3A_1149 : f32 to vector<1x128xf32>
    %select_n3A_1151 = arith.select %gt3A_1145, %get3A_1148, %broadcast_in_dim3A_1150 : vector<1x128xi1>, vector<1x128xf32>
    %gt3A_1152 = arith.constant 42 : i32
    %gt3A_1153 = vector.broadcast %gt3A_1152 : i32 to vector<1x128xi32>
    %gt3A_1154 = arith.cmpi sgt, %iota3A, %gt3A_1153 : vector<1x128xi32>
    %get3A_1155 = arith.constant 0 : index
    %get3A_1156 = arith.constant 4438 : index
    %get3A_1157 = vector.load %arg2[%get3A_1155, %get3A_1156] : memref<1x8192xf32, #tpu.memory_space<vmem>>, vector<1x128xf32>
    %jit3A_1158 = arith.constant 0.000000e+00 : f32
    %broadcast_in_dim3A_1159 = vector.broadcast %jit3A_1158 : f32 to vector<1x128xf32>
    %select_n3A_1160 = arith.select %gt3A_1154, %get3A_1157, %broadcast_in_dim3A_1159 : vector<1x128xi1>, vector<1x128xf32>
    %gt3A_1161 = arith.constant 43 : i32
    %gt3A_1162 = vector.broadcast %gt3A_1161 : i32 to vector<1x128xi32>
    %gt3A_1163 = arith.cmpi sgt, %iota3A, %gt3A_1162 : vector<1x128xi32>
    %get3A_1164 = arith.constant 0 : index
    %get3A_1165 = arith.constant 4522 : index
    %get3A_1166 = vector.load %arg2[%get3A_1164, %get3A_1165] : memref<1x8192xf32, #tpu.memory_space<vmem>>, vector<1x128xf32>
    %jit3A_1167 = arith.constant 0.000000e+00 : f32
    %broadcast_in_dim3A_1168 = vector.broadcast %jit3A_1167 : f32 to vector<1x128xf32>
    %select_n3A_1169 = arith.select %gt3A_1163, %get3A_1166, %broadcast_in_dim3A_1168 : vector<1x128xi1>, vector<1x128xf32>
    %gt3A_1170 = arith.constant 44 : i32
    %gt3A_1171 = vector.broadcast %gt3A_1170 : i32 to vector<1x128xi32>
    %gt3A_1172 = arith.cmpi sgt, %iota3A, %gt3A_1171 : vector<1x128xi32>
    %get3A_1173 = arith.constant 0 : index
    %get3A_1174 = arith.constant 4605 : index
    %get3A_1175 = vector.load %arg2[%get3A_1173, %get3A_1174] : memref<1x8192xf32, #tpu.memory_space<vmem>>, vector<1x128xf32>
    %jit3A_1176 = arith.constant 0.000000e+00 : f32
    %broadcast_in_dim3A_1177 = vector.broadcast %jit3A_1176 : f32 to vector<1x128xf32>
    %select_n3A_1178 = arith.select %gt3A_1172, %get3A_1175, %broadcast_in_dim3A_1177 : vector<1x128xi1>, vector<1x128xf32>
    %gt3A_1179 = arith.constant 45 : i32
    %gt3A_1180 = vector.broadcast %gt3A_1179 : i32 to vector<1x128xi32>
    %gt3A_1181 = arith.cmpi sgt, %iota3A, %gt3A_1180 : vector<1x128xi32>
    %get3A_1182 = arith.constant 0 : index
    %get3A_1183 = arith.constant 4687 : index
    %get3A_1184 = vector.load %arg2[%get3A_1182, %get3A_1183] : memref<1x8192xf32, #tpu.memory_space<vmem>>, vector<1x128xf32>
    %jit3A_1185 = arith.constant 0.000000e+00 : f32
    %broadcast_in_dim3A_1186 = vector.broadcast %jit3A_1185 : f32 to vector<1x128xf32>
    %select_n3A_1187 = arith.select %gt3A_1181, %get3A_1184, %broadcast_in_dim3A_1186 : vector<1x128xi1>, vector<1x128xf32>
    %gt3A_1188 = arith.constant 46 : i32
    %gt3A_1189 = vector.broadcast %gt3A_1188 : i32 to vector<1x128xi32>
    %gt3A_1190 = arith.cmpi sgt, %iota3A, %gt3A_1189 : vector<1x128xi32>
    %get3A_1191 = arith.constant 0 : index
    %get3A_1192 = arith.constant 4768 : index
    %get3A_1193 = vector.load %arg2[%get3A_1191, %get3A_1192] : memref<1x8192xf32, #tpu.memory_space<vmem>>, vector<1x128xf32>
    %jit3A_1194 = arith.constant 0.000000e+00 : f32
    %broadcast_in_dim3A_1195 = vector.broadcast %jit3A_1194 : f32 to vector<1x128xf32>
    %select_n3A_1196 = arith.select %gt3A_1190, %get3A_1193, %broadcast_in_dim3A_1195 : vector<1x128xi1>, vector<1x128xf32>
    %gt3A_1197 = arith.constant 47 : i32
    %gt3A_1198 = vector.broadcast %gt3A_1197 : i32 to vector<1x128xi32>
    %gt3A_1199 = arith.cmpi sgt, %iota3A, %gt3A_1198 : vector<1x128xi32>
    %get3A_1200 = arith.constant 0 : index
    %get3A_1201 = arith.constant 4848 : index
    %get3A_1202 = vector.load %arg2[%get3A_1200, %get3A_1201] : memref<1x8192xf32, #tpu.memory_space<vmem>>, vector<1x128xf32>
    %jit3A_1203 = arith.constant 0.000000e+00 : f32
    %broadcast_in_dim3A_1204 = vector.broadcast %jit3A_1203 : f32 to vector<1x128xf32>
    %select_n3A_1205 = arith.select %gt3A_1199, %get3A_1202, %broadcast_in_dim3A_1204 : vector<1x128xi1>, vector<1x128xf32>
    %gt3A_1206 = arith.constant 48 : i32
    %gt3A_1207 = vector.broadcast %gt3A_1206 : i32 to vector<1x128xi32>
    %gt3A_1208 = arith.cmpi sgt, %iota3A, %gt3A_1207 : vector<1x128xi32>
    %get3A_1209 = arith.constant 0 : index
    %get3A_1210 = arith.constant 4927 : index
    %get3A_1211 = vector.load %arg2[%get3A_1209, %get3A_1210] : memref<1x8192xf32, #tpu.memory_space<vmem>>, vector<1x128xf32>
    %jit3A_1212 = arith.constant 0.000000e+00 : f32
    %broadcast_in_dim3A_1213 = vector.broadcast %jit3A_1212 : f32 to vector<1x128xf32>
    %select_n3A_1214 = arith.select %gt3A_1208, %get3A_1211, %broadcast_in_dim3A_1213 : vector<1x128xi1>, vector<1x128xf32>
    %gt3A_1215 = arith.constant 49 : i32
    %gt3A_1216 = vector.broadcast %gt3A_1215 : i32 to vector<1x128xi32>
    %gt3A_1217 = arith.cmpi sgt, %iota3A, %gt3A_1216 : vector<1x128xi32>
    %get3A_1218 = arith.constant 0 : index
    %get3A_1219 = arith.constant 5005 : index
    %get3A_1220 = vector.load %arg2[%get3A_1218, %get3A_1219] : memref<1x8192xf32, #tpu.memory_space<vmem>>, vector<1x128xf32>
    %jit3A_1221 = arith.constant 0.000000e+00 : f32
    %broadcast_in_dim3A_1222 = vector.broadcast %jit3A_1221 : f32 to vector<1x128xf32>
    %select_n3A_1223 = arith.select %gt3A_1217, %get3A_1220, %broadcast_in_dim3A_1222 : vector<1x128xi1>, vector<1x128xf32>
    %gt3A_1224 = arith.constant 50 : i32
    %gt3A_1225 = vector.broadcast %gt3A_1224 : i32 to vector<1x128xi32>
    %gt3A_1226 = arith.cmpi sgt, %iota3A, %gt3A_1225 : vector<1x128xi32>
    %get3A_1227 = arith.constant 0 : index
    %get3A_1228 = arith.constant 5082 : index
    %get3A_1229 = vector.load %arg2[%get3A_1227, %get3A_1228] : memref<1x8192xf32, #tpu.memory_space<vmem>>, vector<1x128xf32>
    %jit3A_1230 = arith.constant 0.000000e+00 : f32
    %broadcast_in_dim3A_1231 = vector.broadcast %jit3A_1230 : f32 to vector<1x128xf32>
    %select_n3A_1232 = arith.select %gt3A_1226, %get3A_1229, %broadcast_in_dim3A_1231 : vector<1x128xi1>, vector<1x128xf32>
    %gt3A_1233 = arith.constant 51 : i32
    %gt3A_1234 = vector.broadcast %gt3A_1233 : i32 to vector<1x128xi32>
    %gt3A_1235 = arith.cmpi sgt, %iota3A, %gt3A_1234 : vector<1x128xi32>
    %get3A_1236 = arith.constant 0 : index
    %get3A_1237 = arith.constant 5158 : index
    %get3A_1238 = vector.load %arg2[%get3A_1236, %get3A_1237] : memref<1x8192xf32, #tpu.memory_space<vmem>>, vector<1x128xf32>
    %jit3A_1239 = arith.constant 0.000000e+00 : f32
    %broadcast_in_dim3A_1240 = vector.broadcast %jit3A_1239 : f32 to vector<1x128xf32>
    %select_n3A_1241 = arith.select %gt3A_1235, %get3A_1238, %broadcast_in_dim3A_1240 : vector<1x128xi1>, vector<1x128xf32>
    %gt3A_1242 = arith.constant 52 : i32
    %gt3A_1243 = vector.broadcast %gt3A_1242 : i32 to vector<1x128xi32>
    %gt3A_1244 = arith.cmpi sgt, %iota3A, %gt3A_1243 : vector<1x128xi32>
    %get3A_1245 = arith.constant 0 : index
    %get3A_1246 = arith.constant 5233 : index
    %get3A_1247 = vector.load %arg2[%get3A_1245, %get3A_1246] : memref<1x8192xf32, #tpu.memory_space<vmem>>, vector<1x128xf32>
    %jit3A_1248 = arith.constant 0.000000e+00 : f32
    %broadcast_in_dim3A_1249 = vector.broadcast %jit3A_1248 : f32 to vector<1x128xf32>
    %select_n3A_1250 = arith.select %gt3A_1244, %get3A_1247, %broadcast_in_dim3A_1249 : vector<1x128xi1>, vector<1x128xf32>
    %gt3A_1251 = arith.constant 53 : i32
    %gt3A_1252 = vector.broadcast %gt3A_1251 : i32 to vector<1x128xi32>
    %gt3A_1253 = arith.cmpi sgt, %iota3A, %gt3A_1252 : vector<1x128xi32>
    %get3A_1254 = arith.constant 0 : index
    %get3A_1255 = arith.constant 5307 : index
    %get3A_1256 = vector.load %arg2[%get3A_1254, %get3A_1255] : memref<1x8192xf32, #tpu.memory_space<vmem>>, vector<1x128xf32>
    %jit3A_1257 = arith.constant 0.000000e+00 : f32
    %broadcast_in_dim3A_1258 = vector.broadcast %jit3A_1257 : f32 to vector<1x128xf32>
    %select_n3A_1259 = arith.select %gt3A_1253, %get3A_1256, %broadcast_in_dim3A_1258 : vector<1x128xi1>, vector<1x128xf32>
    %gt3A_1260 = arith.constant 54 : i32
    %gt3A_1261 = vector.broadcast %gt3A_1260 : i32 to vector<1x128xi32>
    %gt3A_1262 = arith.cmpi sgt, %iota3A, %gt3A_1261 : vector<1x128xi32>
    %get3A_1263 = arith.constant 0 : index
    %get3A_1264 = arith.constant 5380 : index
    %get3A_1265 = vector.load %arg2[%get3A_1263, %get3A_1264] : memref<1x8192xf32, #tpu.memory_space<vmem>>, vector<1x128xf32>
    %jit3A_1266 = arith.constant 0.000000e+00 : f32
    %broadcast_in_dim3A_1267 = vector.broadcast %jit3A_1266 : f32 to vector<1x128xf32>
    %select_n3A_1268 = arith.select %gt3A_1262, %get3A_1265, %broadcast_in_dim3A_1267 : vector<1x128xi1>, vector<1x128xf32>
    %gt3A_1269 = arith.constant 55 : i32
    %gt3A_1270 = vector.broadcast %gt3A_1269 : i32 to vector<1x128xi32>
    %gt3A_1271 = arith.cmpi sgt, %iota3A, %gt3A_1270 : vector<1x128xi32>
    %get3A_1272 = arith.constant 0 : index
    %get3A_1273 = arith.constant 5452 : index
    %get3A_1274 = vector.load %arg2[%get3A_1272, %get3A_1273] : memref<1x8192xf32, #tpu.memory_space<vmem>>, vector<1x128xf32>
    %jit3A_1275 = arith.constant 0.000000e+00 : f32
    %broadcast_in_dim3A_1276 = vector.broadcast %jit3A_1275 : f32 to vector<1x128xf32>
    %select_n3A_1277 = arith.select %gt3A_1271, %get3A_1274, %broadcast_in_dim3A_1276 : vector<1x128xi1>, vector<1x128xf32>
    %gt3A_1278 = arith.constant 56 : i32
    %gt3A_1279 = vector.broadcast %gt3A_1278 : i32 to vector<1x128xi32>
    %gt3A_1280 = arith.cmpi sgt, %iota3A, %gt3A_1279 : vector<1x128xi32>
    %get3A_1281 = arith.constant 0 : index
    %get3A_1282 = arith.constant 5523 : index
    %get3A_1283 = vector.load %arg2[%get3A_1281, %get3A_1282] : memref<1x8192xf32, #tpu.memory_space<vmem>>, vector<1x128xf32>
    %jit3A_1284 = arith.constant 0.000000e+00 : f32
    %broadcast_in_dim3A_1285 = vector.broadcast %jit3A_1284 : f32 to vector<1x128xf32>
    %select_n3A_1286 = arith.select %gt3A_1280, %get3A_1283, %broadcast_in_dim3A_1285 : vector<1x128xi1>, vector<1x128xf32>
    %gt3A_1287 = arith.constant 57 : i32
    %gt3A_1288 = vector.broadcast %gt3A_1287 : i32 to vector<1x128xi32>
    %gt3A_1289 = arith.cmpi sgt, %iota3A, %gt3A_1288 : vector<1x128xi32>
    %get3A_1290 = arith.constant 0 : index
    %get3A_1291 = arith.constant 5593 : index
    %get3A_1292 = vector.load %arg2[%get3A_1290, %get3A_1291] : memref<1x8192xf32, #tpu.memory_space<vmem>>, vector<1x128xf32>
    %jit3A_1293 = arith.constant 0.000000e+00 : f32
    %broadcast_in_dim3A_1294 = vector.broadcast %jit3A_1293 : f32 to vector<1x128xf32>
    %select_n3A_1295 = arith.select %gt3A_1289, %get3A_1292, %broadcast_in_dim3A_1294 : vector<1x128xi1>, vector<1x128xf32>
    %gt3A_1296 = arith.constant 58 : i32
    %gt3A_1297 = vector.broadcast %gt3A_1296 : i32 to vector<1x128xi32>
    %gt3A_1298 = arith.cmpi sgt, %iota3A, %gt3A_1297 : vector<1x128xi32>
    %get3A_1299 = arith.constant 0 : index
    %get3A_1300 = arith.constant 5662 : index
    %get3A_1301 = vector.load %arg2[%get3A_1299, %get3A_1300] : memref<1x8192xf32, #tpu.memory_space<vmem>>, vector<1x128xf32>
    %jit3A_1302 = arith.constant 0.000000e+00 : f32
    %broadcast_in_dim3A_1303 = vector.broadcast %jit3A_1302 : f32 to vector<1x128xf32>
    %select_n3A_1304 = arith.select %gt3A_1298, %get3A_1301, %broadcast_in_dim3A_1303 : vector<1x128xi1>, vector<1x128xf32>
    %gt3A_1305 = arith.constant 59 : i32
    %gt3A_1306 = vector.broadcast %gt3A_1305 : i32 to vector<1x128xi32>
    %gt3A_1307 = arith.cmpi sgt, %iota3A, %gt3A_1306 : vector<1x128xi32>
    %get3A_1308 = arith.constant 0 : index
    %get3A_1309 = arith.constant 5730 : index
    %get3A_1310 = vector.load %arg2[%get3A_1308, %get3A_1309] : memref<1x8192xf32, #tpu.memory_space<vmem>>, vector<1x128xf32>
    %jit3A_1311 = arith.constant 0.000000e+00 : f32
    %broadcast_in_dim3A_1312 = vector.broadcast %jit3A_1311 : f32 to vector<1x128xf32>
    %select_n3A_1313 = arith.select %gt3A_1307, %get3A_1310, %broadcast_in_dim3A_1312 : vector<1x128xi1>, vector<1x128xf32>
    %gt3A_1314 = arith.constant 60 : i32
    %gt3A_1315 = vector.broadcast %gt3A_1314 : i32 to vector<1x128xi32>
    %gt3A_1316 = arith.cmpi sgt, %iota3A, %gt3A_1315 : vector<1x128xi32>
    %get3A_1317 = arith.constant 0 : index
    %get3A_1318 = arith.constant 5797 : index
    %get3A_1319 = vector.load %arg2[%get3A_1317, %get3A_1318] : memref<1x8192xf32, #tpu.memory_space<vmem>>, vector<1x128xf32>
    %jit3A_1320 = arith.constant 0.000000e+00 : f32
    %broadcast_in_dim3A_1321 = vector.broadcast %jit3A_1320 : f32 to vector<1x128xf32>
    %select_n3A_1322 = arith.select %gt3A_1316, %get3A_1319, %broadcast_in_dim3A_1321 : vector<1x128xi1>, vector<1x128xf32>
    %gt3A_1323 = arith.constant 61 : i32
    %gt3A_1324 = vector.broadcast %gt3A_1323 : i32 to vector<1x128xi32>
    %gt3A_1325 = arith.cmpi sgt, %iota3A, %gt3A_1324 : vector<1x128xi32>
    %get3A_1326 = arith.constant 0 : index
    %get3A_1327 = arith.constant 5863 : index
    %get3A_1328 = vector.load %arg2[%get3A_1326, %get3A_1327] : memref<1x8192xf32, #tpu.memory_space<vmem>>, vector<1x128xf32>
    %jit3A_1329 = arith.constant 0.000000e+00 : f32
    %broadcast_in_dim3A_1330 = vector.broadcast %jit3A_1329 : f32 to vector<1x128xf32>
    %select_n3A_1331 = arith.select %gt3A_1325, %get3A_1328, %broadcast_in_dim3A_1330 : vector<1x128xi1>, vector<1x128xf32>
    %gt3A_1332 = arith.constant 62 : i32
    %gt3A_1333 = vector.broadcast %gt3A_1332 : i32 to vector<1x128xi32>
    %gt3A_1334 = arith.cmpi sgt, %iota3A, %gt3A_1333 : vector<1x128xi32>
    %get3A_1335 = arith.constant 0 : index
    %get3A_1336 = arith.constant 5928 : index
    %get3A_1337 = vector.load %arg2[%get3A_1335, %get3A_1336] : memref<1x8192xf32, #tpu.memory_space<vmem>>, vector<1x128xf32>
    %jit3A_1338 = arith.constant 0.000000e+00 : f32
    %broadcast_in_dim3A_1339 = vector.broadcast %jit3A_1338 : f32 to vector<1x128xf32>
    %select_n3A_1340 = arith.select %gt3A_1334, %get3A_1337, %broadcast_in_dim3A_1339 : vector<1x128xi1>, vector<1x128xf32>
    %gt3A_1341 = arith.constant 63 : i32
    %gt3A_1342 = vector.broadcast %gt3A_1341 : i32 to vector<1x128xi32>
    %gt3A_1343 = arith.cmpi sgt, %iota3A, %gt3A_1342 : vector<1x128xi32>
    %get3A_1344 = arith.constant 0 : index
    %get3A_1345 = arith.constant 5992 : index
    %get3A_1346 = vector.load %arg2[%get3A_1344, %get3A_1345] : memref<1x8192xf32, #tpu.memory_space<vmem>>, vector<1x128xf32>
    %jit3A_1347 = arith.constant 0.000000e+00 : f32
    %broadcast_in_dim3A_1348 = vector.broadcast %jit3A_1347 : f32 to vector<1x128xf32>
    %select_n3A_1349 = arith.select %gt3A_1343, %get3A_1346, %broadcast_in_dim3A_1348 : vector<1x128xi1>, vector<1x128xf32>
    %gt3A_1350 = arith.constant 64 : i32
    %gt3A_1351 = vector.broadcast %gt3A_1350 : i32 to vector<1x128xi32>
    %gt3A_1352 = arith.cmpi sgt, %iota3A, %gt3A_1351 : vector<1x128xi32>
    %get3A_1353 = arith.constant 0 : index
    %get3A_1354 = arith.constant 6055 : index
    %get3A_1355 = vector.load %arg2[%get3A_1353, %get3A_1354] : memref<1x8192xf32, #tpu.memory_space<vmem>>, vector<1x128xf32>
    %jit3A_1356 = arith.constant 0.000000e+00 : f32
    %broadcast_in_dim3A_1357 = vector.broadcast %jit3A_1356 : f32 to vector<1x128xf32>
    %select_n3A_1358 = arith.select %gt3A_1352, %get3A_1355, %broadcast_in_dim3A_1357 : vector<1x128xi1>, vector<1x128xf32>
    %gt3A_1359 = arith.constant 65 : i32
    %gt3A_1360 = vector.broadcast %gt3A_1359 : i32 to vector<1x128xi32>
    %gt3A_1361 = arith.cmpi sgt, %iota3A, %gt3A_1360 : vector<1x128xi32>
    %get3A_1362 = arith.constant 0 : index
    %get3A_1363 = arith.constant 6117 : index
    %get3A_1364 = vector.load %arg2[%get3A_1362, %get3A_1363] : memref<1x8192xf32, #tpu.memory_space<vmem>>, vector<1x128xf32>
    %jit3A_1365 = arith.constant 0.000000e+00 : f32
    %broadcast_in_dim3A_1366 = vector.broadcast %jit3A_1365 : f32 to vector<1x128xf32>
    %select_n3A_1367 = arith.select %gt3A_1361, %get3A_1364, %broadcast_in_dim3A_1366 : vector<1x128xi1>, vector<1x128xf32>
    %gt3A_1368 = arith.constant 66 : i32
    %gt3A_1369 = vector.broadcast %gt3A_1368 : i32 to vector<1x128xi32>
    %gt3A_1370 = arith.cmpi sgt, %iota3A, %gt3A_1369 : vector<1x128xi32>
    %get3A_1371 = arith.constant 0 : index
    %get3A_1372 = arith.constant 6178 : index
    %get3A_1373 = vector.load %arg2[%get3A_1371, %get3A_1372] : memref<1x8192xf32, #tpu.memory_space<vmem>>, vector<1x128xf32>
    %jit3A_1374 = arith.constant 0.000000e+00 : f32
    %broadcast_in_dim3A_1375 = vector.broadcast %jit3A_1374 : f32 to vector<1x128xf32>
    %select_n3A_1376 = arith.select %gt3A_1370, %get3A_1373, %broadcast_in_dim3A_1375 : vector<1x128xi1>, vector<1x128xf32>
    %gt3A_1377 = arith.constant 67 : i32
    %gt3A_1378 = vector.broadcast %gt3A_1377 : i32 to vector<1x128xi32>
    %gt3A_1379 = arith.cmpi sgt, %iota3A, %gt3A_1378 : vector<1x128xi32>
    %get3A_1380 = arith.constant 0 : index
    %get3A_1381 = arith.constant 6238 : index
    %get3A_1382 = vector.load %arg2[%get3A_1380, %get3A_1381] : memref<1x8192xf32, #tpu.memory_space<vmem>>, vector<1x128xf32>
    %jit3A_1383 = arith.constant 0.000000e+00 : f32
    %broadcast_in_dim3A_1384 = vector.broadcast %jit3A_1383 : f32 to vector<1x128xf32>
    %select_n3A_1385 = arith.select %gt3A_1379, %get3A_1382, %broadcast_in_dim3A_1384 : vector<1x128xi1>, vector<1x128xf32>
    %gt3A_1386 = arith.constant 68 : i32
    %gt3A_1387 = vector.broadcast %gt3A_1386 : i32 to vector<1x128xi32>
    %gt3A_1388 = arith.cmpi sgt, %iota3A, %gt3A_1387 : vector<1x128xi32>
    %get3A_1389 = arith.constant 0 : index
    %get3A_1390 = arith.constant 6297 : index
    %get3A_1391 = vector.load %arg2[%get3A_1389, %get3A_1390] : memref<1x8192xf32, #tpu.memory_space<vmem>>, vector<1x128xf32>
    %jit3A_1392 = arith.constant 0.000000e+00 : f32
    %broadcast_in_dim3A_1393 = vector.broadcast %jit3A_1392 : f32 to vector<1x128xf32>
    %select_n3A_1394 = arith.select %gt3A_1388, %get3A_1391, %broadcast_in_dim3A_1393 : vector<1x128xi1>, vector<1x128xf32>
    %gt3A_1395 = arith.constant 69 : i32
    %gt3A_1396 = vector.broadcast %gt3A_1395 : i32 to vector<1x128xi32>
    %gt3A_1397 = arith.cmpi sgt, %iota3A, %gt3A_1396 : vector<1x128xi32>
    %get3A_1398 = arith.constant 0 : index
    %get3A_1399 = arith.constant 6355 : index
    %get3A_1400 = vector.load %arg2[%get3A_1398, %get3A_1399] : memref<1x8192xf32, #tpu.memory_space<vmem>>, vector<1x128xf32>
    %jit3A_1401 = arith.constant 0.000000e+00 : f32
    %broadcast_in_dim3A_1402 = vector.broadcast %jit3A_1401 : f32 to vector<1x128xf32>
    %select_n3A_1403 = arith.select %gt3A_1397, %get3A_1400, %broadcast_in_dim3A_1402 : vector<1x128xi1>, vector<1x128xf32>
    %gt3A_1404 = arith.constant 70 : i32
    %gt3A_1405 = vector.broadcast %gt3A_1404 : i32 to vector<1x128xi32>
    %gt3A_1406 = arith.cmpi sgt, %iota3A, %gt3A_1405 : vector<1x128xi32>
    %get3A_1407 = arith.constant 0 : index
    %get3A_1408 = arith.constant 6412 : index
    %get3A_1409 = vector.load %arg2[%get3A_1407, %get3A_1408] : memref<1x8192xf32, #tpu.memory_space<vmem>>, vector<1x128xf32>
    %jit3A_1410 = arith.constant 0.000000e+00 : f32
    %broadcast_in_dim3A_1411 = vector.broadcast %jit3A_1410 : f32 to vector<1x128xf32>
    %select_n3A_1412 = arith.select %gt3A_1406, %get3A_1409, %broadcast_in_dim3A_1411 : vector<1x128xi1>, vector<1x128xf32>
    %gt3A_1413 = arith.constant 71 : i32
    %gt3A_1414 = vector.broadcast %gt3A_1413 : i32 to vector<1x128xi32>
    %gt3A_1415 = arith.cmpi sgt, %iota3A, %gt3A_1414 : vector<1x128xi32>
    %get3A_1416 = arith.constant 0 : index
    %get3A_1417 = arith.constant 6468 : index
    %get3A_1418 = vector.load %arg2[%get3A_1416, %get3A_1417] : memref<1x8192xf32, #tpu.memory_space<vmem>>, vector<1x128xf32>
    %jit3A_1419 = arith.constant 0.000000e+00 : f32
    %broadcast_in_dim3A_1420 = vector.broadcast %jit3A_1419 : f32 to vector<1x128xf32>
    %select_n3A_1421 = arith.select %gt3A_1415, %get3A_1418, %broadcast_in_dim3A_1420 : vector<1x128xi1>, vector<1x128xf32>
    %gt3A_1422 = arith.constant 72 : i32
    %gt3A_1423 = vector.broadcast %gt3A_1422 : i32 to vector<1x128xi32>
    %gt3A_1424 = arith.cmpi sgt, %iota3A, %gt3A_1423 : vector<1x128xi32>
    %get3A_1425 = arith.constant 0 : index
    %get3A_1426 = arith.constant 6523 : index
    %get3A_1427 = vector.load %arg2[%get3A_1425, %get3A_1426] : memref<1x8192xf32, #tpu.memory_space<vmem>>, vector<1x128xf32>
    %jit3A_1428 = arith.constant 0.000000e+00 : f32
    %broadcast_in_dim3A_1429 = vector.broadcast %jit3A_1428 : f32 to vector<1x128xf32>
    %select_n3A_1430 = arith.select %gt3A_1424, %get3A_1427, %broadcast_in_dim3A_1429 : vector<1x128xi1>, vector<1x128xf32>
    %gt3A_1431 = arith.constant 73 : i32
    %gt3A_1432 = vector.broadcast %gt3A_1431 : i32 to vector<1x128xi32>
    %gt3A_1433 = arith.cmpi sgt, %iota3A, %gt3A_1432 : vector<1x128xi32>
    %get3A_1434 = arith.constant 0 : index
    %get3A_1435 = arith.constant 6577 : index
    %get3A_1436 = vector.load %arg2[%get3A_1434, %get3A_1435] : memref<1x8192xf32, #tpu.memory_space<vmem>>, vector<1x128xf32>
    %jit3A_1437 = arith.constant 0.000000e+00 : f32
    %broadcast_in_dim3A_1438 = vector.broadcast %jit3A_1437 : f32 to vector<1x128xf32>
    %select_n3A_1439 = arith.select %gt3A_1433, %get3A_1436, %broadcast_in_dim3A_1438 : vector<1x128xi1>, vector<1x128xf32>
    %gt3A_1440 = arith.constant 74 : i32
    %gt3A_1441 = vector.broadcast %gt3A_1440 : i32 to vector<1x128xi32>
    %gt3A_1442 = arith.cmpi sgt, %iota3A, %gt3A_1441 : vector<1x128xi32>
    %get3A_1443 = arith.constant 0 : index
    %get3A_1444 = arith.constant 6630 : index
    %get3A_1445 = vector.load %arg2[%get3A_1443, %get3A_1444] : memref<1x8192xf32, #tpu.memory_space<vmem>>, vector<1x128xf32>
    %jit3A_1446 = arith.constant 0.000000e+00 : f32
    %broadcast_in_dim3A_1447 = vector.broadcast %jit3A_1446 : f32 to vector<1x128xf32>
    %select_n3A_1448 = arith.select %gt3A_1442, %get3A_1445, %broadcast_in_dim3A_1447 : vector<1x128xi1>, vector<1x128xf32>
    %gt3A_1449 = arith.constant 75 : i32
    %gt3A_1450 = vector.broadcast %gt3A_1449 : i32 to vector<1x128xi32>
    %gt3A_1451 = arith.cmpi sgt, %iota3A, %gt3A_1450 : vector<1x128xi32>
    %get3A_1452 = arith.constant 0 : index
    %get3A_1453 = arith.constant 6682 : index
    %get3A_1454 = vector.load %arg2[%get3A_1452, %get3A_1453] : memref<1x8192xf32, #tpu.memory_space<vmem>>, vector<1x128xf32>
    %jit3A_1455 = arith.constant 0.000000e+00 : f32
    %broadcast_in_dim3A_1456 = vector.broadcast %jit3A_1455 : f32 to vector<1x128xf32>
    %select_n3A_1457 = arith.select %gt3A_1451, %get3A_1454, %broadcast_in_dim3A_1456 : vector<1x128xi1>, vector<1x128xf32>
    %gt3A_1458 = arith.constant 76 : i32
    %gt3A_1459 = vector.broadcast %gt3A_1458 : i32 to vector<1x128xi32>
    %gt3A_1460 = arith.cmpi sgt, %iota3A, %gt3A_1459 : vector<1x128xi32>
    %get3A_1461 = arith.constant 0 : index
    %get3A_1462 = arith.constant 6733 : index
    %get3A_1463 = vector.load %arg2[%get3A_1461, %get3A_1462] : memref<1x8192xf32, #tpu.memory_space<vmem>>, vector<1x128xf32>
    %jit3A_1464 = arith.constant 0.000000e+00 : f32
    %broadcast_in_dim3A_1465 = vector.broadcast %jit3A_1464 : f32 to vector<1x128xf32>
    %select_n3A_1466 = arith.select %gt3A_1460, %get3A_1463, %broadcast_in_dim3A_1465 : vector<1x128xi1>, vector<1x128xf32>
    %gt3A_1467 = arith.constant 77 : i32
    %gt3A_1468 = vector.broadcast %gt3A_1467 : i32 to vector<1x128xi32>
    %gt3A_1469 = arith.cmpi sgt, %iota3A, %gt3A_1468 : vector<1x128xi32>
    %get3A_1470 = arith.constant 0 : index
    %get3A_1471 = arith.constant 6783 : index
    %get3A_1472 = vector.load %arg2[%get3A_1470, %get3A_1471] : memref<1x8192xf32, #tpu.memory_space<vmem>>, vector<1x128xf32>
    %jit3A_1473 = arith.constant 0.000000e+00 : f32
    %broadcast_in_dim3A_1474 = vector.broadcast %jit3A_1473 : f32 to vector<1x128xf32>
    %select_n3A_1475 = arith.select %gt3A_1469, %get3A_1472, %broadcast_in_dim3A_1474 : vector<1x128xi1>, vector<1x128xf32>
    %gt3A_1476 = arith.constant 78 : i32
    %gt3A_1477 = vector.broadcast %gt3A_1476 : i32 to vector<1x128xi32>
    %gt3A_1478 = arith.cmpi sgt, %iota3A, %gt3A_1477 : vector<1x128xi32>
    %get3A_1479 = arith.constant 0 : index
    %get3A_1480 = arith.constant 6832 : index
    %get3A_1481 = vector.load %arg2[%get3A_1479, %get3A_1480] : memref<1x8192xf32, #tpu.memory_space<vmem>>, vector<1x128xf32>
    %jit3A_1482 = arith.constant 0.000000e+00 : f32
    %broadcast_in_dim3A_1483 = vector.broadcast %jit3A_1482 : f32 to vector<1x128xf32>
    %select_n3A_1484 = arith.select %gt3A_1478, %get3A_1481, %broadcast_in_dim3A_1483 : vector<1x128xi1>, vector<1x128xf32>
    %gt3A_1485 = arith.constant 79 : i32
    %gt3A_1486 = vector.broadcast %gt3A_1485 : i32 to vector<1x128xi32>
    %gt3A_1487 = arith.cmpi sgt, %iota3A, %gt3A_1486 : vector<1x128xi32>
    %get3A_1488 = arith.constant 0 : index
    %get3A_1489 = arith.constant 6880 : index
    %get3A_1490 = vector.load %arg2[%get3A_1488, %get3A_1489] : memref<1x8192xf32, #tpu.memory_space<vmem>>, vector<1x128xf32>
    %jit3A_1491 = arith.constant 0.000000e+00 : f32
    %broadcast_in_dim3A_1492 = vector.broadcast %jit3A_1491 : f32 to vector<1x128xf32>
    %select_n3A_1493 = arith.select %gt3A_1487, %get3A_1490, %broadcast_in_dim3A_1492 : vector<1x128xi1>, vector<1x128xf32>
    %gt3A_1494 = arith.constant 80 : i32
    %gt3A_1495 = vector.broadcast %gt3A_1494 : i32 to vector<1x128xi32>
    %gt3A_1496 = arith.cmpi sgt, %iota3A, %gt3A_1495 : vector<1x128xi32>
    %get3A_1497 = arith.constant 0 : index
    %get3A_1498 = arith.constant 6927 : index
    %get3A_1499 = vector.load %arg2[%get3A_1497, %get3A_1498] : memref<1x8192xf32, #tpu.memory_space<vmem>>, vector<1x128xf32>
    %jit3A_1500 = arith.constant 0.000000e+00 : f32
    %broadcast_in_dim3A_1501 = vector.broadcast %jit3A_1500 : f32 to vector<1x128xf32>
    %select_n3A_1502 = arith.select %gt3A_1496, %get3A_1499, %broadcast_in_dim3A_1501 : vector<1x128xi1>, vector<1x128xf32>
    %gt3A_1503 = arith.constant 81 : i32
    %gt3A_1504 = vector.broadcast %gt3A_1503 : i32 to vector<1x128xi32>
    %gt3A_1505 = arith.cmpi sgt, %iota3A, %gt3A_1504 : vector<1x128xi32>
    %get3A_1506 = arith.constant 0 : index
    %get3A_1507 = arith.constant 6973 : index
    %get3A_1508 = vector.load %arg2[%get3A_1506, %get3A_1507] : memref<1x8192xf32, #tpu.memory_space<vmem>>, vector<1x128xf32>
    %jit3A_1509 = arith.constant 0.000000e+00 : f32
    %broadcast_in_dim3A_1510 = vector.broadcast %jit3A_1509 : f32 to vector<1x128xf32>
    %select_n3A_1511 = arith.select %gt3A_1505, %get3A_1508, %broadcast_in_dim3A_1510 : vector<1x128xi1>, vector<1x128xf32>
    %gt3A_1512 = arith.constant 82 : i32
    %gt3A_1513 = vector.broadcast %gt3A_1512 : i32 to vector<1x128xi32>
    %gt3A_1514 = arith.cmpi sgt, %iota3A, %gt3A_1513 : vector<1x128xi32>
    %get3A_1515 = arith.constant 0 : index
    %get3A_1516 = arith.constant 7018 : index
    %get3A_1517 = vector.load %arg2[%get3A_1515, %get3A_1516] : memref<1x8192xf32, #tpu.memory_space<vmem>>, vector<1x128xf32>
    %jit3A_1518 = arith.constant 0.000000e+00 : f32
    %broadcast_in_dim3A_1519 = vector.broadcast %jit3A_1518 : f32 to vector<1x128xf32>
    %select_n3A_1520 = arith.select %gt3A_1514, %get3A_1517, %broadcast_in_dim3A_1519 : vector<1x128xi1>, vector<1x128xf32>
    %gt3A_1521 = arith.constant 83 : i32
    %gt3A_1522 = vector.broadcast %gt3A_1521 : i32 to vector<1x128xi32>
    %gt3A_1523 = arith.cmpi sgt, %iota3A, %gt3A_1522 : vector<1x128xi32>
    %get3A_1524 = arith.constant 0 : index
    %get3A_1525 = arith.constant 7062 : index
    %get3A_1526 = vector.load %arg2[%get3A_1524, %get3A_1525] : memref<1x8192xf32, #tpu.memory_space<vmem>>, vector<1x128xf32>
    %jit3A_1527 = arith.constant 0.000000e+00 : f32
    %broadcast_in_dim3A_1528 = vector.broadcast %jit3A_1527 : f32 to vector<1x128xf32>
    %select_n3A_1529 = arith.select %gt3A_1523, %get3A_1526, %broadcast_in_dim3A_1528 : vector<1x128xi1>, vector<1x128xf32>
    %gt3A_1530 = arith.constant 84 : i32
    %gt3A_1531 = vector.broadcast %gt3A_1530 : i32 to vector<1x128xi32>
    %gt3A_1532 = arith.cmpi sgt, %iota3A, %gt3A_1531 : vector<1x128xi32>
    %get3A_1533 = arith.constant 0 : index
    %get3A_1534 = arith.constant 7105 : index
    %get3A_1535 = vector.load %arg2[%get3A_1533, %get3A_1534] : memref<1x8192xf32, #tpu.memory_space<vmem>>, vector<1x128xf32>
    %jit3A_1536 = arith.constant 0.000000e+00 : f32
    %broadcast_in_dim3A_1537 = vector.broadcast %jit3A_1536 : f32 to vector<1x128xf32>
    %select_n3A_1538 = arith.select %gt3A_1532, %get3A_1535, %broadcast_in_dim3A_1537 : vector<1x128xi1>, vector<1x128xf32>
    %gt3A_1539 = arith.constant 85 : i32
    %gt3A_1540 = vector.broadcast %gt3A_1539 : i32 to vector<1x128xi32>
    %gt3A_1541 = arith.cmpi sgt, %iota3A, %gt3A_1540 : vector<1x128xi32>
    %get3A_1542 = arith.constant 0 : index
    %get3A_1543 = arith.constant 7147 : index
    %get3A_1544 = vector.load %arg2[%get3A_1542, %get3A_1543] : memref<1x8192xf32, #tpu.memory_space<vmem>>, vector<1x128xf32>
    %jit3A_1545 = arith.constant 0.000000e+00 : f32
    %broadcast_in_dim3A_1546 = vector.broadcast %jit3A_1545 : f32 to vector<1x128xf32>
    %select_n3A_1547 = arith.select %gt3A_1541, %get3A_1544, %broadcast_in_dim3A_1546 : vector<1x128xi1>, vector<1x128xf32>
    %gt3A_1548 = arith.constant 86 : i32
    %gt3A_1549 = vector.broadcast %gt3A_1548 : i32 to vector<1x128xi32>
    %gt3A_1550 = arith.cmpi sgt, %iota3A, %gt3A_1549 : vector<1x128xi32>
    %get3A_1551 = arith.constant 0 : index
    %get3A_1552 = arith.constant 7188 : index
    %get3A_1553 = vector.load %arg2[%get3A_1551, %get3A_1552] : memref<1x8192xf32, #tpu.memory_space<vmem>>, vector<1x128xf32>
    %jit3A_1554 = arith.constant 0.000000e+00 : f32
    %broadcast_in_dim3A_1555 = vector.broadcast %jit3A_1554 : f32 to vector<1x128xf32>
    %select_n3A_1556 = arith.select %gt3A_1550, %get3A_1553, %broadcast_in_dim3A_1555 : vector<1x128xi1>, vector<1x128xf32>
    %gt3A_1557 = arith.constant 87 : i32
    %gt3A_1558 = vector.broadcast %gt3A_1557 : i32 to vector<1x128xi32>
    %gt3A_1559 = arith.cmpi sgt, %iota3A, %gt3A_1558 : vector<1x128xi32>
    %get3A_1560 = arith.constant 0 : index
    %get3A_1561 = arith.constant 7228 : index
    %get3A_1562 = vector.load %arg2[%get3A_1560, %get3A_1561] : memref<1x8192xf32, #tpu.memory_space<vmem>>, vector<1x128xf32>
    %jit3A_1563 = arith.constant 0.000000e+00 : f32
    %broadcast_in_dim3A_1564 = vector.broadcast %jit3A_1563 : f32 to vector<1x128xf32>
    %select_n3A_1565 = arith.select %gt3A_1559, %get3A_1562, %broadcast_in_dim3A_1564 : vector<1x128xi1>, vector<1x128xf32>
    %gt3A_1566 = arith.constant 88 : i32
    %gt3A_1567 = vector.broadcast %gt3A_1566 : i32 to vector<1x128xi32>
    %gt3A_1568 = arith.cmpi sgt, %iota3A, %gt3A_1567 : vector<1x128xi32>
    %get3A_1569 = arith.constant 0 : index
    %get3A_1570 = arith.constant 7267 : index
    %get3A_1571 = vector.load %arg2[%get3A_1569, %get3A_1570] : memref<1x8192xf32, #tpu.memory_space<vmem>>, vector<1x128xf32>
    %jit3A_1572 = arith.constant 0.000000e+00 : f32
    %broadcast_in_dim3A_1573 = vector.broadcast %jit3A_1572 : f32 to vector<1x128xf32>
    %select_n3A_1574 = arith.select %gt3A_1568, %get3A_1571, %broadcast_in_dim3A_1573 : vector<1x128xi1>, vector<1x128xf32>
    %gt3A_1575 = arith.constant 89 : i32
    %gt3A_1576 = vector.broadcast %gt3A_1575 : i32 to vector<1x128xi32>
    %gt3A_1577 = arith.cmpi sgt, %iota3A, %gt3A_1576 : vector<1x128xi32>
    %get3A_1578 = arith.constant 0 : index
    %get3A_1579 = arith.constant 7305 : index
    %get3A_1580 = vector.load %arg2[%get3A_1578, %get3A_1579] : memref<1x8192xf32, #tpu.memory_space<vmem>>, vector<1x128xf32>
    %jit3A_1581 = arith.constant 0.000000e+00 : f32
    %broadcast_in_dim3A_1582 = vector.broadcast %jit3A_1581 : f32 to vector<1x128xf32>
    %select_n3A_1583 = arith.select %gt3A_1577, %get3A_1580, %broadcast_in_dim3A_1582 : vector<1x128xi1>, vector<1x128xf32>
    %gt3A_1584 = arith.constant 90 : i32
    %gt3A_1585 = vector.broadcast %gt3A_1584 : i32 to vector<1x128xi32>
    %gt3A_1586 = arith.cmpi sgt, %iota3A, %gt3A_1585 : vector<1x128xi32>
    %get3A_1587 = arith.constant 0 : index
    %get3A_1588 = arith.constant 7342 : index
    %get3A_1589 = vector.load %arg2[%get3A_1587, %get3A_1588] : memref<1x8192xf32, #tpu.memory_space<vmem>>, vector<1x128xf32>
    %jit3A_1590 = arith.constant 0.000000e+00 : f32
    %broadcast_in_dim3A_1591 = vector.broadcast %jit3A_1590 : f32 to vector<1x128xf32>
    %select_n3A_1592 = arith.select %gt3A_1586, %get3A_1589, %broadcast_in_dim3A_1591 : vector<1x128xi1>, vector<1x128xf32>
    %gt3A_1593 = arith.constant 91 : i32
    %gt3A_1594 = vector.broadcast %gt3A_1593 : i32 to vector<1x128xi32>
    %gt3A_1595 = arith.cmpi sgt, %iota3A, %gt3A_1594 : vector<1x128xi32>
    %get3A_1596 = arith.constant 0 : index
    %get3A_1597 = arith.constant 7378 : index
    %get3A_1598 = vector.load %arg2[%get3A_1596, %get3A_1597] : memref<1x8192xf32, #tpu.memory_space<vmem>>, vector<1x128xf32>
    %jit3A_1599 = arith.constant 0.000000e+00 : f32
    %broadcast_in_dim3A_1600 = vector.broadcast %jit3A_1599 : f32 to vector<1x128xf32>
    %select_n3A_1601 = arith.select %gt3A_1595, %get3A_1598, %broadcast_in_dim3A_1600 : vector<1x128xi1>, vector<1x128xf32>
    %gt3A_1602 = arith.constant 92 : i32
    %gt3A_1603 = vector.broadcast %gt3A_1602 : i32 to vector<1x128xi32>
    %gt3A_1604 = arith.cmpi sgt, %iota3A, %gt3A_1603 : vector<1x128xi32>
    %get3A_1605 = arith.constant 0 : index
    %get3A_1606 = arith.constant 7413 : index
    %get3A_1607 = vector.load %arg2[%get3A_1605, %get3A_1606] : memref<1x8192xf32, #tpu.memory_space<vmem>>, vector<1x128xf32>
    %jit3A_1608 = arith.constant 0.000000e+00 : f32
    %broadcast_in_dim3A_1609 = vector.broadcast %jit3A_1608 : f32 to vector<1x128xf32>
    %select_n3A_1610 = arith.select %gt3A_1604, %get3A_1607, %broadcast_in_dim3A_1609 : vector<1x128xi1>, vector<1x128xf32>
    %gt3A_1611 = arith.constant 93 : i32
    %gt3A_1612 = vector.broadcast %gt3A_1611 : i32 to vector<1x128xi32>
    %gt3A_1613 = arith.cmpi sgt, %iota3A, %gt3A_1612 : vector<1x128xi32>
    %get3A_1614 = arith.constant 0 : index
    %get3A_1615 = arith.constant 7447 : index
    %get3A_1616 = vector.load %arg2[%get3A_1614, %get3A_1615] : memref<1x8192xf32, #tpu.memory_space<vmem>>, vector<1x128xf32>
    %jit3A_1617 = arith.constant 0.000000e+00 : f32
    %broadcast_in_dim3A_1618 = vector.broadcast %jit3A_1617 : f32 to vector<1x128xf32>
    %select_n3A_1619 = arith.select %gt3A_1613, %get3A_1616, %broadcast_in_dim3A_1618 : vector<1x128xi1>, vector<1x128xf32>
    %gt3A_1620 = arith.constant 94 : i32
    %gt3A_1621 = vector.broadcast %gt3A_1620 : i32 to vector<1x128xi32>
    %gt3A_1622 = arith.cmpi sgt, %iota3A, %gt3A_1621 : vector<1x128xi32>
    %get3A_1623 = arith.constant 0 : index
    %get3A_1624 = arith.constant 7480 : index
    %get3A_1625 = vector.load %arg2[%get3A_1623, %get3A_1624] : memref<1x8192xf32, #tpu.memory_space<vmem>>, vector<1x128xf32>
    %jit3A_1626 = arith.constant 0.000000e+00 : f32
    %broadcast_in_dim3A_1627 = vector.broadcast %jit3A_1626 : f32 to vector<1x128xf32>
    %select_n3A_1628 = arith.select %gt3A_1622, %get3A_1625, %broadcast_in_dim3A_1627 : vector<1x128xi1>, vector<1x128xf32>
    %gt3A_1629 = arith.constant 95 : i32
    %gt3A_1630 = vector.broadcast %gt3A_1629 : i32 to vector<1x128xi32>
    %gt3A_1631 = arith.cmpi sgt, %iota3A, %gt3A_1630 : vector<1x128xi32>
    %get3A_1632 = arith.constant 0 : index
    %get3A_1633 = arith.constant 7512 : index
    %get3A_1634 = vector.load %arg2[%get3A_1632, %get3A_1633] : memref<1x8192xf32, #tpu.memory_space<vmem>>, vector<1x128xf32>
    %jit3A_1635 = arith.constant 0.000000e+00 : f32
    %broadcast_in_dim3A_1636 = vector.broadcast %jit3A_1635 : f32 to vector<1x128xf32>
    %select_n3A_1637 = arith.select %gt3A_1631, %get3A_1634, %broadcast_in_dim3A_1636 : vector<1x128xi1>, vector<1x128xf32>
    %gt3A_1638 = arith.constant 96 : i32
    %gt3A_1639 = vector.broadcast %gt3A_1638 : i32 to vector<1x128xi32>
    %gt3A_1640 = arith.cmpi sgt, %iota3A, %gt3A_1639 : vector<1x128xi32>
    %get3A_1641 = arith.constant 0 : index
    %get3A_1642 = arith.constant 7543 : index
    %get3A_1643 = vector.load %arg2[%get3A_1641, %get3A_1642] : memref<1x8192xf32, #tpu.memory_space<vmem>>, vector<1x128xf32>
    %jit3A_1644 = arith.constant 0.000000e+00 : f32
    %broadcast_in_dim3A_1645 = vector.broadcast %jit3A_1644 : f32 to vector<1x128xf32>
    %select_n3A_1646 = arith.select %gt3A_1640, %get3A_1643, %broadcast_in_dim3A_1645 : vector<1x128xi1>, vector<1x128xf32>
    %gt3A_1647 = arith.constant 97 : i32
    %gt3A_1648 = vector.broadcast %gt3A_1647 : i32 to vector<1x128xi32>
    %gt3A_1649 = arith.cmpi sgt, %iota3A, %gt3A_1648 : vector<1x128xi32>
    %get3A_1650 = arith.constant 0 : index
    %get3A_1651 = arith.constant 7573 : index
    %get3A_1652 = vector.load %arg2[%get3A_1650, %get3A_1651] : memref<1x8192xf32, #tpu.memory_space<vmem>>, vector<1x128xf32>
    %jit3A_1653 = arith.constant 0.000000e+00 : f32
    %broadcast_in_dim3A_1654 = vector.broadcast %jit3A_1653 : f32 to vector<1x128xf32>
    %select_n3A_1655 = arith.select %gt3A_1649, %get3A_1652, %broadcast_in_dim3A_1654 : vector<1x128xi1>, vector<1x128xf32>
    %gt3A_1656 = arith.constant 98 : i32
    %gt3A_1657 = vector.broadcast %gt3A_1656 : i32 to vector<1x128xi32>
    %gt3A_1658 = arith.cmpi sgt, %iota3A, %gt3A_1657 : vector<1x128xi32>
    %get3A_1659 = arith.constant 0 : index
    %get3A_1660 = arith.constant 7602 : index
    %get3A_1661 = vector.load %arg2[%get3A_1659, %get3A_1660] : memref<1x8192xf32, #tpu.memory_space<vmem>>, vector<1x128xf32>
    %jit3A_1662 = arith.constant 0.000000e+00 : f32
    %broadcast_in_dim3A_1663 = vector.broadcast %jit3A_1662 : f32 to vector<1x128xf32>
    %select_n3A_1664 = arith.select %gt3A_1658, %get3A_1661, %broadcast_in_dim3A_1663 : vector<1x128xi1>, vector<1x128xf32>
    %gt3A_1665 = arith.constant 99 : i32
    %gt3A_1666 = vector.broadcast %gt3A_1665 : i32 to vector<1x128xi32>
    %gt3A_1667 = arith.cmpi sgt, %iota3A, %gt3A_1666 : vector<1x128xi32>
    %get3A_1668 = arith.constant 0 : index
    %get3A_1669 = arith.constant 7630 : index
    %get3A_1670 = vector.load %arg2[%get3A_1668, %get3A_1669] : memref<1x8192xf32, #tpu.memory_space<vmem>>, vector<1x128xf32>
    %jit3A_1671 = arith.constant 0.000000e+00 : f32
    %broadcast_in_dim3A_1672 = vector.broadcast %jit3A_1671 : f32 to vector<1x128xf32>
    %select_n3A_1673 = arith.select %gt3A_1667, %get3A_1670, %broadcast_in_dim3A_1672 : vector<1x128xi1>, vector<1x128xf32>
    %gt3A_1674 = arith.constant 100 : i32
    %gt3A_1675 = vector.broadcast %gt3A_1674 : i32 to vector<1x128xi32>
    %gt3A_1676 = arith.cmpi sgt, %iota3A, %gt3A_1675 : vector<1x128xi32>
    %get3A_1677 = arith.constant 0 : index
    %get3A_1678 = arith.constant 7657 : index
    %get3A_1679 = vector.load %arg2[%get3A_1677, %get3A_1678] : memref<1x8192xf32, #tpu.memory_space<vmem>>, vector<1x128xf32>
    %jit3A_1680 = arith.constant 0.000000e+00 : f32
    %broadcast_in_dim3A_1681 = vector.broadcast %jit3A_1680 : f32 to vector<1x128xf32>
    %select_n3A_1682 = arith.select %gt3A_1676, %get3A_1679, %broadcast_in_dim3A_1681 : vector<1x128xi1>, vector<1x128xf32>
    %gt3A_1683 = arith.constant 101 : i32
    %gt3A_1684 = vector.broadcast %gt3A_1683 : i32 to vector<1x128xi32>
    %gt3A_1685 = arith.cmpi sgt, %iota3A, %gt3A_1684 : vector<1x128xi32>
    %get3A_1686 = arith.constant 0 : index
    %get3A_1687 = arith.constant 7683 : index
    %get3A_1688 = vector.load %arg2[%get3A_1686, %get3A_1687] : memref<1x8192xf32, #tpu.memory_space<vmem>>, vector<1x128xf32>
    %jit3A_1689 = arith.constant 0.000000e+00 : f32
    %broadcast_in_dim3A_1690 = vector.broadcast %jit3A_1689 : f32 to vector<1x128xf32>
    %select_n3A_1691 = arith.select %gt3A_1685, %get3A_1688, %broadcast_in_dim3A_1690 : vector<1x128xi1>, vector<1x128xf32>
    %gt3A_1692 = arith.constant 102 : i32
    %gt3A_1693 = vector.broadcast %gt3A_1692 : i32 to vector<1x128xi32>
    %gt3A_1694 = arith.cmpi sgt, %iota3A, %gt3A_1693 : vector<1x128xi32>
    %get3A_1695 = arith.constant 0 : index
    %get3A_1696 = arith.constant 7708 : index
    %get3A_1697 = vector.load %arg2[%get3A_1695, %get3A_1696] : memref<1x8192xf32, #tpu.memory_space<vmem>>, vector<1x128xf32>
    %jit3A_1698 = arith.constant 0.000000e+00 : f32
    %broadcast_in_dim3A_1699 = vector.broadcast %jit3A_1698 : f32 to vector<1x128xf32>
    %select_n3A_1700 = arith.select %gt3A_1694, %get3A_1697, %broadcast_in_dim3A_1699 : vector<1x128xi1>, vector<1x128xf32>
    %gt3A_1701 = arith.constant 103 : i32
    %gt3A_1702 = vector.broadcast %gt3A_1701 : i32 to vector<1x128xi32>
    %gt3A_1703 = arith.cmpi sgt, %iota3A, %gt3A_1702 : vector<1x128xi32>
    %get3A_1704 = arith.constant 0 : index
    %get3A_1705 = arith.constant 7732 : index
    %get3A_1706 = vector.load %arg2[%get3A_1704, %get3A_1705] : memref<1x8192xf32, #tpu.memory_space<vmem>>, vector<1x128xf32>
    %jit3A_1707 = arith.constant 0.000000e+00 : f32
    %broadcast_in_dim3A_1708 = vector.broadcast %jit3A_1707 : f32 to vector<1x128xf32>
    %select_n3A_1709 = arith.select %gt3A_1703, %get3A_1706, %broadcast_in_dim3A_1708 : vector<1x128xi1>, vector<1x128xf32>
    %gt3A_1710 = arith.constant 104 : i32
    %gt3A_1711 = vector.broadcast %gt3A_1710 : i32 to vector<1x128xi32>
    %gt3A_1712 = arith.cmpi sgt, %iota3A, %gt3A_1711 : vector<1x128xi32>
    %get3A_1713 = arith.constant 0 : index
    %get3A_1714 = arith.constant 7755 : index
    %get3A_1715 = vector.load %arg2[%get3A_1713, %get3A_1714] : memref<1x8192xf32, #tpu.memory_space<vmem>>, vector<1x128xf32>
    %jit3A_1716 = arith.constant 0.000000e+00 : f32
    %broadcast_in_dim3A_1717 = vector.broadcast %jit3A_1716 : f32 to vector<1x128xf32>
    %select_n3A_1718 = arith.select %gt3A_1712, %get3A_1715, %broadcast_in_dim3A_1717 : vector<1x128xi1>, vector<1x128xf32>
    %gt3A_1719 = arith.constant 105 : i32
    %gt3A_1720 = vector.broadcast %gt3A_1719 : i32 to vector<1x128xi32>
    %gt3A_1721 = arith.cmpi sgt, %iota3A, %gt3A_1720 : vector<1x128xi32>
    %get3A_1722 = arith.constant 0 : index
    %get3A_1723 = arith.constant 7777 : index
    %get3A_1724 = vector.load %arg2[%get3A_1722, %get3A_1723] : memref<1x8192xf32, #tpu.memory_space<vmem>>, vector<1x128xf32>
    %jit3A_1725 = arith.constant 0.000000e+00 : f32
    %broadcast_in_dim3A_1726 = vector.broadcast %jit3A_1725 : f32 to vector<1x128xf32>
    %select_n3A_1727 = arith.select %gt3A_1721, %get3A_1724, %broadcast_in_dim3A_1726 : vector<1x128xi1>, vector<1x128xf32>
    %gt3A_1728 = arith.constant 106 : i32
    %gt3A_1729 = vector.broadcast %gt3A_1728 : i32 to vector<1x128xi32>
    %gt3A_1730 = arith.cmpi sgt, %iota3A, %gt3A_1729 : vector<1x128xi32>
    %get3A_1731 = arith.constant 0 : index
    %get3A_1732 = arith.constant 7798 : index
    %get3A_1733 = vector.load %arg2[%get3A_1731, %get3A_1732] : memref<1x8192xf32, #tpu.memory_space<vmem>>, vector<1x128xf32>
    %jit3A_1734 = arith.constant 0.000000e+00 : f32
    %broadcast_in_dim3A_1735 = vector.broadcast %jit3A_1734 : f32 to vector<1x128xf32>
    %select_n3A_1736 = arith.select %gt3A_1730, %get3A_1733, %broadcast_in_dim3A_1735 : vector<1x128xi1>, vector<1x128xf32>
    %gt3A_1737 = arith.constant 107 : i32
    %gt3A_1738 = vector.broadcast %gt3A_1737 : i32 to vector<1x128xi32>
    %gt3A_1739 = arith.cmpi sgt, %iota3A, %gt3A_1738 : vector<1x128xi32>
    %get3A_1740 = arith.constant 0 : index
    %get3A_1741 = arith.constant 7818 : index
    %get3A_1742 = vector.load %arg2[%get3A_1740, %get3A_1741] : memref<1x8192xf32, #tpu.memory_space<vmem>>, vector<1x128xf32>
    %jit3A_1743 = arith.constant 0.000000e+00 : f32
    %broadcast_in_dim3A_1744 = vector.broadcast %jit3A_1743 : f32 to vector<1x128xf32>
    %select_n3A_1745 = arith.select %gt3A_1739, %get3A_1742, %broadcast_in_dim3A_1744 : vector<1x128xi1>, vector<1x128xf32>
    %gt3A_1746 = arith.constant 108 : i32
    %gt3A_1747 = vector.broadcast %gt3A_1746 : i32 to vector<1x128xi32>
    %gt3A_1748 = arith.cmpi sgt, %iota3A, %gt3A_1747 : vector<1x128xi32>
    %get3A_1749 = arith.constant 0 : index
    %get3A_1750 = arith.constant 7837 : index
    %get3A_1751 = vector.load %arg2[%get3A_1749, %get3A_1750] : memref<1x8192xf32, #tpu.memory_space<vmem>>, vector<1x128xf32>
    %jit3A_1752 = arith.constant 0.000000e+00 : f32
    %broadcast_in_dim3A_1753 = vector.broadcast %jit3A_1752 : f32 to vector<1x128xf32>
    %select_n3A_1754 = arith.select %gt3A_1748, %get3A_1751, %broadcast_in_dim3A_1753 : vector<1x128xi1>, vector<1x128xf32>
    %gt3A_1755 = arith.constant 109 : i32
    %gt3A_1756 = vector.broadcast %gt3A_1755 : i32 to vector<1x128xi32>
    %gt3A_1757 = arith.cmpi sgt, %iota3A, %gt3A_1756 : vector<1x128xi32>
    %get3A_1758 = arith.constant 0 : index
    %get3A_1759 = arith.constant 7855 : index
    %get3A_1760 = vector.load %arg2[%get3A_1758, %get3A_1759] : memref<1x8192xf32, #tpu.memory_space<vmem>>, vector<1x128xf32>
    %jit3A_1761 = arith.constant 0.000000e+00 : f32
    %broadcast_in_dim3A_1762 = vector.broadcast %jit3A_1761 : f32 to vector<1x128xf32>
    %select_n3A_1763 = arith.select %gt3A_1757, %get3A_1760, %broadcast_in_dim3A_1762 : vector<1x128xi1>, vector<1x128xf32>
    %gt3A_1764 = arith.constant 110 : i32
    %gt3A_1765 = vector.broadcast %gt3A_1764 : i32 to vector<1x128xi32>
    %gt3A_1766 = arith.cmpi sgt, %iota3A, %gt3A_1765 : vector<1x128xi32>
    %get3A_1767 = arith.constant 0 : index
    %get3A_1768 = arith.constant 7872 : index
    %get3A_1769 = vector.load %arg2[%get3A_1767, %get3A_1768] : memref<1x8192xf32, #tpu.memory_space<vmem>>, vector<1x128xf32>
    %jit3A_1770 = arith.constant 0.000000e+00 : f32
    %broadcast_in_dim3A_1771 = vector.broadcast %jit3A_1770 : f32 to vector<1x128xf32>
    %select_n3A_1772 = arith.select %gt3A_1766, %get3A_1769, %broadcast_in_dim3A_1771 : vector<1x128xi1>, vector<1x128xf32>
    %gt3A_1773 = arith.constant 111 : i32
    %gt3A_1774 = vector.broadcast %gt3A_1773 : i32 to vector<1x128xi32>
    %gt3A_1775 = arith.cmpi sgt, %iota3A, %gt3A_1774 : vector<1x128xi32>
    %get3A_1776 = arith.constant 0 : index
    %get3A_1777 = arith.constant 7888 : index
    %get3A_1778 = vector.load %arg2[%get3A_1776, %get3A_1777] : memref<1x8192xf32, #tpu.memory_space<vmem>>, vector<1x128xf32>
    %jit3A_1779 = arith.constant 0.000000e+00 : f32
    %broadcast_in_dim3A_1780 = vector.broadcast %jit3A_1779 : f32 to vector<1x128xf32>
    %select_n3A_1781 = arith.select %gt3A_1775, %get3A_1778, %broadcast_in_dim3A_1780 : vector<1x128xi1>, vector<1x128xf32>
    %gt3A_1782 = arith.constant 112 : i32
    %gt3A_1783 = vector.broadcast %gt3A_1782 : i32 to vector<1x128xi32>
    %gt3A_1784 = arith.cmpi sgt, %iota3A, %gt3A_1783 : vector<1x128xi32>
    %get3A_1785 = arith.constant 0 : index
    %get3A_1786 = arith.constant 7903 : index
    %get3A_1787 = vector.load %arg2[%get3A_1785, %get3A_1786] : memref<1x8192xf32, #tpu.memory_space<vmem>>, vector<1x128xf32>
    %jit3A_1788 = arith.constant 0.000000e+00 : f32
    %broadcast_in_dim3A_1789 = vector.broadcast %jit3A_1788 : f32 to vector<1x128xf32>
    %select_n3A_1790 = arith.select %gt3A_1784, %get3A_1787, %broadcast_in_dim3A_1789 : vector<1x128xi1>, vector<1x128xf32>
    %gt3A_1791 = arith.constant 113 : i32
    %gt3A_1792 = vector.broadcast %gt3A_1791 : i32 to vector<1x128xi32>
    %gt3A_1793 = arith.cmpi sgt, %iota3A, %gt3A_1792 : vector<1x128xi32>
    %get3A_1794 = arith.constant 0 : index
    %get3A_1795 = arith.constant 7917 : index
    %get3A_1796 = vector.load %arg2[%get3A_1794, %get3A_1795] : memref<1x8192xf32, #tpu.memory_space<vmem>>, vector<1x128xf32>
    %jit3A_1797 = arith.constant 0.000000e+00 : f32
    %broadcast_in_dim3A_1798 = vector.broadcast %jit3A_1797 : f32 to vector<1x128xf32>
    %select_n3A_1799 = arith.select %gt3A_1793, %get3A_1796, %broadcast_in_dim3A_1798 : vector<1x128xi1>, vector<1x128xf32>
    %gt3A_1800 = arith.constant 114 : i32
    %gt3A_1801 = vector.broadcast %gt3A_1800 : i32 to vector<1x128xi32>
    %gt3A_1802 = arith.cmpi sgt, %iota3A, %gt3A_1801 : vector<1x128xi32>
    %get3A_1803 = arith.constant 0 : index
    %get3A_1804 = arith.constant 7930 : index
    %get3A_1805 = vector.load %arg2[%get3A_1803, %get3A_1804] : memref<1x8192xf32, #tpu.memory_space<vmem>>, vector<1x128xf32>
    %jit3A_1806 = arith.constant 0.000000e+00 : f32
    %broadcast_in_dim3A_1807 = vector.broadcast %jit3A_1806 : f32 to vector<1x128xf32>
    %select_n3A_1808 = arith.select %gt3A_1802, %get3A_1805, %broadcast_in_dim3A_1807 : vector<1x128xi1>, vector<1x128xf32>
    %gt3A_1809 = arith.constant 115 : i32
    %gt3A_1810 = vector.broadcast %gt3A_1809 : i32 to vector<1x128xi32>
    %gt3A_1811 = arith.cmpi sgt, %iota3A, %gt3A_1810 : vector<1x128xi32>
    %get3A_1812 = arith.constant 0 : index
    %get3A_1813 = arith.constant 7942 : index
    %get3A_1814 = vector.load %arg2[%get3A_1812, %get3A_1813] : memref<1x8192xf32, #tpu.memory_space<vmem>>, vector<1x128xf32>
    %jit3A_1815 = arith.constant 0.000000e+00 : f32
    %broadcast_in_dim3A_1816 = vector.broadcast %jit3A_1815 : f32 to vector<1x128xf32>
    %select_n3A_1817 = arith.select %gt3A_1811, %get3A_1814, %broadcast_in_dim3A_1816 : vector<1x128xi1>, vector<1x128xf32>
    %gt3A_1818 = arith.constant 116 : i32
    %gt3A_1819 = vector.broadcast %gt3A_1818 : i32 to vector<1x128xi32>
    %gt3A_1820 = arith.cmpi sgt, %iota3A, %gt3A_1819 : vector<1x128xi32>
    %get3A_1821 = arith.constant 0 : index
    %get3A_1822 = arith.constant 7953 : index
    %get3A_1823 = vector.load %arg2[%get3A_1821, %get3A_1822] : memref<1x8192xf32, #tpu.memory_space<vmem>>, vector<1x128xf32>
    %jit3A_1824 = arith.constant 0.000000e+00 : f32
    %broadcast_in_dim3A_1825 = vector.broadcast %jit3A_1824 : f32 to vector<1x128xf32>
    %select_n3A_1826 = arith.select %gt3A_1820, %get3A_1823, %broadcast_in_dim3A_1825 : vector<1x128xi1>, vector<1x128xf32>
    %gt3A_1827 = arith.constant 117 : i32
    %gt3A_1828 = vector.broadcast %gt3A_1827 : i32 to vector<1x128xi32>
    %gt3A_1829 = arith.cmpi sgt, %iota3A, %gt3A_1828 : vector<1x128xi32>
    %get3A_1830 = arith.constant 0 : index
    %get3A_1831 = arith.constant 7963 : index
    %get3A_1832 = vector.load %arg2[%get3A_1830, %get3A_1831] : memref<1x8192xf32, #tpu.memory_space<vmem>>, vector<1x128xf32>
    %jit3A_1833 = arith.constant 0.000000e+00 : f32
    %broadcast_in_dim3A_1834 = vector.broadcast %jit3A_1833 : f32 to vector<1x128xf32>
    %select_n3A_1835 = arith.select %gt3A_1829, %get3A_1832, %broadcast_in_dim3A_1834 : vector<1x128xi1>, vector<1x128xf32>
    %gt3A_1836 = arith.constant 118 : i32
    %gt3A_1837 = vector.broadcast %gt3A_1836 : i32 to vector<1x128xi32>
    %gt3A_1838 = arith.cmpi sgt, %iota3A, %gt3A_1837 : vector<1x128xi32>
    %get3A_1839 = arith.constant 0 : index
    %get3A_1840 = arith.constant 7972 : index
    %get3A_1841 = vector.load %arg2[%get3A_1839, %get3A_1840] : memref<1x8192xf32, #tpu.memory_space<vmem>>, vector<1x128xf32>
    %jit3A_1842 = arith.constant 0.000000e+00 : f32
    %broadcast_in_dim3A_1843 = vector.broadcast %jit3A_1842 : f32 to vector<1x128xf32>
    %select_n3A_1844 = arith.select %gt3A_1838, %get3A_1841, %broadcast_in_dim3A_1843 : vector<1x128xi1>, vector<1x128xf32>
    %gt3A_1845 = arith.constant 119 : i32
    %gt3A_1846 = vector.broadcast %gt3A_1845 : i32 to vector<1x128xi32>
    %gt3A_1847 = arith.cmpi sgt, %iota3A, %gt3A_1846 : vector<1x128xi32>
    %get3A_1848 = arith.constant 0 : index
    %get3A_1849 = arith.constant 7980 : index
    %get3A_1850 = vector.load %arg2[%get3A_1848, %get3A_1849] : memref<1x8192xf32, #tpu.memory_space<vmem>>, vector<1x128xf32>
    %jit3A_1851 = arith.constant 0.000000e+00 : f32
    %broadcast_in_dim3A_1852 = vector.broadcast %jit3A_1851 : f32 to vector<1x128xf32>
    %select_n3A_1853 = arith.select %gt3A_1847, %get3A_1850, %broadcast_in_dim3A_1852 : vector<1x128xi1>, vector<1x128xf32>
    %gt3A_1854 = arith.constant 120 : i32
    %gt3A_1855 = vector.broadcast %gt3A_1854 : i32 to vector<1x128xi32>
    %gt3A_1856 = arith.cmpi sgt, %iota3A, %gt3A_1855 : vector<1x128xi32>
    %get3A_1857 = arith.constant 0 : index
    %get3A_1858 = arith.constant 7987 : index
    %get3A_1859 = vector.load %arg2[%get3A_1857, %get3A_1858] : memref<1x8192xf32, #tpu.memory_space<vmem>>, vector<1x128xf32>
    %jit3A_1860 = arith.constant 0.000000e+00 : f32
    %broadcast_in_dim3A_1861 = vector.broadcast %jit3A_1860 : f32 to vector<1x128xf32>
    %select_n3A_1862 = arith.select %gt3A_1856, %get3A_1859, %broadcast_in_dim3A_1861 : vector<1x128xi1>, vector<1x128xf32>
    %gt3A_1863 = arith.constant 121 : i32
    %gt3A_1864 = vector.broadcast %gt3A_1863 : i32 to vector<1x128xi32>
    %gt3A_1865 = arith.cmpi sgt, %iota3A, %gt3A_1864 : vector<1x128xi32>
    %get3A_1866 = arith.constant 0 : index
    %get3A_1867 = arith.constant 7993 : index
    %get3A_1868 = vector.load %arg2[%get3A_1866, %get3A_1867] : memref<1x8192xf32, #tpu.memory_space<vmem>>, vector<1x128xf32>
    %jit3A_1869 = arith.constant 0.000000e+00 : f32
    %broadcast_in_dim3A_1870 = vector.broadcast %jit3A_1869 : f32 to vector<1x128xf32>
    %select_n3A_1871 = arith.select %gt3A_1865, %get3A_1868, %broadcast_in_dim3A_1870 : vector<1x128xi1>, vector<1x128xf32>
    %gt3A_1872 = arith.constant 122 : i32
    %gt3A_1873 = vector.broadcast %gt3A_1872 : i32 to vector<1x128xi32>
    %gt3A_1874 = arith.cmpi sgt, %iota3A, %gt3A_1873 : vector<1x128xi32>
    %get3A_1875 = arith.constant 0 : index
    %get3A_1876 = arith.constant 7998 : index
    %get3A_1877 = vector.load %arg2[%get3A_1875, %get3A_1876] : memref<1x8192xf32, #tpu.memory_space<vmem>>, vector<1x128xf32>
    %jit3A_1878 = arith.constant 0.000000e+00 : f32
    %broadcast_in_dim3A_1879 = vector.broadcast %jit3A_1878 : f32 to vector<1x128xf32>
    %select_n3A_1880 = arith.select %gt3A_1874, %get3A_1877, %broadcast_in_dim3A_1879 : vector<1x128xi1>, vector<1x128xf32>
    %gt3A_1881 = arith.constant 123 : i32
    %gt3A_1882 = vector.broadcast %gt3A_1881 : i32 to vector<1x128xi32>
    %gt3A_1883 = arith.cmpi sgt, %iota3A, %gt3A_1882 : vector<1x128xi32>
    %get3A_1884 = arith.constant 0 : index
    %get3A_1885 = arith.constant 8002 : index
    %get3A_1886 = vector.load %arg2[%get3A_1884, %get3A_1885] : memref<1x8192xf32, #tpu.memory_space<vmem>>, vector<1x128xf32>
    %jit3A_1887 = arith.constant 0.000000e+00 : f32
    %broadcast_in_dim3A_1888 = vector.broadcast %jit3A_1887 : f32 to vector<1x128xf32>
    %select_n3A_1889 = arith.select %gt3A_1883, %get3A_1886, %broadcast_in_dim3A_1888 : vector<1x128xi1>, vector<1x128xf32>
    %gt3A_1890 = arith.constant 124 : i32
    %gt3A_1891 = vector.broadcast %gt3A_1890 : i32 to vector<1x128xi32>
    %gt3A_1892 = arith.cmpi sgt, %iota3A, %gt3A_1891 : vector<1x128xi32>
    %get3A_1893 = arith.constant 0 : index
    %get3A_1894 = arith.constant 8005 : index
    %get3A_1895 = vector.load %arg2[%get3A_1893, %get3A_1894] : memref<1x8192xf32, #tpu.memory_space<vmem>>, vector<1x128xf32>
    %jit3A_1896 = arith.constant 0.000000e+00 : f32
    %broadcast_in_dim3A_1897 = vector.broadcast %jit3A_1896 : f32 to vector<1x128xf32>
    %select_n3A_1898 = arith.select %gt3A_1892, %get3A_1895, %broadcast_in_dim3A_1897 : vector<1x128xi1>, vector<1x128xf32>
    %gt3A_1899 = arith.constant 125 : i32
    %gt3A_1900 = vector.broadcast %gt3A_1899 : i32 to vector<1x128xi32>
    %gt3A_1901 = arith.cmpi sgt, %iota3A, %gt3A_1900 : vector<1x128xi32>
    %get3A_1902 = arith.constant 0 : index
    %get3A_1903 = arith.constant 8007 : index
    %get3A_1904 = vector.load %arg2[%get3A_1902, %get3A_1903] : memref<1x8192xf32, #tpu.memory_space<vmem>>, vector<1x128xf32>
    %jit3A_1905 = arith.constant 0.000000e+00 : f32
    %broadcast_in_dim3A_1906 = vector.broadcast %jit3A_1905 : f32 to vector<1x128xf32>
    %select_n3A_1907 = arith.select %gt3A_1901, %get3A_1904, %broadcast_in_dim3A_1906 : vector<1x128xi1>, vector<1x128xf32>
    %gt3A_1908 = arith.constant 126 : i32
    %gt3A_1909 = vector.broadcast %gt3A_1908 : i32 to vector<1x128xi32>
    %gt3A_1910 = arith.cmpi sgt, %iota3A, %gt3A_1909 : vector<1x128xi32>
    %get3A_1911 = arith.constant 0 : index
    %get3A_1912 = arith.constant 8008 : index
    %get3A_1913 = vector.load %arg2[%get3A_1911, %get3A_1912] : memref<1x8192xf32, #tpu.memory_space<vmem>>, vector<1x128xf32>
    %jit3A_1914 = arith.constant 0.000000e+00 : f32
    %broadcast_in_dim3A_1915 = vector.broadcast %jit3A_1914 : f32 to vector<1x128xf32>
    %select_n3A_1916 = arith.select %gt3A_1910, %get3A_1913, %broadcast_in_dim3A_1915 : vector<1x128xi1>, vector<1x128xf32>
    %gt3A_1917 = arith.constant 127 : i32
    %gt3A_1918 = vector.broadcast %gt3A_1917 : i32 to vector<1x128xi32>
    %gt3A_1919 = arith.cmpi sgt, %iota3A, %gt3A_1918 : vector<1x128xi32>
    %get3A_1920 = arith.constant 0 : index
    %get3A_1921 = arith.constant 8008 : index
    %get3A_1922 = vector.load %arg2[%get3A_1920, %get3A_1921] : memref<1x8192xf32, #tpu.memory_space<vmem>>, vector<1x128xf32>
    %jit3A_1923 = arith.constant 0.000000e+00 : f32
    %broadcast_in_dim3A_1924 = vector.broadcast %jit3A_1923 : f32 to vector<1x128xf32>
    %select_n3A_1925 = arith.select %gt3A_1919, %get3A_1922, %broadcast_in_dim3A_1924 : vector<1x128xi1>, vector<1x128xf32>
    %concatenate3A = tpu.concatenate %select_n3A, %select_n3A_791, %select_n3A_800, %select_n3A_809, %select_n3A_818, %select_n3A_827, %select_n3A_836, %select_n3A_845, %select_n3A_854, %select_n3A_863, %select_n3A_872, %select_n3A_881, %select_n3A_890, %select_n3A_899, %select_n3A_908, %select_n3A_917, %select_n3A_926, %select_n3A_935, %select_n3A_944, %select_n3A_953, %select_n3A_962, %select_n3A_971, %select_n3A_980, %select_n3A_989, %select_n3A_998, %select_n3A_1007, %select_n3A_1016, %select_n3A_1025, %select_n3A_1034, %select_n3A_1043, %select_n3A_1052, %select_n3A_1061, %select_n3A_1070, %select_n3A_1079, %select_n3A_1088, %select_n3A_1097, %select_n3A_1106, %select_n3A_1115, %select_n3A_1124, %select_n3A_1133, %select_n3A_1142, %select_n3A_1151, %select_n3A_1160, %select_n3A_1169, %select_n3A_1178, %select_n3A_1187, %select_n3A_1196, %select_n3A_1205, %select_n3A_1214, %select_n3A_1223, %select_n3A_1232, %select_n3A_1241, %select_n3A_1250, %select_n3A_1259, %select_n3A_1268, %select_n3A_1277, %select_n3A_1286, %select_n3A_1295, %select_n3A_1304, %select_n3A_1313, %select_n3A_1322, %select_n3A_1331, %select_n3A_1340, %select_n3A_1349, %select_n3A_1358, %select_n3A_1367, %select_n3A_1376, %select_n3A_1385, %select_n3A_1394, %select_n3A_1403, %select_n3A_1412, %select_n3A_1421, %select_n3A_1430, %select_n3A_1439, %select_n3A_1448, %select_n3A_1457, %select_n3A_1466, %select_n3A_1475, %select_n3A_1484, %select_n3A_1493, %select_n3A_1502, %select_n3A_1511, %select_n3A_1520, %select_n3A_1529, %select_n3A_1538, %select_n3A_1547, %select_n3A_1556, %select_n3A_1565, %select_n3A_1574, %select_n3A_1583, %select_n3A_1592, %select_n3A_1601, %select_n3A_1610, %select_n3A_1619, %select_n3A_1628, %select_n3A_1637, %select_n3A_1646, %select_n3A_1655, %select_n3A_1664, %select_n3A_1673, %select_n3A_1682, %select_n3A_1691, %select_n3A_1700, %select_n3A_1709, %select_n3A_1718, %select_n3A_1727, %select_n3A_1736, %select_n3A_1745, %select_n3A_1754, %select_n3A_1763, %select_n3A_1772, %select_n3A_1781, %select_n3A_1790, %select_n3A_1799, %select_n3A_1808, %select_n3A_1817, %select_n3A_1826, %select_n3A_1835, %select_n3A_1844, %select_n3A_1853, %select_n3A_1862, %select_n3A_1871, %select_n3A_1880, %select_n3A_1889, %select_n3A_1898, %select_n3A_1907, %select_n3A_1916, %select_n3A_1925 in 1 : vector<1x128xf32>, vector<1x128xf32>, vector<1x128xf32>, vector<1x128xf32>, vector<1x128xf32>, vector<1x128xf32>, vector<1x128xf32>, vector<1x128xf32>, vector<1x128xf32>, vector<1x128xf32>, vector<1x128xf32>, vector<1x128xf32>, vector<1x128xf32>, vector<1x128xf32>, vector<1x128xf32>, vector<1x128xf32>, vector<1x128xf32>, vector<1x128xf32>, vector<1x128xf32>, vector<1x128xf32>, vector<1x128xf32>, vector<1x128xf32>, vector<1x128xf32>, vector<1x128xf32>, vector<1x128xf32>, vector<1x128xf32>, vector<1x128xf32>, vector<1x128xf32>, vector<1x128xf32>, vector<1x128xf32>, vector<1x128xf32>, vector<1x128xf32>, vector<1x128xf32>, vector<1x128xf32>, vector<1x128xf32>, vector<1x128xf32>, vector<1x128xf32>, vector<1x128xf32>, vector<1x128xf32>, vector<1x128xf32>, vector<1x128xf32>, vector<1x128xf32>, vector<1x128xf32>, vector<1x128xf32>, vector<1x128xf32>, vector<1x128xf32>, vector<1x128xf32>, vector<1x128xf32>, vector<1x128xf32>, vector<1x128xf32>, vector<1x128xf32>, vector<1x128xf32>, vector<1x128xf32>, vector<1x128xf32>, vector<1x128xf32>, vector<1x128xf32>, vector<1x128xf32>, vector<1x128xf32>, vector<1x128xf32>, vector<1x128xf32>, vector<1x128xf32>, vector<1x128xf32>, vector<1x128xf32>, vector<1x128xf32>, vector<1x128xf32>, vector<1x128xf32>, vector<1x128xf32>, vector<1x128xf32>, vector<1x128xf32>, vector<1x128xf32>, vector<1x128xf32>, vector<1x128xf32>, vector<1x128xf32>, vector<1x128xf32>, vector<1x128xf32>, vector<1x128xf32>, vector<1x128xf32>, vector<1x128xf32>, vector<1x128xf32>, vector<1x128xf32>, vector<1x128xf32>, vector<1x128xf32>, vector<1x128xf32>, vector<1x128xf32>, vector<1x128xf32>, vector<1x128xf32>, vector<1x128xf32>, vector<1x128xf32>, vector<1x128xf32>, vector<1x128xf32>, vector<1x128xf32>, vector<1x128xf32>, vector<1x128xf32>, vector<1x128xf32>, vector<1x128xf32>, vector<1x128xf32>, vector<1x128xf32>, vector<1x128xf32>, vector<1x128xf32>, vector<1x128xf32>, vector<1x128xf32>, vector<1x128xf32>, vector<1x128xf32>, vector<1x128xf32>, vector<1x128xf32>, vector<1x128xf32>, vector<1x128xf32>, vector<1x128xf32>, vector<1x128xf32>, vector<1x128xf32>, vector<1x128xf32>, vector<1x128xf32>, vector<1x128xf32>, vector<1x128xf32>, vector<1x128xf32>, vector<1x128xf32>, vector<1x128xf32>, vector<1x128xf32>, vector<1x128xf32>, vector<1x128xf32>, vector<1x128xf32>, vector<1x128xf32>, vector<1x128xf32>, vector<1x128xf32>, vector<1x128xf32>, vector<1x128xf32>, vector<1x128xf32>, vector<1x128xf32> -> vector<1x16384xf32>
    %get3A_1926 = arith.constant 0 : index
    %get3A_1927 = arith.constant 0 : index
    %get3A_1928 = vector.load %arg0[%get3A_1926, %get3A_1927] : memref<78x16384xf32, #tpu.memory_space<vmem>>, vector<78x16384xf32>
    %mul3A = vector.broadcast %concatenate3A : vector<1x16384xf32> to vector<78x16384xf32>
    %mul3A_1929 = arith.mulf %get3A_1928, %mul3A : vector<78x16384xf32>
    %convert_element_type3A_1930 = arith.truncf %mul3A_1929 : vector<78x16384xf32> to vector<78x16384xbf16>
    %get3A_1931 = arith.constant 0 : index
    %get3A_1932 = arith.constant 0 : index
    %get3A_1933 = vector.load %arg9[%get3A_1931, %get3A_1932] : memref<16384x256xbf16, #tpu.memory_space<vmem>>, vector<16384x256xbf16>
    %dot_general3A = arith.constant dense<0.000000e+00> : vector<78x256xf32>
    %dot_general3A_1934 = tpu.matmul %convert_element_type3A_1930, %get3A_1933, %dot_general3A {dimension_numbers = #tpu.dot_dimension_numbers<[1], [0], [0], [1], [0, 0, 1, 1], [], []>, transpose_lhs_hint = false} : vector<78x16384xbf16>, vector<16384x256xbf16>, vector<78x256xf32> -> vector<78x256xf32>
    %swap3A_1935 = arith.constant 0 : index
    %swap3A_1936 = arith.constant 0 : index
    %swap3A_1937 = vector.load %arg5[%swap3A_1935, %swap3A_1936] : memref<78x256xf32, #tpu.memory_space<vmem>>, vector<78x256xf32>
    tpu.vector_store %arg5[%swap3A_1935, %swap3A_1936], %dot_general3A_1934 {strides = array<i32>} : memref<78x256xf32, #tpu.memory_space<vmem>>, vector<78x256xf32>,
    %get3A_1938 = arith.constant 0 : index
    %get3A_1939 = arith.constant 0 : index
    %get3A_1940 = vector.load %arg3[%get3A_1938, %get3A_1939] : memref<1x8128xf32, #tpu.memory_space<vmem>>, vector<1x8128xf32>
    %convert_element_type3A_1941 = arith.truncf %get3A_1940 : vector<1x8128xf32> to vector<1x8128xbf16>
    %get3A_1942 = arith.constant 0 : index
    %get3A_1943 = arith.constant 0 : index
    %get3A_1944 = vector.load %arg8[%get3A_1942, %get3A_1943] : memref<8384x256xbf16, #tpu.memory_space<vmem>>, vector<8128x256xbf16>
    %dot_general3A_1945 = arith.constant dense<0.000000e+00> : vector<1x256xf32>
    %dot_general3A_1946 = tpu.matmul %convert_element_type3A_1941, %get3A_1944, %dot_general3A_1945 {dimension_numbers = #tpu.dot_dimension_numbers<[1], [0], [0], [1], [0, 0, 1, 1], [], []>, transpose_lhs_hint = false} : vector<1x8128xbf16>, vector<8128x256xbf16>, vector<1x256xf32> -> vector<1x256xf32>
    %get3A_1947 = arith.constant 0 : index
    %get3A_1948 = arith.constant 0 : index
    %get3A_1949 = vector.load %arg4[%get3A_1947, %get3A_1948] : memref<1x256xf32, #tpu.memory_space<vmem>>, vector<1x256xf32>
    %convert_element_type3A_1950 = arith.truncf %get3A_1949 : vector<1x256xf32> to vector<1x256xbf16>
    %get3A_1951 = arith.constant 8128 : index
    %get3A_1952 = arith.constant 0 : index
    %get3A_1953 = vector.load %arg8[%get3A_1951, %get3A_1952] : memref<8384x256xbf16, #tpu.memory_space<vmem>>, vector<256x256xbf16>
    %dot_general3A_1954 = arith.constant dense<0.000000e+00> : vector<1x256xf32>
    %dot_general3A_1955 = tpu.matmul %convert_element_type3A_1950, %get3A_1953, %dot_general3A_1954 {dimension_numbers = #tpu.dot_dimension_numbers<[1], [0], [0], [1], [0, 0, 1, 1], [], []>, transpose_lhs_hint = false} : vector<1x256xbf16>, vector<256x256xbf16>, vector<1x256xf32> -> vector<1x256xf32>
    %add3A = arith.addf %dot_general3A_1946, %dot_general3A_1955 : vector<1x256xf32>
    %swap3A_1956 = arith.constant 0 : index
    %swap3A_1957 = arith.constant 0 : index
    %swap3A_1958 = vector.load %arg6[%swap3A_1956, %swap3A_1957] : memref<1x256xf32, #tpu.memory_space<vmem>>, vector<1x256xf32>
    tpu.vector_store %arg6[%swap3A_1956, %swap3A_1957], %add3A {strides = array<i32>} : memref<1x256xf32, #tpu.memory_space<vmem>>, vector<1x256xf32>,
    %get3A_1959 = arith.constant 8128 : index
    %get3A_1960 = arith.constant 0 : index
    %get3A_1961 = vector.load %arg8[%get3A_1959, %get3A_1960] : memref<8384x256xbf16, #tpu.memory_space<vmem>>, vector<256x256xbf16>
    %swap3A_1962 = arith.constant 0 : index
    %swap3A_1963 = arith.constant 0 : index
    %swap3A_1964 = vector.load %arg7[%swap3A_1962, %swap3A_1963] : memref<256x256xbf16, #tpu.memory_space<vmem>>, vector<256x256xbf16>
    tpu.vector_store %arg7[%swap3A_1962, %swap3A_1963], %get3A_1961 {strides = array<i32>} : memref<256x256xbf16, #tpu.memory_space<vmem>>, vector<256x256xbf16>,
    return
  }
}

module attributes {stable_mosaic.version = 14 : i64} {
  func.func @_conv_pool_body(%arg0: memref<9984x128xf32, #tpu.memory_space<vmem>>, %arg1: memref<32x9984xf32, #tpu.memory_space<vmem>>, %arg2: memref<128x128xbf16, #tpu.memory_space<vmem>>, %arg3: memref<1x128xf32, #tpu.memory_space<vmem>>, %arg4: memref<128x128xbf16, #tpu.memory_space<vmem>>, %arg5: memref<1x128xf32, #tpu.memory_space<vmem>>, %arg6: memref<78x256xf32, #tpu.memory_space<vmem>>) attributes {dimension_semantics = [], scalar_prefetch = 0 : i64, scratch_operands = 0 : i64, tpu.core_type = #tpu.core_type<tc>} {
    %get3A = arith.constant 0 : index
    %get3A_0 = arith.constant 0 : index
    %get3A_1 = vector.load %arg1[%get3A, %get3A_0] : memref<32x9984xf32, #tpu.memory_space<vmem>>, vector<32x9984xf32>
    %transpose3A = tpu.transpose %get3A_1, [1, 0] : vector<32x9984xf32> -> vector<9984x32xf32>
    %reduce_sum3A = arith.constant dense<0.000000e+00> : vector<9984xf32>
    %reduce_sum3A_2 = vector.multi_reduction <add>, %transpose3A, %reduce_sum3A [1] : vector<9984x32xf32> to vector<9984xf32>
    %broadcast_in_dim3A = vector.shape_cast %reduce_sum3A_2 : vector<9984xf32> to vector<9984x1xf32>
    %add3A = arith.constant 1.000000e+00 : f32
    %add3A_3 = vector.broadcast %add3A : f32 to vector<9984x1xf32>
    %add3A_4 = arith.addf %broadcast_in_dim3A, %add3A_3 : vector<9984x1xf32>
    %get3A_5 = arith.constant 0 : index
    %get3A_6 = arith.constant 0 : index
    %get3A_7 = vector.load %arg0[%get3A_5, %get3A_6] : memref<9984x128xf32, #tpu.memory_space<vmem>>, vector<9984x128xf32>
    %convert_element_type3A = arith.truncf %get3A_7 : vector<9984x128xf32> to vector<9984x128xbf16>
    %get3A_8 = arith.constant 0 : index
    %get3A_9 = arith.constant 0 : index
    %get3A_10 = vector.load %arg2[%get3A_8, %get3A_9] : memref<128x128xbf16, #tpu.memory_space<vmem>>, vector<128x128xbf16>
    %dot_general3A = arith.constant dense<0.000000e+00> : vector<9984x128xf32>
    %dot_general3A_11 = tpu.matmul %convert_element_type3A, %get3A_10, %dot_general3A {dimension_numbers = #tpu.dot_dimension_numbers<[1], [0], [0], [1], [0, 0, 1, 1], [], []>, transpose_lhs_hint = false} : vector<9984x128xbf16>, vector<128x128xbf16>, vector<9984x128xf32> -> vector<9984x128xf32>
    %get3A_12 = arith.constant 0 : index
    %get3A_13 = arith.constant 0 : index
    %get3A_14 = vector.load %arg3[%get3A_12, %get3A_13] : memref<1x128xf32, #tpu.memory_space<vmem>>, vector<1x128xf32>
    %add3A_15 = vector.broadcast %get3A_14 : vector<1x128xf32> to vector<9984x128xf32>
    %add3A_16 = arith.addf %dot_general3A_11, %add3A_15 : vector<9984x128xf32>
    %mul3A = vector.broadcast %add3A_4 : vector<9984x1xf32> to vector<9984x128xf32>
    %mul3A_17 = arith.mulf %mul3A, %add3A_16 : vector<9984x128xf32>
    %convert_element_type3A_18 = arith.truncf %mul3A_17 : vector<9984x128xf32> to vector<9984x128xbf16>
    %get3A_19 = arith.constant 0 : index
    %get3A_20 = arith.constant 0 : index
    %get3A_21 = vector.load %arg4[%get3A_19, %get3A_20] : memref<128x128xbf16, #tpu.memory_space<vmem>>, vector<128x128xbf16>
    %dot_general3A_22 = arith.constant dense<0.000000e+00> : vector<9984x128xf32>
    %dot_general3A_23 = tpu.matmul %convert_element_type3A_18, %get3A_21, %dot_general3A_22 {dimension_numbers = #tpu.dot_dimension_numbers<[1], [0], [0], [1], [0, 0, 1, 1], [], []>, transpose_lhs_hint = false} : vector<9984x128xbf16>, vector<128x128xbf16>, vector<9984x128xf32> -> vector<9984x128xf32>
    %get3A_24 = arith.constant 0 : index
    %get3A_25 = arith.constant 0 : index
    %get3A_26 = vector.load %arg5[%get3A_24, %get3A_25] : memref<1x128xf32, #tpu.memory_space<vmem>>, vector<1x128xf32>
    %add3A_27 = vector.broadcast %get3A_26 : vector<1x128xf32> to vector<9984x128xf32>
    %add3A_28 = arith.addf %dot_general3A_23, %add3A_27 : vector<9984x128xf32>
    %mul3A_29 = vector.broadcast %add3A_4 : vector<9984x1xf32> to vector<9984x128xf32>
    %mul3A_30 = arith.mulf %mul3A_29, %add3A_28 : vector<9984x128xf32>
    %reshape3A = vector.shape_cast %mul3A_17 : vector<9984x128xf32> to vector<78x128x128xf32>
    %reduce_sum3A_31 = arith.constant dense<0.000000e+00> : vector<78x128xf32>
    %reduce_sum3A_32 = vector.multi_reduction <add>, %reshape3A, %reduce_sum3A_31 [1] : vector<78x128x128xf32> to vector<78x128xf32>
    %mul3A_33 = arith.constant 7.812500e-03 : f32
    %mul3A_34 = vector.broadcast %mul3A_33 : f32 to vector<78x128xf32>
    %mul3A_35 = arith.mulf %reduce_sum3A_32, %mul3A_34 : vector<78x128xf32>
    %reshape3A_36 = vector.shape_cast %mul3A_30 : vector<9984x128xf32> to vector<78x128x128xf32>
    %reduce_sum3A_37 = arith.constant dense<0.000000e+00> : vector<78x128xf32>
    %reduce_sum3A_38 = vector.multi_reduction <add>, %reshape3A_36, %reduce_sum3A_37 [1] : vector<78x128x128xf32> to vector<78x128xf32>
    %mul3A_39 = arith.constant 7.812500e-03 : f32
    %mul3A_40 = vector.broadcast %mul3A_39 : f32 to vector<78x128xf32>
    %mul3A_41 = arith.mulf %reduce_sum3A_38, %mul3A_40 : vector<78x128xf32>
    %concatenate3A = tpu.concatenate %mul3A_35, %mul3A_41 in 1 : vector<78x128xf32>, vector<78x128xf32> -> vector<78x256xf32>
    %swap3A = arith.constant 0 : index
    %swap3A_42 = arith.constant 0 : index
    %swap3A_43 = vector.load %arg6[%swap3A, %swap3A_42] : memref<78x256xf32, #tpu.memory_space<vmem>>, vector<78x256xf32>
    tpu.vector_store %arg6[%swap3A, %swap3A_42], %concatenate3A {strides = array<i32>} : memref<78x256xf32, #tpu.memory_space<vmem>>, vector<78x256xf32>,
    return
  }
}

module attributes {stable_mosaic.version = 14 : i64} {
  func.func @_mlp_tail_body(%arg0: memref<78x256xf32, #tpu.memory_space<vmem>>, %arg1: memref<1x256xf32, #tpu.memory_space<vmem>>, %arg2: memref<78x256xf32, #tpu.memory_space<vmem>>, %arg3: memref<1x256xf32, #tpu.memory_space<vmem>>, %arg4: memref<256x256xbf16, #tpu.memory_space<vmem>>, %arg5: memref<1x256xf32, #tpu.memory_space<vmem>>, %arg6: memref<1x256xf32, #tpu.memory_space<vmem>>, %arg7: memref<1x256xf32, #tpu.memory_space<vmem>>, %arg8: memref<256x128xbf16, #tpu.memory_space<vmem>>, %arg9: memref<1x128xf32, #tpu.memory_space<vmem>>, %arg10: memref<128x128xbf16, #tpu.memory_space<vmem>>, %arg11: memref<1x128xf32, #tpu.memory_space<vmem>>, %arg12: memref<2x128xf32, #tpu.memory_space<vmem>>, %arg13: memref<2x1xf32, #tpu.memory_space<vmem>>, %arg14: memref<2x78xf32, #tpu.memory_space<vmem>>) attributes {dimension_semantics = [], scalar_prefetch = 0 : i64, scratch_operands = 0 : i64, tpu.core_type = #tpu.core_type<tc>} {
    %get3A = arith.constant 0 : index
    %get3A_0 = arith.constant 0 : index
    %get3A_1 = vector.load %arg2[%get3A, %get3A_0] : memref<78x256xf32, #tpu.memory_space<vmem>>, vector<78x256xf32>
    %get3A_2 = arith.constant 0 : index
    %get3A_3 = arith.constant 0 : index
    %get3A_4 = vector.load %arg3[%get3A_2, %get3A_3] : memref<1x256xf32, #tpu.memory_space<vmem>>, vector<1x256xf32>
    %mul3A = vector.broadcast %get3A_4 : vector<1x256xf32> to vector<78x256xf32>
    %mul3A_5 = arith.mulf %get3A_1, %mul3A : vector<78x256xf32>
    %convert_element_type3A = arith.truncf %mul3A_5 : vector<78x256xf32> to vector<78x256xbf16>
    %get3A_6 = arith.constant 0 : index
    %get3A_7 = arith.constant 0 : index
    %get3A_8 = vector.load %arg4[%get3A_6, %get3A_7] : memref<256x256xbf16, #tpu.memory_space<vmem>>, vector<256x256xbf16>
    %dot_general3A = arith.constant dense<0.000000e+00> : vector<78x256xf32>
    %dot_general3A_9 = tpu.matmul %convert_element_type3A, %get3A_8, %dot_general3A {dimension_numbers = #tpu.dot_dimension_numbers<[1], [0], [0], [1], [0, 0, 1, 1], [], []>, transpose_lhs_hint = false} : vector<78x256xbf16>, vector<256x256xbf16>, vector<78x256xf32> -> vector<78x256xf32>
    %get3A_10 = arith.constant 0 : index
    %get3A_11 = arith.constant 0 : index
    %get3A_12 = vector.load %arg5[%get3A_10, %get3A_11] : memref<1x256xf32, #tpu.memory_space<vmem>>, vector<1x256xf32>
    %get3A_13 = arith.constant 0 : index
    %get3A_14 = arith.constant 0 : index
    %get3A_15 = vector.load %arg6[%get3A_13, %get3A_14] : memref<1x256xf32, #tpu.memory_space<vmem>>, vector<1x256xf32>
    %get3A_16 = arith.constant 0 : index
    %get3A_17 = arith.constant 0 : index
    %get3A_18 = vector.load %arg1[%get3A_16, %get3A_17] : memref<1x256xf32, #tpu.memory_space<vmem>>, vector<1x256xf32>
    %add3A = arith.addf %get3A_15, %get3A_18 : vector<1x256xf32>
    %mul3A_19 = arith.mulf %get3A_12, %add3A : vector<1x256xf32>
    %get3A_20 = arith.constant 0 : index
    %get3A_21 = arith.constant 0 : index
    %get3A_22 = vector.load %arg7[%get3A_20, %get3A_21] : memref<1x256xf32, #tpu.memory_space<vmem>>, vector<1x256xf32>
    %add3A_23 = arith.addf %mul3A_19, %get3A_22 : vector<1x256xf32>
    %get3A_24 = arith.constant 0 : index
    %get3A_25 = arith.constant 0 : index
    %get3A_26 = vector.load %arg0[%get3A_24, %get3A_25] : memref<78x256xf32, #tpu.memory_space<vmem>>, vector<78x256xf32>
    %add3A_27 = arith.addf %get3A_26, %dot_general3A_9 : vector<78x256xf32>
    %get3A_28 = arith.constant 0 : index
    %get3A_29 = arith.constant 0 : index
    %get3A_30 = vector.load %arg5[%get3A_28, %get3A_29] : memref<1x256xf32, #tpu.memory_space<vmem>>, vector<1x256xf32>
    %mul3A_31 = vector.broadcast %get3A_30 : vector<1x256xf32> to vector<78x256xf32>
    %mul3A_32 = arith.mulf %add3A_27, %mul3A_31 : vector<78x256xf32>
    %add3A_33 = vector.broadcast %add3A_23 : vector<1x256xf32> to vector<78x256xf32>
    %add3A_34 = arith.addf %mul3A_32, %add3A_33 : vector<78x256xf32>
    %max3A = arith.constant 0.000000e+00 : f32
    %max3A_35 = vector.broadcast %max3A : f32 to vector<78x256xf32>
    %max3A_36 = arith.maximumf %add3A_34, %max3A_35 : vector<78x256xf32>
    %convert_element_type3A_37 = arith.truncf %max3A_36 : vector<78x256xf32> to vector<78x256xbf16>
    %get3A_38 = arith.constant 0 : index
    %get3A_39 = arith.constant 0 : index
    %get3A_40 = vector.load %arg8[%get3A_38, %get3A_39] : memref<256x128xbf16, #tpu.memory_space<vmem>>, vector<256x128xbf16>
    %dot_general3A_41 = arith.constant dense<0.000000e+00> : vector<78x128xf32>
    %dot_general3A_42 = tpu.matmul %convert_element_type3A_37, %get3A_40, %dot_general3A_41 {dimension_numbers = #tpu.dot_dimension_numbers<[1], [0], [0], [1], [0, 0, 1, 1], [], []>, transpose_lhs_hint = false} : vector<78x256xbf16>, vector<256x128xbf16>, vector<78x128xf32> -> vector<78x128xf32>
    %get3A_43 = arith.constant 0 : index
    %get3A_44 = arith.constant 0 : index
    %get3A_45 = vector.load %arg9[%get3A_43, %get3A_44] : memref<1x128xf32, #tpu.memory_space<vmem>>, vector<1x128xf32>
    %add3A_46 = vector.broadcast %get3A_45 : vector<1x128xf32> to vector<78x128xf32>
    %add3A_47 = arith.addf %dot_general3A_42, %add3A_46 : vector<78x128xf32>
    %max3A_48 = arith.constant 0.000000e+00 : f32
    %max3A_49 = vector.broadcast %max3A_48 : f32 to vector<78x128xf32>
    %max3A_50 = arith.maximumf %add3A_47, %max3A_49 : vector<78x128xf32>
    %convert_element_type3A_51 = arith.truncf %max3A_50 : vector<78x128xf32> to vector<78x128xbf16>
    %get3A_52 = arith.constant 0 : index
    %get3A_53 = arith.constant 0 : index
    %get3A_54 = vector.load %arg10[%get3A_52, %get3A_53] : memref<128x128xbf16, #tpu.memory_space<vmem>>, vector<128x128xbf16>
    %dot_general3A_55 = arith.constant dense<0.000000e+00> : vector<78x128xf32>
    %dot_general3A_56 = tpu.matmul %convert_element_type3A_51, %get3A_54, %dot_general3A_55 {dimension_numbers = #tpu.dot_dimension_numbers<[1], [0], [0], [1], [0, 0, 1, 1], [], []>, transpose_lhs_hint = false} : vector<78x128xbf16>, vector<128x128xbf16>, vector<78x128xf32> -> vector<78x128xf32>
    %get3A_57 = arith.constant 0 : index
    %get3A_58 = arith.constant 0 : index
    %get3A_59 = vector.load %arg11[%get3A_57, %get3A_58] : memref<1x128xf32, #tpu.memory_space<vmem>>, vector<1x128xf32>
    %add3A_60 = vector.broadcast %get3A_59 : vector<1x128xf32> to vector<78x128xf32>
    %add3A_61 = arith.addf %dot_general3A_56, %add3A_60 : vector<78x128xf32>
    %max3A_62 = arith.constant 0.000000e+00 : f32
    %max3A_63 = vector.broadcast %max3A_62 : f32 to vector<78x128xf32>
    %max3A_64 = arith.maximumf %add3A_61, %max3A_63 : vector<78x128xf32>
    %convert_element_type3A_65 = arith.truncf %max3A_64 : vector<78x128xf32> to vector<78x128xbf16>
    %get3A_66 = arith.constant 0 : index
    %get3A_67 = arith.constant 0 : index
    %get3A_68 = vector.load %arg12[%get3A_66, %get3A_67] : memref<2x128xf32, #tpu.memory_space<vmem>>, vector<2x128xf32>
    %convert_element_type3A_69 = arith.truncf %get3A_68 : vector<2x128xf32> to vector<2x128xbf16>
    %dot_general3A_70 = arith.constant dense<0.000000e+00> : vector<2x78xf32>
    %dot_general3A_71 = tpu.matmul %convert_element_type3A_69, %convert_element_type3A_65, %dot_general3A_70 {dimension_numbers = #tpu.dot_dimension_numbers<[1], [1], [0], [0], [0, 0, 1, 0], [], []>, transpose_lhs_hint = false} : vector<2x128xbf16>, vector<78x128xbf16>, vector<2x78xf32> -> vector<2x78xf32>
    %get3A_72 = arith.constant 0 : index
    %get3A_73 = arith.constant 0 : index
    %get3A_74 = vector.load %arg13[%get3A_72, %get3A_73] : memref<2x1xf32, #tpu.memory_space<vmem>>, vector<2x1xf32>
    %add3A_75 = vector.broadcast %get3A_74 : vector<2x1xf32> to vector<2x78xf32>
    %add3A_76 = arith.addf %dot_general3A_71, %add3A_75 : vector<2x78xf32>
    %swap3A = arith.constant 0 : index
    %swap3A_77 = arith.constant 0 : index
    %swap3A_78 = vector.load %arg14[%swap3A, %swap3A_77] : memref<2x78xf32, #tpu.memory_space<vmem>>, vector<2x78xf32>
    tpu.vector_store %arg14[%swap3A, %swap3A_77], %add3A_76 {strides = array<i32>} : memref<2x78xf32, #tpu.memory_space<vmem>>, vector<2x78xf32>,
    return
  }
}

</mosaic_0001>

<sc_bundles>
// kernel: kernel.6.cloned.1.call-start
scs
__scs_entry_jumppad:
0x0: {  	(pc) =	sbr.rel $0x88, $3  }
0x1: {  	(tag) =	ssettag $0x0;
	lr =	simm.s32 $0x1  }
0x2: {  	[smem:$0x3F89] =	sst lr;
	_ =	strace $0xD0000000  }
0x3: {  	_ = 	snop  }
0x4: {  	_ = 	snop  }
0x5: {  	_ = 	snop  }
0x6: {  	_ = 	snop  }
0x7: {  	_ = 	snop  }
__scs_overlays_trampoline_lowered:
0x8: {  	[smem:$0x3F98] =	sst s0  }
0x9: {  	[smem:$0x3F99] =	sst s1  }
0xa: {  	[smem:$0x3F9A] =	sst s2  }
0xb: {  	[smem:$0x3F9B] =	sst s3  }
0xc: {  	[smem:$0x3F9C] =	sst s4  }
0xd: {  	[smem:$0x3F9D] =	sst s5  }
0xe: {  	[smem:$0x3F9E] =	sst s6  }
0xf: {  	[smem:$0x3F9F] =	sst s7  }
0x10: {  	[smem:$0x3FA0] =	sst s8  }
0x11: {  	[smem:$0x3FA1] =	sst s9;
	s0 =	simm.s32 @!p0 $0x0  }
0x12: {  	s1 =	sld [smem:$0x3F87];
	s0 =	simm.s32 @p0 $0x1  }
0x13: {  	[smem:$0x3FA2] =	sst s0;
	s0 =	simm.s32 @!p1 $0x0  }
0x14: {  	s2 =	sld [smem:$0x3F86];
	s0 =	simm.s32 @p1 $0x1  }
0x15: {  	[smem:$0x3FA3] =	sst s0;
	s0 =	simm.s32 @!p2 $0x0  }
0x16: {  	s3 =	sld [smem:$0x3FDB];
	s0 =	simm.s32 @p2 $0x1  }
0x17: {  	s4 =	simm.s32 $0x1BF5;
	[smem:$0x3FA5] =	sst s0  }
0x18: {  	s0 =	sld [smem:$0x3F88];
	_ =	swait.ge [sflag:s4], $0x0  }
0x19: {  	s7 =	sld [smem:$0x3F89]  }
0x1a: {  	s8 =	sadd.s32 $0xFFFFE003, lr  }
0x1b: {  	s9 =	sadd.s32 $0xFFFFFEF7, lr;
	s5 =	simm.s32 $0xFFFFFFFF;
	p2 =	slt.u32 s8, $0xFFFFF086  }
0x1c: {  	p1 =	slt.u32 s9, $0xF7A;
	s5 =	simm.s32 @!p2 $0x0  }
0x1d: {  	s5 =	simm.s32 @p1 $0x1;
	p0 =	seq.s32 s7, s2  }
0x1e: {  	s7 =	smul.u32 @!p0 $0xF7A, s2;
	p2 =	seq.s32 @!p0 s5, $0x0  }
0x1f: {  	s9 =	smul.u32 $0xF7A, s1;
	s8 =	simm.s32 @!p0 $0x1BF5;
	p2 =	por !p2, p0  }
0x20: {  	[sflag:s8] =	ssyncset.s32 @!p0 $0xFFFFF086;
	s6 =	sadd.s32 @!p0 s3, s7;
	s7 =	simm.s32 @!p0 $0x108  }
0x21: {  	s3 =	sadd.s32 s3, s9;
	s6 =	sadd.s32 @!p0 $0x88, s6;
	s7 =	simm.s32 @p2 $0x1082  }
0x22: {  	[simem:s7], [sflag:s8] =	dma.local @!p0 [hbm:s6], $0xF7A  }
0x23: {  	s9 =	sor.u32 $0xD0000000, s2;
	s6 =	simm.s32 $0x108;
	_ =	swait.ge @!p0 [sflag:s8], $0x0  }
0x24: {  	s3 =	sadd.s32 $0x88, s3;
	s6 =	simm.s32 @!p1 $0x1082;
	[sflag:s4] =	ssyncset.s32 $0xFFFFF086  }
0x25: {  	[simem:s6], [sflag:s4] =	dma.local [hbm:s3], $0xF7A  }
0x26: {  	[smem:$0x3F89] =	sst s1;
	(tag) =	ssettag s2;
	_ =	strace s9  }
0x27: {  	s1 =	sld [smem:$0x3F99]  }
0x28: {  	s2 =	sld [smem:$0x3F9A]  }
0x29: {  	s4 =	sld [smem:$0x3F9C]  }
0x2a: {  	p0 =	seq.s32 s5, $0x0;
	s5 =	sld [smem:$0x3F9D]  }
0x2b: {  	s6 =	sld [smem:$0x3F9E]  }
0x2c: {  	s7 =	sld [smem:$0x3F9F]  }
0x2d: {  	s3 =	simm.s32 $0x108;
	s8 =	sld [smem:$0x3FA0]  }
0x2e: {  	s3 =	simm.s32 @!p0 $0x1082;
	s9 =	sld [smem:$0x3FA1]  }
0x2f: {  	lr =	sadd.s32 s0, s3;
	s0 =	sld [smem:$0x3F98]  }
0x30: {  	s3 =	sld [smem:$0x3F9B]  }
0x31: {  	[smem:$0x3FA4] =	sst s10  }
0x32: {  	s10 =	sld [smem:$0x3FA2];
	_ =	sdelay $0x3  }
0x33: {  	p0 =	seq.s32 s10, $0x1;
	s10 =	sld [smem:$0x3FA4];
	_ =	sdelay $0x3  }
0x34: {  	[smem:$0x3FA4] =	sst s10  }
0x35: {  	s10 =	sld [smem:$0x3FA3];
	_ =	sdelay $0x3  }
0x36: {  	p1 =	seq.s32 s10, $0x1;
	s10 =	sld [smem:$0x3FA4];
	_ =	sdelay $0x3  }
0x37: {  	[smem:$0x3FA4] =	sst s10  }
0x38: {  	s10 =	sld [smem:$0x3FA5]  }
0x39: {  	_ = 	snop;
	(pc) =	sbr.ind lr, $3  }
0x3a: {  	_ = 	snop  }
0x3b: {  	_ = 	snop  }
0x3c: {  	p2 =	seq.s32 s10, $0x1;
	s10 =	sld [smem:$0x3FA4]  }
0x3d: {  	_ =	shalt  }
0x3e: {  	_ =	shalt  }
0x3f: {  	_ =	shalt  }
0x40: {  	_ =	shalt  }
0x41: {  	_ =	shalt  }
0x42: {  	_ =	shalt  }
0x43: {  	_ =	shalt  }
0x44: {  	_ =	shalt  }
0x45: {  	_ =	shalt  }
0x46: {  	_ =	shalt  }
0x47: {  	_ =	shalt  }
0x48: {  	_ =	shalt  }
0x49: {  	_ =	shalt  }
0x4a: {  	_ =	shalt  }
0x4b: {  	_ =	shalt  }
0x4c: {  	_ =	shalt  }
0x4d: {  	_ =	shalt  }
0x4e: {  	_ =	shalt  }
0x4f: {  	_ =	shalt  }
0x50: {  	_ =	shalt  }
0x51: {  	_ =	shalt  }
0x52: {  	_ =	shalt  }
0x53: {  	_ =	shalt  }
0x54: {  	_ =	shalt  }
0x55: {  	_ =	shalt  }
0x56: {  	_ =	shalt  }
0x57: {  	_ =	shalt  }
0x58: {  	_ =	shalt  }
0x59: {  	_ =	shalt  }
0x5a: {  	_ =	shalt  }
0x5b: {  	_ =	shalt  }
0x5c: {  	_ =	shalt  }
0x5d: {  	_ =	shalt  }
0x5e: {  	_ =	shalt  }
0x5f: {  	_ =	shalt  }
0x60: {  	_ =	shalt  }
0x61: {  	_ =	shalt  }
0x62: {  	_ =	shalt  }
0x63: {  	_ =	shalt  }
0x64: {  	_ =	shalt  }
0x65: {  	_ =	shalt  }
0x66: {  	_ =	shalt  }
0x67: {  	_ =	shalt  }
0x68: {  	_ =	shalt  }
0x69: {  	_ =	shalt  }
0x6a: {  	_ =	shalt  }
0x6b: {  	_ =	shalt  }
0x6c: {  	_ =	shalt  }
0x6d: {  	_ =	shalt  }
0x6e: {  	_ =	shalt  }
0x6f: {  	_ =	shalt  }
0x70: {  	_ =	shalt  }
0x71: {  	_ =	shalt  }
0x72: {  	_ =	shalt  }
0x73: {  	_ =	shalt  }
0x74: {  	_ =	shalt  }
0x75: {  	_ =	shalt  }
0x76: {  	_ =	shalt  }
0x77: {  	_ =	shalt  }
0x78: {  	_ =	shalt  }
0x79: {  	_ =	shalt  }
0x7a: {  	_ =	shalt  }
0x7b: {  	_ =	shalt  }
0x7c: {  	_ =	shalt  }
0x7d: {  	_ =	shalt  }
0x7e: {  	_ =	shalt  }
0x7f: {  	_ =	shalt  }
0x80: {  	_ =	shalt  }
0x81: {  	_ =	shalt  }
0x82: {  	_ =	shalt  }
0x83: {  	_ =	shalt  }
0x84: {  	_ =	shalt  }
0x85: {  	_ =	shalt  }
0x86: {  	_ =	shalt  }
0x87: {  	_ =	shalt  }
.Lfunc_end0:
.L_simem_size_0:
called_computation_lowered:
.L_overlay_start_0:
0x88: {  	s2 =	sld [smem:$0x3FD9]  }
0x89: {  	s3 =	sld [smem:$0x3FFE];
	_ =	sdelay $0x1  }
0x8a: {  	s1 =	srdreg.scid  }
0x8b: {  	s0 =	sand.u32 $0x1, s1  }
0x8c: {  	s17 =	sshll.u32 s0, $0xA;
	s2 =	sadd.s32 s3, s2  }
0x8d: {  	s2 =	sadd.s32 s2, s17  }
0x8e: {  	[smem:$0x3FB0] =	sst s2  }
0x8f: {  	_ = 	snop  }
0x90: {  	s2 =	sld [smem:$0x3FC8];
	(tm) =	ssettm $0x1  }
0x91: {  	s18 =	sld [smem:$0x3FFB];
	_ =	sdelay $0x3  }
0x92: {  	_ =	strace s18  }
0x93: {  	s3 =	sld [smem:$0x3FFC];
	_ =	sdelay $0x3  }
0x94: {  	_ =	strace s3  }
0x95: {  	s3 =	sld [smem:$0x3FFD];
	_ =	sdelay $0x3  }
0x96: {  	_ =	strace s3  }
0x97: {  	_ =	strace $0x8FFFFFFF  }
0x98: {  	s19 =	sld [smem:$0x3FDB];
	_ =	sdelay $0x1  }
0x99: {  	s4 =	simm.s32 $_scs_section_size  }
0x9a: {  	s5 =	simm.s32 $_size__tile_overlayer_lowered;
	s6 =	simm.s32 $_tile_overlayer_lowered  }
0x9b: {  	s22 =	simm.s32 $0x1BFF;
	s21 =	sshll.u32 s6, $0x1;
	s3 =	sadd.s32 s4, s19  }
0x9c: {  	s7 =	simm.s32 $0x0;
	s20 =	sshll.u32 s5, $0x1;
	s5 =	sadd.s32 s21, s3  }
0x9d: {  	[timem:s7], [sflag:s22] =	dma.local [hbm:s5], s20  }
0x9e: {  	_ =	swait.ge [sflag:s22], s20  }
0x9f: {  	s4 =	ssub.s32 $0x0, s20;
	[sflag:s22] =	ssyncset.done $0x0  }
0xa0: {  	[sflag:s22] =	ssyncadd.s32 s4;
	_ =	sdelay $0x1  }
0xa1: {  	s23 =	simm.s32 $0x1B8B  }
0xa2: {  	_ =	swait.ge [sflag:s23], $0x1  }
0xa3: {  	[sflag:s23] =	ssyncset.done $0x0  }
0xa4: {  	s25 =	simm.s32 $0x1B8E;
	s24 =	sld [smem:$0x3FFE];
	[sflag:s23] =	ssyncadd.s32 $0xFFFFFFFF  }
0xa5: {  	s26 =	simm.s32 $execute0_lowered;
	[smem:$0x3FD2] =	sst s25  }
0xa6: {  	s5 =	sshll.u32 s26, $0x1;
	_ =	strace $0x80000046;
	[dreg:$0x1] =	wrdreg $0xFFFFFFFF  }
0xa7: {  	s28 =	simm.s32 $_size_execute0_lowered;
	s3 =	sadd.s32 s3, s5;
	[dreg:$0x0] =	wrdreg $0x0  }
0xa8: {  	s5 =	sshll.u32 s28, $0x1;
	[dreg:$0x2] =	wrdreg s3  }
0xa9: {  	[dreg:$0x3] =	wrdreg s5  }
0xaa: {  	[dreg:$0x4] =	wrdreg $0xC0  }
0xab: {  	_ =	task [dreg:s7], $0x5FFFF  }
0xac: {  	[dreg:$0x1] =	wrdreg $0xFFFFFFFF  }
0xad: {  	[dreg:$0x0] =	wrdreg $0x60  }
0xae: {  	[dreg:$0x2] =	wrdreg s2  }
0xaf: {  	[dreg:$0x3] =	wrdreg s24  }
0xb0: {  	[dreg:$0x4] =	wrdreg $0x9  }
0xb1: {  	_ =	task.clear_ibuf [dreg:s7], $0x5FFFF;
	_ =	strace $0x90000046  }
0xb2: {  	s29 =	simm.s32 $0x9;
	_ =	strace $0x80000048  }
0xb3: {  	_ =	swait.ge [sflag:s29], $0x1  }
0xb4: {  	[sflag:s29] =	ssyncadd.s32 $0xFFFFFFFF  }
0xb5: {  	_ =	strace $0x90000048  }
0xb6: {  	_ =	sfence  }
0xb7: {  	s30 =	sld [smem:$0x0];
	_ =	sdelay $0x2  }
0xb8: {  	s31 =	sshll.u32 s1, $0xD;
	s1 =	sshrl.u32 s1, $0x2  }
0xb9: {  	s3 =	sand.u32 $0x4000, s31;
	s1 =	sadd.s32 s1, s30  }
0xba: {  	s0 =	sor.u32 s3, s0;
	s1 =	sshll.u32 s1, $0x11  }
0xbb: {  	s0 =	sor.u32 s1, s0  }
0xbc: {  	s0 =	sadd.s32 $0x8F2B, s0  }
0xbd: {  	[sflag:s0] =	ssyncadd.remote.s32 $0x1  }
0xbe: {  	_ =	sfence.sel $0xFFFF  }
0xbf: {  	[dreg:$0x0] =	wrdreg $0xFFFFFFFF;
	(pc) =	sbr.abs _section_cstart, $3  }
0xc0: {  	[dreg:$0x1] =	wrdreg $0xFFFFFFFF  }
0xc1: {  	_ =	task.clear_ibuf [dreg:s7], $0x2FFFF;
	_ =	strace $0x9FFFFFFF  }
0xc2: {  	(tm) =	ssettm $0x7FFFFFFF  }
0xc3: {  	_ =	shalt  }
tec
execute0_lowered:
.L_overlay_start_1:
0x0: {  	(tag) =	ssettag $0x1  }
0x1: {  	s3 =	rddreg [dreg:$0x0];
	s1 =	srdreg.scid  }
0x2: {  	s0 =	stileid.u32;
	s4 =	rddreg [dreg:$0x1];
	s9 =	simm.s32 $0x2700  }
0x3: {  	s10 =	simm.s32 $0x400;
	s11 =	simm.s32 $0x0;
	s5 =	sand.u32 $0x1, s1  }
0x4: {  	s2 =	sshll.u32 s0, $0x1;
	s1 =	rddreg [dreg:$0x2];
	s7 =	sshrl.u32 s0, $0x2  }
0x5: {  	s6 =	sor.u32 s5, s2;
	s2 =	simm.s32 $0x0;
	s7 =	smul.u32 $0x13800, s7  }
0x6: {  	s5 =	ssub.s32 $0x2, s5;
	s8 =	sshll.u32 s6, $0x7;
	[smem:$0x7FF] =	sst s2  }
0x7: {  	s6 =	smul.u32 $0x9C0, s6;
	s31 =	sshrl.u32 s5, $0x1;
	s8 =	sand.u32 $0x380, s8  }
0x8: {  	_ =	strace $0x80000047;
	s5 =	ssub.s32 s5, s31;
	s7 =	sor.u32 s7, s8  }
0x9: {  	s3 =	sadd.s32 s6, s3;
	s5 =	smax.u32 s5, $0x1;
	s7 =	sshrl.u32 s7, $0x3  }
0xa: {  	s6 =	simm.s32 $0x80;
	s8 =	simm.s32 $0x1;
	s4 =	sadd.s32 s7, s4  }
0xb: {  	v0 =	vimm.f32 $0.0e+00;
	s3 =	sadd.s32 $0x10, s3;
	s7 =	simm.s32 $0x100;
	s4 =	sadd.s32 $0x3E00, s4  }
.LBB2_1:
0xc: {  	[tilespmem:s2], [sflag:$0x1] =	stream.strided.gather [hbm4b:s3+s6], $0x2700, s7, s6, $0x38;
	[tilespmem:$0x4E00] =	vst v63  }
0xd: {  	_ =	swait.ge [sflag:s8], $0x2700  }
0xe: {  	[sflag:s8] =	ssyncset.done $0x0  }
0xf: {  	s12 =	simm.s32 $0x0;
	s13 =	simm.s32 $0x200;
	[sflag:s8] =	ssyncadd.s32 $0xFFFFD900  }
.LBB2_2:
0x10: {  	p0 =	sne.s32 s13, $0x9A00;
	[tilespmem:s12+$0x2770] =	vst v0  }
0x11: {  	[tilespmem:s12+$0x2700] =	vst v0  }
0x12: {  	[tilespmem:s12+$0x2710] =	vst v0  }
.Ltmp0:
0x13: {  	[tilespmem:s12+$0x2720] =	vst v0;
	(pc) =	sbr.rel @p0 .LBB2_2-.Ltmp0, $4  }
0x14: {  	[tilespmem:s12+$0x2730] =	vst v0  }
0x15: {  	[tilespmem:s12+$0x2740] =	vst v0  }
0x16: {  	[tilespmem:s12+$0x2750] =	vst v0  }
0x17: {  	[tilespmem:s12+$0x2760] =	vst v0;
	s12 =	sshra.s32 s13, $0x2;
	s13 =	sadd.s32 $0x200, s13  }
0x18: {  	[tilespmem:s12+$0x2770] =	vst v0  }
0x19: {  	[tilespmem:s12+$0x2700] =	vst v0  }
0x1a: {  	[tilespmem:s12+$0x2710] =	vst v0  }
0x1b: {  	[tilespmem:s12+$0x2720] =	vst v0  }
0x1c: {  	[tilespmem:s12+$0x2730] =	vst v0  }
0x1d: {  	[tilespmem:s12+$0x2740] =	vst v0  }
0x1e: {  	[tilespmem:s12+$0x2750] =	vst v0  }
0x1f: {  	[tilespmem:s12+$0x2760] =	vst v0;
	s12 =	simm.s32 $0x0  }
.LBB2_4:
0x20: {  	s13 =	sshra.s32 s12, $0x2  }
0x21: {  	v1 =	vld [tilespmem:s13+$0x0];
	_ =	sdelay $0x4  }
0x22: {  	(xrf1) =	vunique.msk.u32 $0xffff, v1;
	_ =	sdelay $0xd  }
0x23: {  	_, v2, vm0 =	vpop (xrf1);
	_ =	sdelay $0x3  }
0x24: {  	v2 =	vcvt.s32.f32 v2;
	_ =	sdelay $0x1  }
0x25: {  	[tilespmem:v1+s9+$0x0] =	vst.idx.add.f32.msk vm0, v2  }
0x26: {  	v1 =	vld [tilespmem:s13+$0x10];
	_ =	sdelay $0x4  }
0x27: {  	(xrf1) =	vunique.msk.u32 $0xffff, v1;
	_ =	sdelay $0xd  }
0x28: {  	_, v2, vm0 =	vpop (xrf1);
	_ =	sdelay $0x3  }
0x29: {  	v2 =	vcvt.s32.f32 v2;
	_ =	sdelay $0x1  }
0x2a: {  	[tilespmem:v1+s9+$0x0] =	vst.idx.add.f32.msk vm0, v2  }
0x2b: {  	v1 =	vld [tilespmem:s13+$0x20];
	_ =	sdelay $0x4  }
0x2c: {  	(xrf1) =	vunique.msk.u32 $0xffff, v1;
	_ =	sdelay $0xd  }
0x2d: {  	_, v2, vm0 =	vpop (xrf1);
	_ =	sdelay $0x3  }
0x2e: {  	v2 =	vcvt.s32.f32 v2;
	_ =	sdelay $0x1  }
0x2f: {  	[tilespmem:v1+s9+$0x0] =	vst.idx.add.f32.msk vm0, v2  }
0x30: {  	v1 =	vld [tilespmem:s13+$0x30];
	_ =	sdelay $0x4  }
0x31: {  	(xrf1) =	vunique.msk.u32 $0xffff, v1;
	_ =	sdelay $0xd  }
0x32: {  	_, v2, vm0 =	vpop (xrf1)  }
0x33: {  	p0 =	sne.s32 s12, $0x9B00  }
.Ltmp1:
0x34: {  	_ = 	snop;
	(pc) =	sbr.rel @p0 .LBB2_4-.Ltmp1, $3  }
0x35: {  	_ = 	snop  }
0x36: {  	v2 =	vcvt.s32.f32 v2;
	_ =	sdelay $0x1  }
0x37: {  	s12 =	sadd.s32 $0x100, s12;
	[tilespmem:v1+s9+$0x0] =	vst.idx.add.f32.msk vm0, v2  }
0x38: {  	s11 =	sadd.s32 $0x1, s11  }
0x39: {  	p0 =	sne.s32 s11, s5  }
.Ltmp2:
0x3a: {  	_ = 	snop;
	(pc) =	sbr.rel @p0 .LBB2_1-.Ltmp2, $4  }
0x3b: {  	[hbm4b:s4+s6] =	stream.strided.scatter [tilespmem:s9], [sflag:$0x1], $0x2700, s10, s6, $0x38;
	[tilespmem:$0x4E00] =	vst v63  }
0x3c: {  	_ =	swait.ge [sflag:s8], $0x2700  }
0x3d: {  	[sflag:s8] =	ssyncset.done $0x0  }
0x3e: {  	[sflag:s8] =	ssyncadd.s32 $0xFFFFD900  }
0x3f: {  	_ =	sfence.sel $0x180000  }
0x40: {  	[bflag:$0x0] =	sbarrier.arrive $0xFFFF  }
0x41: {  	p0 =	sne.s32 s0, $0x0;
	_ =	strace $0x90000047  }
0x42: {  	s0 =	sadd.s32 @!p0 $0x100000, s1;
	[bflag:$0x2] =	sbarrier.arrive $0xFFFF  }
0x43: {  	[sflag:s0] =	ssyncadd.tile.s32 @!p0 $0x1;
	_ =	shalt  }
.Lfunc_end2:
_tile_overlayer_lowered:
.L_overlay_start_2:
0x44: {  	(tag) =	ssettag $0x2  }
0x45: {  	s0 =	rddreg [dreg:$0x0];
	s2 =	stileid.u32  }
0x46: {  	s1 =	rddreg [dreg:$0x1];
	p0 =	sne.s32 s2, $0x0  }
0x47: {  	s3 =	rddreg [dreg:$0x2];
	[bflag:$0x3] =	sbarrier.arrive $0xFFFF;
	s2 =	simm.s32 @!p0 $0x1C01  }
0x48: {  	[timem:s3], [sflag:s2] =	dma.local @!p0 [hbm:s0], s1  }
0x49: {  	s0 =	simm.s32 @!p0 $0x1  }
0x4a: {  	_ =	swait.ge @!p0 [sflag:s0], s1  }
0x4b: {  	s1 =	ssub.s32 @!p0 $0x0, s1;
	[sflag:s0] =	ssyncset.done @!p0 $0x0  }
0x4c: {  	[sflag:s0] =	ssyncadd.s32 @!p0 s1  }
0x4d: {  	[bflag:$0x3] =	sbarrier.arrive $0xFFFF  }
0x4e: {  	_ =	shalt  }

</sc_bundles>
